<compile_context>
chip_gen: v7x
topology: tpu7x:2x2x1
jax: 0.10.2.dev20260603
libtpu: 0.0.44.dev20260713+nightly
codegen_flags: <defaults>
</compile_context>

<pallas_src>
import jax
import jax.numpy as jnp
from jax import lax
from jax.experimental import pallas as pl
from jax.experimental.pallas import tpu as pltpu
from jax.experimental.pallas import tpu_sc as plsc

_VOCAB = 500
_DEC = 512
_MAXLEN = 512
_B = 16
_VP = 512
_N1 = _B * (_MAXLEN + 1) * _VOCAB
_N2 = _B * (_MAXLEN + 1) * _DEC
_NC = 1
_NW = _NC * 16
_NR = _MAXLEN // _NW // 8


def _pair_table_body(e_ref, wl_ref, wd_ref, out_ref):
    zpad = jnp.zeros((_VP - _VOCAB, _DEC), jnp.float32)
    e = jnp.concatenate([e_ref[...], zpad], axis=0)
    wl = jnp.concatenate([wl_ref[...], zpad], axis=0)
    wd = wd_ref[...]
    gram = (((0,), (0,)), ((), ()))
    a = (lax.dot_general(wl, wl, gram, preferred_element_type=jnp.float32)
         * (1.0 / _N1)
         + lax.dot_general(wd, wd, gram, preferred_element_type=jnp.float32)
         * (1.0 / _N2))
    t = lax.dot_general(e, a, (((1,), (0,)), ((), ())),
                        preferred_element_type=jnp.float32)
    k = lax.dot_general(t, e, (((1,), (1,)), ((), ())),
                        preferred_element_type=jnp.float32)
    rr = lax.broadcasted_iota(jnp.int32, (_VP, _VP), 0)
    cc = lax.broadcasted_iota(jnp.int32, (_VP, _VP), 1)
    kdiag = jnp.where(rr == cc, k, 0.0)
    dcol = jnp.sum(kdiag, axis=1, keepdims=True)
    drow = jnp.sum(kdiag, axis=0, keepdims=True)
    out_ref[...] = dcol + drow - 2.0 * k


def _pair_table(e, wl, wd):
    return pl.pallas_call(
        _pair_table_body,
        out_shape=jax.ShapeDtypeStruct((_VP, _VP), jnp.float32),
    )(e, wl, wd)


def _sc_body(xf, yf, xrs, yrs, ltab, out,
             xrs_v, yrs_v, xidx, yidx, xtok, ytok, pidx, vals, accv,
             sem_rs, sem_t, sem_v):
    c = lax.axis_index("c")
    s = lax.axis_index("s")
    wid = s * _NC + c
    j0 = wid * (_NR * 8)
    rs_cps = [pltpu.async_copy(xrs, xrs_v, sem_rs),
              pltpu.async_copy(yrs, yrs_v, sem_rs)]
    for cp in rs_cps:
        cp.wait()
    xs_v = xrs_v[pl.ds(0, 16)]
    lx_v = xrs_v[pl.ds(1, 16)] - xs_v
    ys_v = yrs_v[pl.ds(0, 16)]
    ly_v = yrs_v[pl.ds(1, 16)] - ys_v
    tx = xf.shape[0]
    ty = yf.shape[0]
    tok_cps = []
    for r in range(_NR):
        for i in range(8):
            j = j0 + r * 8 + i
            xidx[r, pl.ds(i * 16, 16)] = jnp.clip(xs_v + j, 0, tx - 1)
            yidx[r, pl.ds(i * 16, 16)] = jnp.clip(ys_v + j, 0, ty - 1)
        tok_cps.append(
            (pltpu.async_copy(xf.at[xidx.at[r]], xtok.at[r], sem_t.at[r]),
             pltpu.async_copy(yf.at[yidx.at[r]], ytok.at[r], sem_t.at[r])))
    val_cps = []
    for r in range(_NR):
        for cp in tok_cps[r]:
            cp.wait()
        for i in range(8):
            j = j0 + r * 8 + i
            xv = jnp.where(j < lx_v, xtok[r, pl.ds(i * 16, 16)], 0)
            yv = jnp.where(j < ly_v, ytok[r, pl.ds(i * 16, 16)], 0)
            pidx[r, pl.ds(i * 16, 16)] = xv * _VP + yv
        val_cps.append(
            pltpu.async_copy(ltab.at[pidx.at[r]], vals.at[r], sem_v.at[r]))
    acc = jnp.zeros((16,), jnp.float32)
    for r in range(_NR):
        val_cps[r].wait()
        for i in range(8):
            acc = acc + vals[r, pl.ds(i * 16, 16)]
    accv[...] = acc
    pltpu.sync_copy(accv, out.at[wid])


def _sc_pair_sum(x_flat, y_flat, xrs, yrs, ltab_flat):
    mesh = plsc.VectorSubcoreMesh(core_axis_name="c", subcore_axis_name="s",
                                  num_cores=_NC)
    fn = pl.kernel(
        _sc_body,
        mesh=mesh,
        out_type=jax.ShapeDtypeStruct((_NW, 16), jnp.float32),
        scratch_types=[
            pltpu.VMEM((17,), jnp.int32),
            pltpu.VMEM((17,), jnp.int32),
            pltpu.VMEM((_NR, 128), jnp.int32),
            pltpu.VMEM((_NR, 128), jnp.int32),
            pltpu.VMEM((_NR, 128), jnp.int32),
            pltpu.VMEM((_NR, 128), jnp.int32),
            pltpu.VMEM((_NR, 128), jnp.int32),
            pltpu.VMEM((_NR, 128), jnp.float32),
            pltpu.VMEM((16,), jnp.float32),
            pltpu.SemaphoreType.DMA,
            pltpu.SemaphoreType.DMA((_NR,)),
            pltpu.SemaphoreType.DMA((_NR,)),
        ],
    )
    return fn(x_flat, y_flat, xrs, yrs, ltab_flat)


def kernel(x_flat, x_row_splits, y_flat, y_row_splits,
           embed, W_lm, b_lm, W_dp, b_dp):
    del b_lm, b_dp
    ltab = _pair_table(embed.astype(jnp.float32), W_lm.astype(jnp.float32),
                       W_dp.astype(jnp.float32))
    parts = _sc_pair_sum(x_flat.astype(jnp.int32), y_flat.astype(jnp.int32),
                         x_row_splits.astype(jnp.int32),
                         y_row_splits.astype(jnp.int32),
                         ltab.reshape(_VP * _VP))
    return jnp.sum(parts)

# --- scband reference (transcript-rebuilt; emitter-appended) ---
"""Pipeline reference for scband-transducer-77884936945760 (READ-ONLY COPY).

The authoritative reference and input builder live on the scoring server;
editing this copy changes nothing except your own understanding.
"""

import jax, jax.numpy as jnp
import numpy as np

VOCAB = 500
DEC_DIM = 512
JOIN_DIM = 512
MAX_LEN = 512
B = 16
BLANK = 0


def _make_ragged(rng, batch, max_len, vocab):
    lengths = rng.integers(1, max_len + 1, size=batch)
    row_splits = np.concatenate([[0], np.cumsum(lengths)]).astype(np.int32)
    total = int(row_splits[-1])
    flat = rng.integers(1, vocab, size=total).astype(np.int64)
    return jnp.asarray(flat), jnp.asarray(row_splits)


def setup_inputs(seed: int = 0) -> dict:
    rng = np.random.default_rng(0)
    x_flat, x_row_splits = _make_ragged(rng, B, MAX_LEN, VOCAB)
    y_flat, y_row_splits = _make_ragged(rng, B, MAX_LEN, VOCAB)
    key = jax.random.key(seed)
    k1, k2, k3 = jax.random.split(key, 3)
    embed = jax.random.normal(k1, (VOCAB, DEC_DIM), dtype=jnp.float32) * 0.02
    W_lm = jax.random.normal(k2, (VOCAB, DEC_DIM), dtype=jnp.float32) * 0.02
    b_lm = jnp.zeros((VOCAB,), dtype=jnp.float32)
    W_dp = jax.random.normal(k3, (JOIN_DIM, DEC_DIM), dtype=jnp.float32) * 0.02
    b_dp = jnp.zeros((JOIN_DIM,), dtype=jnp.float32)
    return {
        "x_flat": x_flat,
        "x_row_splits": x_row_splits,
        "y_flat": y_flat,
        "y_row_splits": y_row_splits,
        "embed": embed,
        "W_lm": W_lm,
        "b_lm": b_lm,
        "W_dp": W_dp,
        "b_dp": b_dp,
    }


def _pad_with_sos(flat, row_splits, max_len, blank):
    # add_sos on the ragged tensor followed by pad(mode='constant', padding_value=blank)
    nb = row_splits.shape[0] - 1
    starts = row_splits[:-1]
    lengths = row_splits[1:] - starts
    pos = jnp.arange(max_len)[None, :]
    idx = jnp.clip(starts[:, None] + pos, 0, flat.shape[0] - 1)
    gathered = jnp.take(flat, idx, axis=0)
    mask = pos < lengths[:, None]
    padded = jnp.where(mask, gathered, jnp.asarray(blank, dtype=flat.dtype))
    sos = jnp.full((nb, 1), blank, dtype=flat.dtype)
    return jnp.concatenate([sos, padded], axis=1)


def reference(x_flat, x_row_splits, y_flat, y_row_splits, embed, W_lm, b_lm, W_dp, b_dp):
    # ---- torch.no_grad() branch (y) ----
    sos_y_padded = _pad_with_sos(y_flat, y_row_splits, MAX_LEN, BLANK)
    decoder_out_y = jnp.take(embed, sos_y_padded, axis=0)            # decoder: (N, U+1, decoder_dim)
    lm_y = decoder_out_y @ W_lm.T + b_lm                              # simple_lm_proj
    prune_lm_y = decoder_out_y @ W_dp.T + b_dp                        # joiner.decoder_proj
    lm_y = jax.lax.stop_gradient(lm_y)
    prune_lm_y = jax.lax.stop_gradient(prune_lm_y)
    # ---- grad branch (x) ----
    sos_x_padded = _pad_with_sos(x_flat, x_row_splits, MAX_LEN, BLANK)
    decoder_out = jnp.take(embed, sos_x_padded, axis=0)
    lm = decoder_out @ W_lm.T + b_lm
    prune_lm = decoder_out @ W_dp.T + b_dp
    loss = jnp.mean((lm - lm_y) ** 2)
    loss = loss + jnp.mean((prune_lm - prune_lm_y) ** 2)
    return loss

if __name__ == "__main__":
    import jax
    _d = setup_inputs()
    print(jax.jit(kernel)(*tuple(_d.values())))

</pallas_src>

<mosaic_0001>
#map = affine_map<(d0, d1) -> (0)>
#map1 = affine_map<(d0, d1) -> (0, 0)>
module attributes {stable_mosaic.version = 14 : i64} {
  func.func @_sc_body(%arg0: i32, %arg1: i32, %arg2: memref<4140xi32, #tpu.memory_space<hbm>>, %arg3: memref<4339xi32, #tpu.memory_space<hbm>>, %arg4: memref<17xi32, #tpu.memory_space<hbm>>, %arg5: memref<17xi32, #tpu.memory_space<hbm>>, %arg6: memref<262144xf32, #tpu.memory_space<hbm>>, %arg7: memref<16x16xf32, #tpu.memory_space<hbm>>, %arg8: memref<17xi32, #tpu.memory_space<vmem>>, %arg9: memref<17xi32, #tpu.memory_space<vmem>>, %arg10: memref<4x128xi32, #tpu.memory_space<vmem>>, %arg11: memref<4x128xi32, #tpu.memory_space<vmem>>, %arg12: memref<4x128xi32, #tpu.memory_space<vmem>>, %arg13: memref<4x128xi32, #tpu.memory_space<vmem>>, %arg14: memref<4x128xi32, #tpu.memory_space<vmem>>, %arg15: memref<4x128xf32, #tpu.memory_space<vmem>>, %arg16: memref<16xf32, #tpu.memory_space<vmem>>, %arg17: memref<!tpu.dma_semaphore, #tpu.memory_space<semaphore_mem>>, %arg18: memref<4x!tpu.dma_semaphore, #tpu.memory_space<semaphore_mem>>, %arg19: memref<4x!tpu.dma_semaphore, #tpu.memory_space<semaphore_mem>>) attributes {dimension_semantics = [#tpu.dimension_semantics<core_parallel>, #tpu.dimension_semantics<subcore_parallel>], iteration_bounds = array<i64: 1, 16>, scalar_prefetch = 0 : i64, scratch_operands = 12 : i64, tpu.core_type = #tpu.core_type<sc_vector_subcore>, window_params = [{transform_indices = #map}, {transform_indices = #map}, {transform_indices = #map}, {transform_indices = #map}, {transform_indices = #map}, {transform_indices = #map1}]} {
    %mul3A = arith.constant 1 : i32
    %mul3A_0 = arith.muli %arg1, %mul3A : i32
    %add3A = arith.addi %mul3A_0, %arg0 : i32
    %mul3A_1 = arith.constant 32 : i32
    %mul3A_2 = arith.muli %add3A, %mul3A_1 : i32
    tpu.enqueue_dma source(%arg4 : memref<17xi32, #tpu.memory_space<hbm>>) target(%arg8 : memref<17xi32, #tpu.memory_space<vmem>>) target_semaphore(%arg17 : memref<!tpu.dma_semaphore, #tpu.memory_space<semaphore_mem>>)
    tpu.enqueue_dma source(%arg5 : memref<17xi32, #tpu.memory_space<hbm>>) target(%arg9 : memref<17xi32, #tpu.memory_space<vmem>>) target_semaphore(%arg17 : memref<!tpu.dma_semaphore, #tpu.memory_space<semaphore_mem>>)
    tpu.wait_dma2 semaphore(%arg17 : memref<!tpu.dma_semaphore, #tpu.memory_space<semaphore_mem>>) src(%arg4 : memref<17xi32, #tpu.memory_space<hbm>>) dst(%arg8 : memref<17xi32, #tpu.memory_space<vmem>>)
    tpu.wait_dma2 semaphore(%arg17 : memref<!tpu.dma_semaphore, #tpu.memory_space<semaphore_mem>>) src(%arg5 : memref<17xi32, #tpu.memory_space<hbm>>) dst(%arg9 : memref<17xi32, #tpu.memory_space<vmem>>)
    %get3A = arith.constant 0 : index
    %get3A_3 = tpu.vector_load %arg8[%get3A] {strides = array<i32>} : memref<17xi32, #tpu.memory_space<vmem>>, vector<16xi32>,
    %get3A_4 = vector.shape_cast %get3A_3 : vector<16xi32> to vector<16xi32>
    %get3A_5 = arith.constant 1 : index
    %get3A_6 = tpu.vector_load %arg8[%get3A_5] {strides = array<i32>} : memref<17xi32, #tpu.memory_space<vmem>>, vector<16xi32>,
    %get3A_7 = vector.shape_cast %get3A_6 : vector<16xi32> to vector<16xi32>
    %sub3A = arith.subi %get3A_7, %get3A_4 : vector<16xi32>
    %get3A_8 = arith.constant 0 : index
    %get3A_9 = tpu.vector_load %arg9[%get3A_8] {strides = array<i32>} : memref<17xi32, #tpu.memory_space<vmem>>, vector<16xi32>,
    %get3A_10 = vector.shape_cast %get3A_9 : vector<16xi32> to vector<16xi32>
    %get3A_11 = arith.constant 1 : index
    %get3A_12 = tpu.vector_load %arg9[%get3A_11] {strides = array<i32>} : memref<17xi32, #tpu.memory_space<vmem>>, vector<16xi32>,
    %get3A_13 = vector.shape_cast %get3A_12 : vector<16xi32> to vector<16xi32>
    %sub3A_14 = arith.subi %get3A_13, %get3A_10 : vector<16xi32>
    %add3A_15 = arith.constant 0 : i32
    %add3A_16 = arith.addi %mul3A_2, %add3A_15 : i32
    %add3A_17 = arith.constant 0 : i32
    %add3A_18 = arith.addi %add3A_16, %add3A_17 : i32
    %add3A_19 = vector.broadcast %add3A_18 : i32 to vector<16xi32>
    %add3A_20 = arith.addi %get3A_4, %add3A_19 : vector<16xi32>
    %jit3A = arith.constant 0 : i32
    %jit3A_21 = arith.constant 4139 : i32
    %max3A = vector.broadcast %jit3A : i32 to vector<16xi32>
    %max3A_22 = arith.maxsi %max3A, %add3A_20 : vector<16xi32>
    %min3A = vector.broadcast %jit3A_21 : i32 to vector<16xi32>
    %min3A_23 = arith.minsi %min3A, %max3A_22 : vector<16xi32>
    %swap3A = arith.constant 0 : i32
    %swap3A_24 = arith.index_cast %swap3A : i32 to index
    %swap3A_25 = arith.constant 0 : index
    %swap3A_26 = tpu.vector_load %arg10[%swap3A_24, %swap3A_25] {strides = array<i32>} : memref<4x128xi32, #tpu.memory_space<vmem>>, vector<1x16xi32>,
    %swap3A_27 = vector.shape_cast %swap3A_26 : vector<1x16xi32> to vector<16xi32>
    %swap3A_28 = vector.shape_cast %min3A_23 : vector<16xi32> to vector<1x16xi32>
    tpu.vector_store %arg10[%swap3A_24, %swap3A_25], %swap3A_28 {strides = array<i32>} : memref<4x128xi32, #tpu.memory_space<vmem>>, vector<1x16xi32>,
    %add3A_29 = vector.broadcast %add3A_18 : i32 to vector<16xi32>
    %add3A_30 = arith.addi %get3A_10, %add3A_29 : vector<16xi32>
    %jit3A_31 = arith.constant 0 : i32
    %jit3A_32 = arith.constant 4338 : i32
    %max3A_33 = vector.broadcast %jit3A_31 : i32 to vector<16xi32>
    %max3A_34 = arith.maxsi %max3A_33, %add3A_30 : vector<16xi32>
    %min3A_35 = vector.broadcast %jit3A_32 : i32 to vector<16xi32>
    %min3A_36 = arith.minsi %min3A_35, %max3A_34 : vector<16xi32>
    %swap3A_37 = arith.constant 0 : i32
    %swap3A_38 = arith.index_cast %swap3A_37 : i32 to index
    %swap3A_39 = arith.constant 0 : index
    %swap3A_40 = tpu.vector_load %arg11[%swap3A_38, %swap3A_39] {strides = array<i32>} : memref<4x128xi32, #tpu.memory_space<vmem>>, vector<1x16xi32>,
    %swap3A_41 = vector.shape_cast %swap3A_40 : vector<1x16xi32> to vector<16xi32>
    %swap3A_42 = vector.shape_cast %min3A_36 : vector<16xi32> to vector<1x16xi32>
    tpu.vector_store %arg11[%swap3A_38, %swap3A_39], %swap3A_42 {strides = array<i32>} : memref<4x128xi32, #tpu.memory_space<vmem>>, vector<1x16xi32>,
    %add3A_43 = arith.constant 0 : i32
    %add3A_44 = arith.addi %mul3A_2, %add3A_43 : i32
    %add3A_45 = arith.constant 1 : i32
    %add3A_46 = arith.addi %add3A_44, %add3A_45 : i32
    %add3A_47 = vector.broadcast %add3A_46 : i32 to vector<16xi32>
    %add3A_48 = arith.addi %get3A_4, %add3A_47 : vector<16xi32>
    %jit3A_49 = arith.constant 0 : i32
    %jit3A_50 = arith.constant 4139 : i32
    %max3A_51 = vector.broadcast %jit3A_49 : i32 to vector<16xi32>
    %max3A_52 = arith.maxsi %max3A_51, %add3A_48 : vector<16xi32>
    %min3A_53 = vector.broadcast %jit3A_50 : i32 to vector<16xi32>
    %min3A_54 = arith.minsi %min3A_53, %max3A_52 : vector<16xi32>
    %swap3A_55 = arith.constant 0 : i32
    %swap3A_56 = arith.index_cast %swap3A_55 : i32 to index
    %swap3A_57 = arith.constant 16 : index
    %swap3A_58 = tpu.vector_load %arg10[%swap3A_56, %swap3A_57] {strides = array<i32>} : memref<4x128xi32, #tpu.memory_space<vmem>>, vector<1x16xi32>,
    %swap3A_59 = vector.shape_cast %swap3A_58 : vector<1x16xi32> to vector<16xi32>
    %swap3A_60 = vector.shape_cast %min3A_54 : vector<16xi32> to vector<1x16xi32>
    tpu.vector_store %arg10[%swap3A_56, %swap3A_57], %swap3A_60 {strides = array<i32>} : memref<4x128xi32, #tpu.memory_space<vmem>>, vector<1x16xi32>,
    %add3A_61 = vector.broadcast %add3A_46 : i32 to vector<16xi32>
    %add3A_62 = arith.addi %get3A_10, %add3A_61 : vector<16xi32>
    %jit3A_63 = arith.constant 0 : i32
    %jit3A_64 = arith.constant 4338 : i32
    %max3A_65 = vector.broadcast %jit3A_63 : i32 to vector<16xi32>
    %max3A_66 = arith.maxsi %max3A_65, %add3A_62 : vector<16xi32>
    %min3A_67 = vector.broadcast %jit3A_64 : i32 to vector<16xi32>
    %min3A_68 = arith.minsi %min3A_67, %max3A_66 : vector<16xi32>
    %swap3A_69 = arith.constant 0 : i32
    %swap3A_70 = arith.index_cast %swap3A_69 : i32 to index
    %swap3A_71 = arith.constant 16 : index
    %swap3A_72 = tpu.vector_load %arg11[%swap3A_70, %swap3A_71] {strides = array<i32>} : memref<4x128xi32, #tpu.memory_space<vmem>>, vector<1x16xi32>,
    %swap3A_73 = vector.shape_cast %swap3A_72 : vector<1x16xi32> to vector<16xi32>
    %swap3A_74 = vector.shape_cast %min3A_68 : vector<16xi32> to vector<1x16xi32>
    tpu.vector_store %arg11[%swap3A_70, %swap3A_71], %swap3A_74 {strides = array<i32>} : memref<4x128xi32, #tpu.memory_space<vmem>>, vector<1x16xi32>,
    %add3A_75 = arith.constant 0 : i32
    %add3A_76 = arith.addi %mul3A_2, %add3A_75 : i32
    %add3A_77 = arith.constant 2 : i32
    %add3A_78 = arith.addi %add3A_76, %add3A_77 : i32
    %add3A_79 = vector.broadcast %add3A_78 : i32 to vector<16xi32>
    %add3A_80 = arith.addi %get3A_4, %add3A_79 : vector<16xi32>
    %jit3A_81 = arith.constant 0 : i32
    %jit3A_82 = arith.constant 4139 : i32
    %max3A_83 = vector.broadcast %jit3A_81 : i32 to vector<16xi32>
    %max3A_84 = arith.maxsi %max3A_83, %add3A_80 : vector<16xi32>
    %min3A_85 = vector.broadcast %jit3A_82 : i32 to vector<16xi32>
    %min3A_86 = arith.minsi %min3A_85, %max3A_84 : vector<16xi32>
    %swap3A_87 = arith.constant 0 : i32
    %swap3A_88 = arith.index_cast %swap3A_87 : i32 to index
    %swap3A_89 = arith.constant 32 : index
    %swap3A_90 = tpu.vector_load %arg10[%swap3A_88, %swap3A_89] {strides = array<i32>} : memref<4x128xi32, #tpu.memory_space<vmem>>, vector<1x16xi32>,
    %swap3A_91 = vector.shape_cast %swap3A_90 : vector<1x16xi32> to vector<16xi32>
    %swap3A_92 = vector.shape_cast %min3A_86 : vector<16xi32> to vector<1x16xi32>
    tpu.vector_store %arg10[%swap3A_88, %swap3A_89], %swap3A_92 {strides = array<i32>} : memref<4x128xi32, #tpu.memory_space<vmem>>, vector<1x16xi32>,
    %add3A_93 = vector.broadcast %add3A_78 : i32 to vector<16xi32>
    %add3A_94 = arith.addi %get3A_10, %add3A_93 : vector<16xi32>
    %jit3A_95 = arith.constant 0 : i32
    %jit3A_96 = arith.constant 4338 : i32
    %max3A_97 = vector.broadcast %jit3A_95 : i32 to vector<16xi32>
    %max3A_98 = arith.maxsi %max3A_97, %add3A_94 : vector<16xi32>
    %min3A_99 = vector.broadcast %jit3A_96 : i32 to vector<16xi32>
    %min3A_100 = arith.minsi %min3A_99, %max3A_98 : vector<16xi32>
    %swap3A_101 = arith.constant 0 : i32
    %swap3A_102 = arith.index_cast %swap3A_101 : i32 to index
    %swap3A_103 = arith.constant 32 : index
    %swap3A_104 = tpu.vector_load %arg11[%swap3A_102, %swap3A_103] {strides = array<i32>} : memref<4x128xi32, #tpu.memory_space<vmem>>, vector<1x16xi32>,
    %swap3A_105 = vector.shape_cast %swap3A_104 : vector<1x16xi32> to vector<16xi32>
    %swap3A_106 = vector.shape_cast %min3A_100 : vector<16xi32> to vector<1x16xi32>
    tpu.vector_store %arg11[%swap3A_102, %swap3A_103], %swap3A_106 {strides = array<i32>} : memref<4x128xi32, #tpu.memory_space<vmem>>, vector<1x16xi32>,
    %add3A_107 = arith.constant 0 : i32
    %add3A_108 = arith.addi %mul3A_2, %add3A_107 : i32
    %add3A_109 = arith.constant 3 : i32
    %add3A_110 = arith.addi %add3A_108, %add3A_109 : i32
    %add3A_111 = vector.broadcast %add3A_110 : i32 to vector<16xi32>
    %add3A_112 = arith.addi %get3A_4, %add3A_111 : vector<16xi32>
    %jit3A_113 = arith.constant 0 : i32
    %jit3A_114 = arith.constant 4139 : i32
    %max3A_115 = vector.broadcast %jit3A_113 : i32 to vector<16xi32>
    %max3A_116 = arith.maxsi %max3A_115, %add3A_112 : vector<16xi32>
    %min3A_117 = vector.broadcast %jit3A_114 : i32 to vector<16xi32>
    %min3A_118 = arith.minsi %min3A_117, %max3A_116 : vector<16xi32>
    %swap3A_119 = arith.constant 0 : i32
    %swap3A_120 = arith.index_cast %swap3A_119 : i32 to index
    %swap3A_121 = arith.constant 48 : index
    %swap3A_122 = tpu.vector_load %arg10[%swap3A_120, %swap3A_121] {strides = array<i32>} : memref<4x128xi32, #tpu.memory_space<vmem>>, vector<1x16xi32>,
    %swap3A_123 = vector.shape_cast %swap3A_122 : vector<1x16xi32> to vector<16xi32>
    %swap3A_124 = vector.shape_cast %min3A_118 : vector<16xi32> to vector<1x16xi32>
    tpu.vector_store %arg10[%swap3A_120, %swap3A_121], %swap3A_124 {strides = array<i32>} : memref<4x128xi32, #tpu.memory_space<vmem>>, vector<1x16xi32>,
    %add3A_125 = vector.broadcast %add3A_110 : i32 to vector<16xi32>
    %add3A_126 = arith.addi %get3A_10, %add3A_125 : vector<16xi32>
    %jit3A_127 = arith.constant 0 : i32
    %jit3A_128 = arith.constant 4338 : i32
    %max3A_129 = vector.broadcast %jit3A_127 : i32 to vector<16xi32>
    %max3A_130 = arith.maxsi %max3A_129, %add3A_126 : vector<16xi32>
    %min3A_131 = vector.broadcast %jit3A_128 : i32 to vector<16xi32>
    %min3A_132 = arith.minsi %min3A_131, %max3A_130 : vector<16xi32>
    %swap3A_133 = arith.constant 0 : i32
    %swap3A_134 = arith.index_cast %swap3A_133 : i32 to index
    %swap3A_135 = arith.constant 48 : index
    %swap3A_136 = tpu.vector_load %arg11[%swap3A_134, %swap3A_135] {strides = array<i32>} : memref<4x128xi32, #tpu.memory_space<vmem>>, vector<1x16xi32>,
    %swap3A_137 = vector.shape_cast %swap3A_136 : vector<1x16xi32> to vector<16xi32>
    %swap3A_138 = vector.shape_cast %min3A_132 : vector<16xi32> to vector<1x16xi32>
    tpu.vector_store %arg11[%swap3A_134, %swap3A_135], %swap3A_138 {strides = array<i32>} : memref<4x128xi32, #tpu.memory_space<vmem>>, vector<1x16xi32>,
    %add3A_139 = arith.constant 0 : i32
    %add3A_140 = arith.addi %mul3A_2, %add3A_139 : i32
    %add3A_141 = arith.constant 4 : i32
    %add3A_142 = arith.addi %add3A_140, %add3A_141 : i32
    %add3A_143 = vector.broadcast %add3A_142 : i32 to vector<16xi32>
    %add3A_144 = arith.addi %get3A_4, %add3A_143 : vector<16xi32>
    %jit3A_145 = arith.constant 0 : i32
    %jit3A_146 = arith.constant 4139 : i32
    %max3A_147 = vector.broadcast %jit3A_145 : i32 to vector<16xi32>
    %max3A_148 = arith.maxsi %max3A_147, %add3A_144 : vector<16xi32>
    %min3A_149 = vector.broadcast %jit3A_146 : i32 to vector<16xi32>
    %min3A_150 = arith.minsi %min3A_149, %max3A_148 : vector<16xi32>
    %swap3A_151 = arith.constant 0 : i32
    %swap3A_152 = arith.index_cast %swap3A_151 : i32 to index
    %swap3A_153 = arith.constant 64 : index
    %swap3A_154 = tpu.vector_load %arg10[%swap3A_152, %swap3A_153] {strides = array<i32>} : memref<4x128xi32, #tpu.memory_space<vmem>>, vector<1x16xi32>,
    %swap3A_155 = vector.shape_cast %swap3A_154 : vector<1x16xi32> to vector<16xi32>
    %swap3A_156 = vector.shape_cast %min3A_150 : vector<16xi32> to vector<1x16xi32>
    tpu.vector_store %arg10[%swap3A_152, %swap3A_153], %swap3A_156 {strides = array<i32>} : memref<4x128xi32, #tpu.memory_space<vmem>>, vector<1x16xi32>,
    %add3A_157 = vector.broadcast %add3A_142 : i32 to vector<16xi32>
    %add3A_158 = arith.addi %get3A_10, %add3A_157 : vector<16xi32>
    %jit3A_159 = arith.constant 0 : i32
    %jit3A_160 = arith.constant 4338 : i32
    %max3A_161 = vector.broadcast %jit3A_159 : i32 to vector<16xi32>
    %max3A_162 = arith.maxsi %max3A_161, %add3A_158 : vector<16xi32>
    %min3A_163 = vector.broadcast %jit3A_160 : i32 to vector<16xi32>
    %min3A_164 = arith.minsi %min3A_163, %max3A_162 : vector<16xi32>
    %swap3A_165 = arith.constant 0 : i32
    %swap3A_166 = arith.index_cast %swap3A_165 : i32 to index
    %swap3A_167 = arith.constant 64 : index
    %swap3A_168 = tpu.vector_load %arg11[%swap3A_166, %swap3A_167] {strides = array<i32>} : memref<4x128xi32, #tpu.memory_space<vmem>>, vector<1x16xi32>,
    %swap3A_169 = vector.shape_cast %swap3A_168 : vector<1x16xi32> to vector<16xi32>
    %swap3A_170 = vector.shape_cast %min3A_164 : vector<16xi32> to vector<1x16xi32>
    tpu.vector_store %arg11[%swap3A_166, %swap3A_167], %swap3A_170 {strides = array<i32>} : memref<4x128xi32, #tpu.memory_space<vmem>>, vector<1x16xi32>,
    %add3A_171 = arith.constant 0 : i32
    %add3A_172 = arith.addi %mul3A_2, %add3A_171 : i32
    %add3A_173 = arith.constant 5 : i32
    %add3A_174 = arith.addi %add3A_172, %add3A_173 : i32
    %add3A_175 = vector.broadcast %add3A_174 : i32 to vector<16xi32>
    %add3A_176 = arith.addi %get3A_4, %add3A_175 : vector<16xi32>
    %jit3A_177 = arith.constant 0 : i32
    %jit3A_178 = arith.constant 4139 : i32
    %max3A_179 = vector.broadcast %jit3A_177 : i32 to vector<16xi32>
    %max3A_180 = arith.maxsi %max3A_179, %add3A_176 : vector<16xi32>
    %min3A_181 = vector.broadcast %jit3A_178 : i32 to vector<16xi32>
    %min3A_182 = arith.minsi %min3A_181, %max3A_180 : vector<16xi32>
    %swap3A_183 = arith.constant 0 : i32
    %swap3A_184 = arith.index_cast %swap3A_183 : i32 to index
    %swap3A_185 = arith.constant 80 : index
    %swap3A_186 = tpu.vector_load %arg10[%swap3A_184, %swap3A_185] {strides = array<i32>} : memref<4x128xi32, #tpu.memory_space<vmem>>, vector<1x16xi32>,
    %swap3A_187 = vector.shape_cast %swap3A_186 : vector<1x16xi32> to vector<16xi32>
    %swap3A_188 = vector.shape_cast %min3A_182 : vector<16xi32> to vector<1x16xi32>
    tpu.vector_store %arg10[%swap3A_184, %swap3A_185], %swap3A_188 {strides = array<i32>} : memref<4x128xi32, #tpu.memory_space<vmem>>, vector<1x16xi32>,
    %add3A_189 = vector.broadcast %add3A_174 : i32 to vector<16xi32>
    %add3A_190 = arith.addi %get3A_10, %add3A_189 : vector<16xi32>
    %jit3A_191 = arith.constant 0 : i32
    %jit3A_192 = arith.constant 4338 : i32
    %max3A_193 = vector.broadcast %jit3A_191 : i32 to vector<16xi32>
    %max3A_194 = arith.maxsi %max3A_193, %add3A_190 : vector<16xi32>
    %min3A_195 = vector.broadcast %jit3A_192 : i32 to vector<16xi32>
    %min3A_196 = arith.minsi %min3A_195, %max3A_194 : vector<16xi32>
    %swap3A_197 = arith.constant 0 : i32
    %swap3A_198 = arith.index_cast %swap3A_197 : i32 to index
    %swap3A_199 = arith.constant 80 : index
    %swap3A_200 = tpu.vector_load %arg11[%swap3A_198, %swap3A_199] {strides = array<i32>} : memref<4x128xi32, #tpu.memory_space<vmem>>, vector<1x16xi32>,
    %swap3A_201 = vector.shape_cast %swap3A_200 : vector<1x16xi32> to vector<16xi32>
    %swap3A_202 = vector.shape_cast %min3A_196 : vector<16xi32> to vector<1x16xi32>
    tpu.vector_store %arg11[%swap3A_198, %swap3A_199], %swap3A_202 {strides = array<i32>} : memref<4x128xi32, #tpu.memory_space<vmem>>, vector<1x16xi32>,
    %add3A_203 = arith.constant 0 : i32
    %add3A_204 = arith.addi %mul3A_2, %add3A_203 : i32
    %add3A_205 = arith.constant 6 : i32
    %add3A_206 = arith.addi %add3A_204, %add3A_205 : i32
    %add3A_207 = vector.broadcast %add3A_206 : i32 to vector<16xi32>
    %add3A_208 = arith.addi %get3A_4, %add3A_207 : vector<16xi32>
    %jit3A_209 = arith.constant 0 : i32
    %jit3A_210 = arith.constant 4139 : i32
    %max3A_211 = vector.broadcast %jit3A_209 : i32 to vector<16xi32>
    %max3A_212 = arith.maxsi %max3A_211, %add3A_208 : vector<16xi32>
    %min3A_213 = vector.broadcast %jit3A_210 : i32 to vector<16xi32>
    %min3A_214 = arith.minsi %min3A_213, %max3A_212 : vector<16xi32>
    %swap3A_215 = arith.constant 0 : i32
    %swap3A_216 = arith.index_cast %swap3A_215 : i32 to index
    %swap3A_217 = arith.constant 96 : index
    %swap3A_218 = tpu.vector_load %arg10[%swap3A_216, %swap3A_217] {strides = array<i32>} : memref<4x128xi32, #tpu.memory_space<vmem>>, vector<1x16xi32>,
    %swap3A_219 = vector.shape_cast %swap3A_218 : vector<1x16xi32> to vector<16xi32>
    %swap3A_220 = vector.shape_cast %min3A_214 : vector<16xi32> to vector<1x16xi32>
    tpu.vector_store %arg10[%swap3A_216, %swap3A_217], %swap3A_220 {strides = array<i32>} : memref<4x128xi32, #tpu.memory_space<vmem>>, vector<1x16xi32>,
    %add3A_221 = vector.broadcast %add3A_206 : i32 to vector<16xi32>
    %add3A_222 = arith.addi %get3A_10, %add3A_221 : vector<16xi32>
    %jit3A_223 = arith.constant 0 : i32
    %jit3A_224 = arith.constant 4338 : i32
    %max3A_225 = vector.broadcast %jit3A_223 : i32 to vector<16xi32>
    %max3A_226 = arith.maxsi %max3A_225, %add3A_222 : vector<16xi32>
    %min3A_227 = vector.broadcast %jit3A_224 : i32 to vector<16xi32>
    %min3A_228 = arith.minsi %min3A_227, %max3A_226 : vector<16xi32>
    %swap3A_229 = arith.constant 0 : i32
    %swap3A_230 = arith.index_cast %swap3A_229 : i32 to index
    %swap3A_231 = arith.constant 96 : index
    %swap3A_232 = tpu.vector_load %arg11[%swap3A_230, %swap3A_231] {strides = array<i32>} : memref<4x128xi32, #tpu.memory_space<vmem>>, vector<1x16xi32>,
    %swap3A_233 = vector.shape_cast %swap3A_232 : vector<1x16xi32> to vector<16xi32>
    %swap3A_234 = vector.shape_cast %min3A_228 : vector<16xi32> to vector<1x16xi32>
    tpu.vector_store %arg11[%swap3A_230, %swap3A_231], %swap3A_234 {strides = array<i32>} : memref<4x128xi32, #tpu.memory_space<vmem>>, vector<1x16xi32>,
    %add3A_235 = arith.constant 0 : i32
    %add3A_236 = arith.addi %mul3A_2, %add3A_235 : i32
    %add3A_237 = arith.constant 7 : i32
    %add3A_238 = arith.addi %add3A_236, %add3A_237 : i32
    %add3A_239 = vector.broadcast %add3A_238 : i32 to vector<16xi32>
    %add3A_240 = arith.addi %get3A_4, %add3A_239 : vector<16xi32>
    %jit3A_241 = arith.constant 0 : i32
    %jit3A_242 = arith.constant 4139 : i32
    %max3A_243 = vector.broadcast %jit3A_241 : i32 to vector<16xi32>
    %max3A_244 = arith.maxsi %max3A_243, %add3A_240 : vector<16xi32>
    %min3A_245 = vector.broadcast %jit3A_242 : i32 to vector<16xi32>
    %min3A_246 = arith.minsi %min3A_245, %max3A_244 : vector<16xi32>
    %swap3A_247 = arith.constant 0 : i32
    %swap3A_248 = arith.index_cast %swap3A_247 : i32 to index
    %swap3A_249 = arith.constant 112 : index
    %swap3A_250 = tpu.vector_load %arg10[%swap3A_248, %swap3A_249] {strides = array<i32>} : memref<4x128xi32, #tpu.memory_space<vmem>>, vector<1x16xi32>,
    %swap3A_251 = vector.shape_cast %swap3A_250 : vector<1x16xi32> to vector<16xi32>
    %swap3A_252 = vector.shape_cast %min3A_246 : vector<16xi32> to vector<1x16xi32>
    tpu.vector_store %arg10[%swap3A_248, %swap3A_249], %swap3A_252 {strides = array<i32>} : memref<4x128xi32, #tpu.memory_space<vmem>>, vector<1x16xi32>,
    %add3A_253 = vector.broadcast %add3A_238 : i32 to vector<16xi32>
    %add3A_254 = arith.addi %get3A_10, %add3A_253 : vector<16xi32>
    %jit3A_255 = arith.constant 0 : i32
    %jit3A_256 = arith.constant 4338 : i32
    %max3A_257 = vector.broadcast %jit3A_255 : i32 to vector<16xi32>
    %max3A_258 = arith.maxsi %max3A_257, %add3A_254 : vector<16xi32>
    %min3A_259 = vector.broadcast %jit3A_256 : i32 to vector<16xi32>
    %min3A_260 = arith.minsi %min3A_259, %max3A_258 : vector<16xi32>
    %swap3A_261 = arith.constant 0 : i32
    %swap3A_262 = arith.index_cast %swap3A_261 : i32 to index
    %swap3A_263 = arith.constant 112 : index
    %swap3A_264 = tpu.vector_load %arg11[%swap3A_262, %swap3A_263] {strides = array<i32>} : memref<4x128xi32, #tpu.memory_space<vmem>>, vector<1x16xi32>,
    %swap3A_265 = vector.shape_cast %swap3A_264 : vector<1x16xi32> to vector<16xi32>
    %swap3A_266 = vector.shape_cast %min3A_260 : vector<16xi32> to vector<1x16xi32>
    tpu.vector_store %arg11[%swap3A_262, %swap3A_263], %swap3A_266 {strides = array<i32>} : memref<4x128xi32, #tpu.memory_space<vmem>>, vector<1x16xi32>,
    %dma_start3A = arith.constant 0 : i32
    %dma_start3A_267 = arith.constant 0 : i32
    %dma_start3A_268 = arith.constant 0 : i32
    %dma_start3A_269 = arith.constant 0 : i32
    %dma_start3A_270 = tpu.memref_slice %arg12[%dma_start3A_267, %dma_start3A_269] : memref<4x128xi32, #tpu.memory_space<vmem>> -> memref<1x128xi32, #tpu.memory_space<vmem>>
    %dma_start3A_271 = tpu.memref_squeeze %dma_start3A_270 : memref<1x128xi32, #tpu.memory_space<vmem>> -> memref<128xi32, #tpu.memory_space<vmem>>
    %dma_start3A_272 = arith.constant 0 : i32
    %dma_start3A_273 = tpu.memref_slice %arg10[%dma_start3A, %dma_start3A_272] : memref<4x128xi32, #tpu.memory_space<vmem>> -> memref<1x128xi32, #tpu.memory_space<vmem>>
    %dma_start3A_274 = tpu.memref_squeeze %dma_start3A_273 : memref<1x128xi32, #tpu.memory_space<vmem>> -> memref<128xi32, #tpu.memory_space<vmem>>
    %dma_start3A_275 = arith.constant 0 : i32
    %dma_start3A_276 = tpu.memref_slice %arg2[%dma_start3A_275] : memref<4140xi32, #tpu.memory_space<hbm>> -> memref<4140xi32, #tpu.memory_space<hbm>>
    %dma_start3A_277 = tpu.memref_slice %arg18[%dma_start3A_268] : memref<4x!tpu.dma_semaphore, #tpu.memory_space<semaphore_mem>> -> memref<1x!tpu.dma_semaphore, #tpu.memory_space<semaphore_mem>>
    %dma_start3A_278 = tpu.memref_squeeze %dma_start3A_277 : memref<1x!tpu.dma_semaphore, #tpu.memory_space<semaphore_mem>> -> memref<!tpu.dma_semaphore, #tpu.memory_space<semaphore_mem>>
    tpu.enqueue_indirect_dma source(%dma_start3A_276 : memref<4140xi32, #tpu.memory_space<hbm>>) target(%dma_start3A_271 : memref<128xi32, #tpu.memory_space<vmem>>) offsets(%dma_start3A_274 : memref<128xi32, #tpu.memory_space<vmem>>) semaphore(%dma_start3A_278 : memref<!tpu.dma_semaphore, #tpu.memory_space<semaphore_mem>>)
    %dma_start3A_279 = arith.constant 0 : i32
    %dma_start3A_280 = arith.constant 0 : i32
    %dma_start3A_281 = arith.constant 0 : i32
    %dma_start3A_282 = arith.constant 0 : i32
    %dma_start3A_283 = tpu.memref_slice %arg13[%dma_start3A_280, %dma_start3A_282] : memref<4x128xi32, #tpu.memory_space<vmem>> -> memref<1x128xi32, #tpu.memory_space<vmem>>
    %dma_start3A_284 = tpu.memref_squeeze %dma_start3A_283 : memref<1x128xi32, #tpu.memory_space<vmem>> -> memref<128xi32, #tpu.memory_space<vmem>>
    %dma_start3A_285 = arith.constant 0 : i32
    %dma_start3A_286 = tpu.memref_slice %arg11[%dma_start3A_279, %dma_start3A_285] : memref<4x128xi32, #tpu.memory_space<vmem>> -> memref<1x128xi32, #tpu.memory_space<vmem>>
    %dma_start3A_287 = tpu.memref_squeeze %dma_start3A_286 : memref<1x128xi32, #tpu.memory_space<vmem>> -> memref<128xi32, #tpu.memory_space<vmem>>
    %dma_start3A_288 = arith.constant 0 : i32
    %dma_start3A_289 = tpu.memref_slice %arg3[%dma_start3A_288] : memref<4339xi32, #tpu.memory_space<hbm>> -> memref<4339xi32, #tpu.memory_space<hbm>>
    %dma_start3A_290 = tpu.memref_slice %arg18[%dma_start3A_281] : memref<4x!tpu.dma_semaphore, #tpu.memory_space<semaphore_mem>> -> memref<1x!tpu.dma_semaphore, #tpu.memory_space<semaphore_mem>>
    %dma_start3A_291 = tpu.memref_squeeze %dma_start3A_290 : memref<1x!tpu.dma_semaphore, #tpu.memory_space<semaphore_mem>> -> memref<!tpu.dma_semaphore, #tpu.memory_space<semaphore_mem>>
    tpu.enqueue_indirect_dma source(%dma_start3A_289 : memref<4339xi32, #tpu.memory_space<hbm>>) target(%dma_start3A_284 : memref<128xi32, #tpu.memory_space<vmem>>) offsets(%dma_start3A_287 : memref<128xi32, #tpu.memory_space<vmem>>) semaphore(%dma_start3A_291 : memref<!tpu.dma_semaphore, #tpu.memory_space<semaphore_mem>>)
    %add3A_292 = arith.constant 8 : i32
    %add3A_293 = arith.addi %mul3A_2, %add3A_292 : i32
    %add3A_294 = arith.constant 0 : i32
    %add3A_295 = arith.addi %add3A_293, %add3A_294 : i32
    %add3A_296 = vector.broadcast %add3A_295 : i32 to vector<16xi32>
    %add3A_297 = arith.addi %get3A_4, %add3A_296 : vector<16xi32>
    %jit3A_298 = arith.constant 0 : i32
    %jit3A_299 = arith.constant 4139 : i32
    %max3A_300 = vector.broadcast %jit3A_298 : i32 to vector<16xi32>
    %max3A_301 = arith.maxsi %max3A_300, %add3A_297 : vector<16xi32>
    %min3A_302 = vector.broadcast %jit3A_299 : i32 to vector<16xi32>
    %min3A_303 = arith.minsi %min3A_302, %max3A_301 : vector<16xi32>
    %swap3A_304 = arith.constant 1 : i32
    %swap3A_305 = arith.index_cast %swap3A_304 : i32 to index
    %swap3A_306 = arith.constant 0 : index
    %swap3A_307 = tpu.vector_load %arg10[%swap3A_305, %swap3A_306] {strides = array<i32>} : memref<4x128xi32, #tpu.memory_space<vmem>>, vector<1x16xi32>,
    %swap3A_308 = vector.shape_cast %swap3A_307 : vector<1x16xi32> to vector<16xi32>
    %swap3A_309 = vector.shape_cast %min3A_303 : vector<16xi32> to vector<1x16xi32>
    tpu.vector_store %arg10[%swap3A_305, %swap3A_306], %swap3A_309 {strides = array<i32>} : memref<4x128xi32, #tpu.memory_space<vmem>>, vector<1x16xi32>,
    %add3A_310 = vector.broadcast %add3A_295 : i32 to vector<16xi32>
    %add3A_311 = arith.addi %get3A_10, %add3A_310 : vector<16xi32>
    %jit3A_312 = arith.constant 0 : i32
    %jit3A_313 = arith.constant 4338 : i32
    %max3A_314 = vector.broadcast %jit3A_312 : i32 to vector<16xi32>
    %max3A_315 = arith.maxsi %max3A_314, %add3A_311 : vector<16xi32>
    %min3A_316 = vector.broadcast %jit3A_313 : i32 to vector<16xi32>
    %min3A_317 = arith.minsi %min3A_316, %max3A_315 : vector<16xi32>
    %swap3A_318 = arith.constant 1 : i32
    %swap3A_319 = arith.index_cast %swap3A_318 : i32 to index
    %swap3A_320 = arith.constant 0 : index
    %swap3A_321 = tpu.vector_load %arg11[%swap3A_319, %swap3A_320] {strides = array<i32>} : memref<4x128xi32, #tpu.memory_space<vmem>>, vector<1x16xi32>,
    %swap3A_322 = vector.shape_cast %swap3A_321 : vector<1x16xi32> to vector<16xi32>
    %swap3A_323 = vector.shape_cast %min3A_317 : vector<16xi32> to vector<1x16xi32>
    tpu.vector_store %arg11[%swap3A_319, %swap3A_320], %swap3A_323 {strides = array<i32>} : memref<4x128xi32, #tpu.memory_space<vmem>>, vector<1x16xi32>,
    %add3A_324 = arith.constant 8 : i32
    %add3A_325 = arith.addi %mul3A_2, %add3A_324 : i32
    %add3A_326 = arith.constant 1 : i32
    %add3A_327 = arith.addi %add3A_325, %add3A_326 : i32
    %add3A_328 = vector.broadcast %add3A_327 : i32 to vector<16xi32>
    %add3A_329 = arith.addi %get3A_4, %add3A_328 : vector<16xi32>
    %jit3A_330 = arith.constant 0 : i32
    %jit3A_331 = arith.constant 4139 : i32
    %max3A_332 = vector.broadcast %jit3A_330 : i32 to vector<16xi32>
    %max3A_333 = arith.maxsi %max3A_332, %add3A_329 : vector<16xi32>
    %min3A_334 = vector.broadcast %jit3A_331 : i32 to vector<16xi32>
    %min3A_335 = arith.minsi %min3A_334, %max3A_333 : vector<16xi32>
    %swap3A_336 = arith.constant 1 : i32
    %swap3A_337 = arith.index_cast %swap3A_336 : i32 to index
    %swap3A_338 = arith.constant 16 : index
    %swap3A_339 = tpu.vector_load %arg10[%swap3A_337, %swap3A_338] {strides = array<i32>} : memref<4x128xi32, #tpu.memory_space<vmem>>, vector<1x16xi32>,
    %swap3A_340 = vector.shape_cast %swap3A_339 : vector<1x16xi32> to vector<16xi32>
    %swap3A_341 = vector.shape_cast %min3A_335 : vector<16xi32> to vector<1x16xi32>
    tpu.vector_store %arg10[%swap3A_337, %swap3A_338], %swap3A_341 {strides = array<i32>} : memref<4x128xi32, #tpu.memory_space<vmem>>, vector<1x16xi32>,
    %add3A_342 = vector.broadcast %add3A_327 : i32 to vector<16xi32>
    %add3A_343 = arith.addi %get3A_10, %add3A_342 : vector<16xi32>
    %jit3A_344 = arith.constant 0 : i32
    %jit3A_345 = arith.constant 4338 : i32
    %max3A_346 = vector.broadcast %jit3A_344 : i32 to vector<16xi32>
    %max3A_347 = arith.maxsi %max3A_346, %add3A_343 : vector<16xi32>
    %min3A_348 = vector.broadcast %jit3A_345 : i32 to vector<16xi32>
    %min3A_349 = arith.minsi %min3A_348, %max3A_347 : vector<16xi32>
    %swap3A_350 = arith.constant 1 : i32
    %swap3A_351 = arith.index_cast %swap3A_350 : i32 to index
    %swap3A_352 = arith.constant 16 : index
    %swap3A_353 = tpu.vector_load %arg11[%swap3A_351, %swap3A_352] {strides = array<i32>} : memref<4x128xi32, #tpu.memory_space<vmem>>, vector<1x16xi32>,
    %swap3A_354 = vector.shape_cast %swap3A_353 : vector<1x16xi32> to vector<16xi32>
    %swap3A_355 = vector.shape_cast %min3A_349 : vector<16xi32> to vector<1x16xi32>
    tpu.vector_store %arg11[%swap3A_351, %swap3A_352], %swap3A_355 {strides = array<i32>} : memref<4x128xi32, #tpu.memory_space<vmem>>, vector<1x16xi32>,
    %add3A_356 = arith.constant 8 : i32
    %add3A_357 = arith.addi %mul3A_2, %add3A_356 : i32
    %add3A_358 = arith.constant 2 : i32
    %add3A_359 = arith.addi %add3A_357, %add3A_358 : i32
    %add3A_360 = vector.broadcast %add3A_359 : i32 to vector<16xi32>
    %add3A_361 = arith.addi %get3A_4, %add3A_360 : vector<16xi32>
    %jit3A_362 = arith.constant 0 : i32
    %jit3A_363 = arith.constant 4139 : i32
    %max3A_364 = vector.broadcast %jit3A_362 : i32 to vector<16xi32>
    %max3A_365 = arith.maxsi %max3A_364, %add3A_361 : vector<16xi32>
    %min3A_366 = vector.broadcast %jit3A_363 : i32 to vector<16xi32>
    %min3A_367 = arith.minsi %min3A_366, %max3A_365 : vector<16xi32>
    %swap3A_368 = arith.constant 1 : i32
    %swap3A_369 = arith.index_cast %swap3A_368 : i32 to index
    %swap3A_370 = arith.constant 32 : index
    %swap3A_371 = tpu.vector_load %arg10[%swap3A_369, %swap3A_370] {strides = array<i32>} : memref<4x128xi32, #tpu.memory_space<vmem>>, vector<1x16xi32>,
    %swap3A_372 = vector.shape_cast %swap3A_371 : vector<1x16xi32> to vector<16xi32>
    %swap3A_373 = vector.shape_cast %min3A_367 : vector<16xi32> to vector<1x16xi32>
    tpu.vector_store %arg10[%swap3A_369, %swap3A_370], %swap3A_373 {strides = array<i32>} : memref<4x128xi32, #tpu.memory_space<vmem>>, vector<1x16xi32>,
    %add3A_374 = vector.broadcast %add3A_359 : i32 to vector<16xi32>
    %add3A_375 = arith.addi %get3A_10, %add3A_374 : vector<16xi32>
    %jit3A_376 = arith.constant 0 : i32
    %jit3A_377 = arith.constant 4338 : i32
    %max3A_378 = vector.broadcast %jit3A_376 : i32 to vector<16xi32>
    %max3A_379 = arith.maxsi %max3A_378, %add3A_375 : vector<16xi32>
    %min3A_380 = vector.broadcast %jit3A_377 : i32 to vector<16xi32>
    %min3A_381 = arith.minsi %min3A_380, %max3A_379 : vector<16xi32>
    %swap3A_382 = arith.constant 1 : i32
    %swap3A_383 = arith.index_cast %swap3A_382 : i32 to index
    %swap3A_384 = arith.constant 32 : index
    %swap3A_385 = tpu.vector_load %arg11[%swap3A_383, %swap3A_384] {strides = array<i32>} : memref<4x128xi32, #tpu.memory_space<vmem>>, vector<1x16xi32>,
    %swap3A_386 = vector.shape_cast %swap3A_385 : vector<1x16xi32> to vector<16xi32>
    %swap3A_387 = vector.shape_cast %min3A_381 : vector<16xi32> to vector<1x16xi32>
    tpu.vector_store %arg11[%swap3A_383, %swap3A_384], %swap3A_387 {strides = array<i32>} : memref<4x128xi32, #tpu.memory_space<vmem>>, vector<1x16xi32>,
    %add3A_388 = arith.constant 8 : i32
    %add3A_389 = arith.addi %mul3A_2, %add3A_388 : i32
    %add3A_390 = arith.constant 3 : i32
    %add3A_391 = arith.addi %add3A_389, %add3A_390 : i32
    %add3A_392 = vector.broadcast %add3A_391 : i32 to vector<16xi32>
    %add3A_393 = arith.addi %get3A_4, %add3A_392 : vector<16xi32>
    %jit3A_394 = arith.constant 0 : i32
    %jit3A_395 = arith.constant 4139 : i32
    %max3A_396 = vector.broadcast %jit3A_394 : i32 to vector<16xi32>
    %max3A_397 = arith.maxsi %max3A_396, %add3A_393 : vector<16xi32>
    %min3A_398 = vector.broadcast %jit3A_395 : i32 to vector<16xi32>
    %min3A_399 = arith.minsi %min3A_398, %max3A_397 : vector<16xi32>
    %swap3A_400 = arith.constant 1 : i32
    %swap3A_401 = arith.index_cast %swap3A_400 : i32 to index
    %swap3A_402 = arith.constant 48 : index
    %swap3A_403 = tpu.vector_load %arg10[%swap3A_401, %swap3A_402] {strides = array<i32>} : memref<4x128xi32, #tpu.memory_space<vmem>>, vector<1x16xi32>,
    %swap3A_404 = vector.shape_cast %swap3A_403 : vector<1x16xi32> to vector<16xi32>
    %swap3A_405 = vector.shape_cast %min3A_399 : vector<16xi32> to vector<1x16xi32>
    tpu.vector_store %arg10[%swap3A_401, %swap3A_402], %swap3A_405 {strides = array<i32>} : memref<4x128xi32, #tpu.memory_space<vmem>>, vector<1x16xi32>,
    %add3A_406 = vector.broadcast %add3A_391 : i32 to vector<16xi32>
    %add3A_407 = arith.addi %get3A_10, %add3A_406 : vector<16xi32>
    %jit3A_408 = arith.constant 0 : i32
    %jit3A_409 = arith.constant 4338 : i32
    %max3A_410 = vector.broadcast %jit3A_408 : i32 to vector<16xi32>
    %max3A_411 = arith.maxsi %max3A_410, %add3A_407 : vector<16xi32>
    %min3A_412 = vector.broadcast %jit3A_409 : i32 to vector<16xi32>
    %min3A_413 = arith.minsi %min3A_412, %max3A_411 : vector<16xi32>
    %swap3A_414 = arith.constant 1 : i32
    %swap3A_415 = arith.index_cast %swap3A_414 : i32 to index
    %swap3A_416 = arith.constant 48 : index
    %swap3A_417 = tpu.vector_load %arg11[%swap3A_415, %swap3A_416] {strides = array<i32>} : memref<4x128xi32, #tpu.memory_space<vmem>>, vector<1x16xi32>,
    %swap3A_418 = vector.shape_cast %swap3A_417 : vector<1x16xi32> to vector<16xi32>
    %swap3A_419 = vector.shape_cast %min3A_413 : vector<16xi32> to vector<1x16xi32>
    tpu.vector_store %arg11[%swap3A_415, %swap3A_416], %swap3A_419 {strides = array<i32>} : memref<4x128xi32, #tpu.memory_space<vmem>>, vector<1x16xi32>,
    %add3A_420 = arith.constant 8 : i32
    %add3A_421 = arith.addi %mul3A_2, %add3A_420 : i32
    %add3A_422 = arith.constant 4 : i32
    %add3A_423 = arith.addi %add3A_421, %add3A_422 : i32
    %add3A_424 = vector.broadcast %add3A_423 : i32 to vector<16xi32>
    %add3A_425 = arith.addi %get3A_4, %add3A_424 : vector<16xi32>
    %jit3A_426 = arith.constant 0 : i32
    %jit3A_427 = arith.constant 4139 : i32
    %max3A_428 = vector.broadcast %jit3A_426 : i32 to vector<16xi32>
    %max3A_429 = arith.maxsi %max3A_428, %add3A_425 : vector<16xi32>
    %min3A_430 = vector.broadcast %jit3A_427 : i32 to vector<16xi32>
    %min3A_431 = arith.minsi %min3A_430, %max3A_429 : vector<16xi32>
    %swap3A_432 = arith.constant 1 : i32
    %swap3A_433 = arith.index_cast %swap3A_432 : i32 to index
    %swap3A_434 = arith.constant 64 : index
    %swap3A_435 = tpu.vector_load %arg10[%swap3A_433, %swap3A_434] {strides = array<i32>} : memref<4x128xi32, #tpu.memory_space<vmem>>, vector<1x16xi32>,
    %swap3A_436 = vector.shape_cast %swap3A_435 : vector<1x16xi32> to vector<16xi32>
    %swap3A_437 = vector.shape_cast %min3A_431 : vector<16xi32> to vector<1x16xi32>
    tpu.vector_store %arg10[%swap3A_433, %swap3A_434], %swap3A_437 {strides = array<i32>} : memref<4x128xi32, #tpu.memory_space<vmem>>, vector<1x16xi32>,
    %add3A_438 = vector.broadcast %add3A_423 : i32 to vector<16xi32>
    %add3A_439 = arith.addi %get3A_10, %add3A_438 : vector<16xi32>
    %jit3A_440 = arith.constant 0 : i32
    %jit3A_441 = arith.constant 4338 : i32
    %max3A_442 = vector.broadcast %jit3A_440 : i32 to vector<16xi32>
    %max3A_443 = arith.maxsi %max3A_442, %add3A_439 : vector<16xi32>
    %min3A_444 = vector.broadcast %jit3A_441 : i32 to vector<16xi32>
    %min3A_445 = arith.minsi %min3A_444, %max3A_443 : vector<16xi32>
    %swap3A_446 = arith.constant 1 : i32
    %swap3A_447 = arith.index_cast %swap3A_446 : i32 to index
    %swap3A_448 = arith.constant 64 : index
    %swap3A_449 = tpu.vector_load %arg11[%swap3A_447, %swap3A_448] {strides = array<i32>} : memref<4x128xi32, #tpu.memory_space<vmem>>, vector<1x16xi32>,
    %swap3A_450 = vector.shape_cast %swap3A_449 : vector<1x16xi32> to vector<16xi32>
    %swap3A_451 = vector.shape_cast %min3A_445 : vector<16xi32> to vector<1x16xi32>
    tpu.vector_store %arg11[%swap3A_447, %swap3A_448], %swap3A_451 {strides = array<i32>} : memref<4x128xi32, #tpu.memory_space<vmem>>, vector<1x16xi32>,
    %add3A_452 = arith.constant 8 : i32
    %add3A_453 = arith.addi %mul3A_2, %add3A_452 : i32
    %add3A_454 = arith.constant 5 : i32
    %add3A_455 = arith.addi %add3A_453, %add3A_454 : i32
    %add3A_456 = vector.broadcast %add3A_455 : i32 to vector<16xi32>
    %add3A_457 = arith.addi %get3A_4, %add3A_456 : vector<16xi32>
    %jit3A_458 = arith.constant 0 : i32
    %jit3A_459 = arith.constant 4139 : i32
    %max3A_460 = vector.broadcast %jit3A_458 : i32 to vector<16xi32>
    %max3A_461 = arith.maxsi %max3A_460, %add3A_457 : vector<16xi32>
    %min3A_462 = vector.broadcast %jit3A_459 : i32 to vector<16xi32>
    %min3A_463 = arith.minsi %min3A_462, %max3A_461 : vector<16xi32>
    %swap3A_464 = arith.constant 1 : i32
    %swap3A_465 = arith.index_cast %swap3A_464 : i32 to index
    %swap3A_466 = arith.constant 80 : index
    %swap3A_467 = tpu.vector_load %arg10[%swap3A_465, %swap3A_466] {strides = array<i32>} : memref<4x128xi32, #tpu.memory_space<vmem>>, vector<1x16xi32>,
    %swap3A_468 = vector.shape_cast %swap3A_467 : vector<1x16xi32> to vector<16xi32>
    %swap3A_469 = vector.shape_cast %min3A_463 : vector<16xi32> to vector<1x16xi32>
    tpu.vector_store %arg10[%swap3A_465, %swap3A_466], %swap3A_469 {strides = array<i32>} : memref<4x128xi32, #tpu.memory_space<vmem>>, vector<1x16xi32>,
    %add3A_470 = vector.broadcast %add3A_455 : i32 to vector<16xi32>
    %add3A_471 = arith.addi %get3A_10, %add3A_470 : vector<16xi32>
    %jit3A_472 = arith.constant 0 : i32
    %jit3A_473 = arith.constant 4338 : i32
    %max3A_474 = vector.broadcast %jit3A_472 : i32 to vector<16xi32>
    %max3A_475 = arith.maxsi %max3A_474, %add3A_471 : vector<16xi32>
    %min3A_476 = vector.broadcast %jit3A_473 : i32 to vector<16xi32>
    %min3A_477 = arith.minsi %min3A_476, %max3A_475 : vector<16xi32>
    %swap3A_478 = arith.constant 1 : i32
    %swap3A_479 = arith.index_cast %swap3A_478 : i32 to index
    %swap3A_480 = arith.constant 80 : index
    %swap3A_481 = tpu.vector_load %arg11[%swap3A_479, %swap3A_480] {strides = array<i32>} : memref<4x128xi32, #tpu.memory_space<vmem>>, vector<1x16xi32>,
    %swap3A_482 = vector.shape_cast %swap3A_481 : vector<1x16xi32> to vector<16xi32>
    %swap3A_483 = vector.shape_cast %min3A_477 : vector<16xi32> to vector<1x16xi32>
    tpu.vector_store %arg11[%swap3A_479, %swap3A_480], %swap3A_483 {strides = array<i32>} : memref<4x128xi32, #tpu.memory_space<vmem>>, vector<1x16xi32>,
    %add3A_484 = arith.constant 8 : i32
    %add3A_485 = arith.addi %mul3A_2, %add3A_484 : i32
    %add3A_486 = arith.constant 6 : i32
    %add3A_487 = arith.addi %add3A_485, %add3A_486 : i32
    %add3A_488 = vector.broadcast %add3A_487 : i32 to vector<16xi32>
    %add3A_489 = arith.addi %get3A_4, %add3A_488 : vector<16xi32>
    %jit3A_490 = arith.constant 0 : i32
    %jit3A_491 = arith.constant 4139 : i32
    %max3A_492 = vector.broadcast %jit3A_490 : i32 to vector<16xi32>
    %max3A_493 = arith.maxsi %max3A_492, %add3A_489 : vector<16xi32>
    %min3A_494 = vector.broadcast %jit3A_491 : i32 to vector<16xi32>
    %min3A_495 = arith.minsi %min3A_494, %max3A_493 : vector<16xi32>
    %swap3A_496 = arith.constant 1 : i32
    %swap3A_497 = arith.index_cast %swap3A_496 : i32 to index
    %swap3A_498 = arith.constant 96 : index
    %swap3A_499 = tpu.vector_load %arg10[%swap3A_497, %swap3A_498] {strides = array<i32>} : memref<4x128xi32, #tpu.memory_space<vmem>>, vector<1x16xi32>,
    %swap3A_500 = vector.shape_cast %swap3A_499 : vector<1x16xi32> to vector<16xi32>
    %swap3A_501 = vector.shape_cast %min3A_495 : vector<16xi32> to vector<1x16xi32>
    tpu.vector_store %arg10[%swap3A_497, %swap3A_498], %swap3A_501 {strides = array<i32>} : memref<4x128xi32, #tpu.memory_space<vmem>>, vector<1x16xi32>,
    %add3A_502 = vector.broadcast %add3A_487 : i32 to vector<16xi32>
    %add3A_503 = arith.addi %get3A_10, %add3A_502 : vector<16xi32>
    %jit3A_504 = arith.constant 0 : i32
    %jit3A_505 = arith.constant 4338 : i32
    %max3A_506 = vector.broadcast %jit3A_504 : i32 to vector<16xi32>
    %max3A_507 = arith.maxsi %max3A_506, %add3A_503 : vector<16xi32>
    %min3A_508 = vector.broadcast %jit3A_505 : i32 to vector<16xi32>
    %min3A_509 = arith.minsi %min3A_508, %max3A_507 : vector<16xi32>
    %swap3A_510 = arith.constant 1 : i32
    %swap3A_511 = arith.index_cast %swap3A_510 : i32 to index
    %swap3A_512 = arith.constant 96 : index
    %swap3A_513 = tpu.vector_load %arg11[%swap3A_511, %swap3A_512] {strides = array<i32>} : memref<4x128xi32, #tpu.memory_space<vmem>>, vector<1x16xi32>,
    %swap3A_514 = vector.shape_cast %swap3A_513 : vector<1x16xi32> to vector<16xi32>
    %swap3A_515 = vector.shape_cast %min3A_509 : vector<16xi32> to vector<1x16xi32>
    tpu.vector_store %arg11[%swap3A_511, %swap3A_512], %swap3A_515 {strides = array<i32>} : memref<4x128xi32, #tpu.memory_space<vmem>>, vector<1x16xi32>,
    %add3A_516 = arith.constant 8 : i32
    %add3A_517 = arith.addi %mul3A_2, %add3A_516 : i32
    %add3A_518 = arith.constant 7 : i32
    %add3A_519 = arith.addi %add3A_517, %add3A_518 : i32
    %add3A_520 = vector.broadcast %add3A_519 : i32 to vector<16xi32>
    %add3A_521 = arith.addi %get3A_4, %add3A_520 : vector<16xi32>
    %jit3A_522 = arith.constant 0 : i32
    %jit3A_523 = arith.constant 4139 : i32
    %max3A_524 = vector.broadcast %jit3A_522 : i32 to vector<16xi32>
    %max3A_525 = arith.maxsi %max3A_524, %add3A_521 : vector<16xi32>
    %min3A_526 = vector.broadcast %jit3A_523 : i32 to vector<16xi32>
    %min3A_527 = arith.minsi %min3A_526, %max3A_525 : vector<16xi32>
    %swap3A_528 = arith.constant 1 : i32
    %swap3A_529 = arith.index_cast %swap3A_528 : i32 to index
    %swap3A_530 = arith.constant 112 : index
    %swap3A_531 = tpu.vector_load %arg10[%swap3A_529, %swap3A_530] {strides = array<i32>} : memref<4x128xi32, #tpu.memory_space<vmem>>, vector<1x16xi32>,
    %swap3A_532 = vector.shape_cast %swap3A_531 : vector<1x16xi32> to vector<16xi32>
    %swap3A_533 = vector.shape_cast %min3A_527 : vector<16xi32> to vector<1x16xi32>
    tpu.vector_store %arg10[%swap3A_529, %swap3A_530], %swap3A_533 {strides = array<i32>} : memref<4x128xi32, #tpu.memory_space<vmem>>, vector<1x16xi32>,
    %add3A_534 = vector.broadcast %add3A_519 : i32 to vector<16xi32>
    %add3A_535 = arith.addi %get3A_10, %add3A_534 : vector<16xi32>
    %jit3A_536 = arith.constant 0 : i32
    %jit3A_537 = arith.constant 4338 : i32
    %max3A_538 = vector.broadcast %jit3A_536 : i32 to vector<16xi32>
    %max3A_539 = arith.maxsi %max3A_538, %add3A_535 : vector<16xi32>
    %min3A_540 = vector.broadcast %jit3A_537 : i32 to vector<16xi32>
    %min3A_541 = arith.minsi %min3A_540, %max3A_539 : vector<16xi32>
    %swap3A_542 = arith.constant 1 : i32
    %swap3A_543 = arith.index_cast %swap3A_542 : i32 to index
    %swap3A_544 = arith.constant 112 : index
    %swap3A_545 = tpu.vector_load %arg11[%swap3A_543, %swap3A_544] {strides = array<i32>} : memref<4x128xi32, #tpu.memory_space<vmem>>, vector<1x16xi32>,
    %swap3A_546 = vector.shape_cast %swap3A_545 : vector<1x16xi32> to vector<16xi32>
    %swap3A_547 = vector.shape_cast %min3A_541 : vector<16xi32> to vector<1x16xi32>
    tpu.vector_store %arg11[%swap3A_543, %swap3A_544], %swap3A_547 {strides = array<i32>} : memref<4x128xi32, #tpu.memory_space<vmem>>, vector<1x16xi32>,
    %dma_start3A_548 = arith.constant 1 : i32
    %dma_start3A_549 = arith.constant 1 : i32
    %dma_start3A_550 = arith.constant 1 : i32
    %dma_start3A_551 = arith.constant 0 : i32
    %dma_start3A_552 = tpu.memref_slice %arg12[%dma_start3A_549, %dma_start3A_551] : memref<4x128xi32, #tpu.memory_space<vmem>> -> memref<1x128xi32, #tpu.memory_space<vmem>>
    %dma_start3A_553 = tpu.memref_squeeze %dma_start3A_552 : memref<1x128xi32, #tpu.memory_space<vmem>> -> memref<128xi32, #tpu.memory_space<vmem>>
    %dma_start3A_554 = arith.constant 0 : i32
    %dma_start3A_555 = tpu.memref_slice %arg10[%dma_start3A_548, %dma_start3A_554] : memref<4x128xi32, #tpu.memory_space<vmem>> -> memref<1x128xi32, #tpu.memory_space<vmem>>
    %dma_start3A_556 = tpu.memref_squeeze %dma_start3A_555 : memref<1x128xi32, #tpu.memory_space<vmem>> -> memref<128xi32, #tpu.memory_space<vmem>>
    %dma_start3A_557 = arith.constant 0 : i32
    %dma_start3A_558 = tpu.memref_slice %arg2[%dma_start3A_557] : memref<4140xi32, #tpu.memory_space<hbm>> -> memref<4140xi32, #tpu.memory_space<hbm>>
    %dma_start3A_559 = tpu.memref_slice %arg18[%dma_start3A_550] : memref<4x!tpu.dma_semaphore, #tpu.memory_space<semaphore_mem>> -> memref<1x!tpu.dma_semaphore, #tpu.memory_space<semaphore_mem>>
    %dma_start3A_560 = tpu.memref_squeeze %dma_start3A_559 : memref<1x!tpu.dma_semaphore, #tpu.memory_space<semaphore_mem>> -> memref<!tpu.dma_semaphore, #tpu.memory_space<semaphore_mem>>
    tpu.enqueue_indirect_dma source(%dma_start3A_558 : memref<4140xi32, #tpu.memory_space<hbm>>) target(%dma_start3A_553 : memref<128xi32, #tpu.memory_space<vmem>>) offsets(%dma_start3A_556 : memref<128xi32, #tpu.memory_space<vmem>>) semaphore(%dma_start3A_560 : memref<!tpu.dma_semaphore, #tpu.memory_space<semaphore_mem>>)
    %dma_start3A_561 = arith.constant 1 : i32
    %dma_start3A_562 = arith.constant 1 : i32
    %dma_start3A_563 = arith.constant 1 : i32
    %dma_start3A_564 = arith.constant 0 : i32
    %dma_start3A_565 = tpu.memref_slice %arg13[%dma_start3A_562, %dma_start3A_564] : memref<4x128xi32, #tpu.memory_space<vmem>> -> memref<1x128xi32, #tpu.memory_space<vmem>>
    %dma_start3A_566 = tpu.memref_squeeze %dma_start3A_565 : memref<1x128xi32, #tpu.memory_space<vmem>> -> memref<128xi32, #tpu.memory_space<vmem>>
    %dma_start3A_567 = arith.constant 0 : i32
    %dma_start3A_568 = tpu.memref_slice %arg11[%dma_start3A_561, %dma_start3A_567] : memref<4x128xi32, #tpu.memory_space<vmem>> -> memref<1x128xi32, #tpu.memory_space<vmem>>
    %dma_start3A_569 = tpu.memref_squeeze %dma_start3A_568 : memref<1x128xi32, #tpu.memory_space<vmem>> -> memref<128xi32, #tpu.memory_space<vmem>>
    %dma_start3A_570 = arith.constant 0 : i32
    %dma_start3A_571 = tpu.memref_slice %arg3[%dma_start3A_570] : memref<4339xi32, #tpu.memory_space<hbm>> -> memref<4339xi32, #tpu.memory_space<hbm>>
    %dma_start3A_572 = tpu.memref_slice %arg18[%dma_start3A_563] : memref<4x!tpu.dma_semaphore, #tpu.memory_space<semaphore_mem>> -> memref<1x!tpu.dma_semaphore, #tpu.memory_space<semaphore_mem>>
    %dma_start3A_573 = tpu.memref_squeeze %dma_start3A_572 : memref<1x!tpu.dma_semaphore, #tpu.memory_space<semaphore_mem>> -> memref<!tpu.dma_semaphore, #tpu.memory_space<semaphore_mem>>
    tpu.enqueue_indirect_dma source(%dma_start3A_571 : memref<4339xi32, #tpu.memory_space<hbm>>) target(%dma_start3A_566 : memref<128xi32, #tpu.memory_space<vmem>>) offsets(%dma_start3A_569 : memref<128xi32, #tpu.memory_space<vmem>>) semaphore(%dma_start3A_573 : memref<!tpu.dma_semaphore, #tpu.memory_space<semaphore_mem>>)
    %add3A_574 = arith.constant 16 : i32
    %add3A_575 = arith.addi %mul3A_2, %add3A_574 : i32
    %add3A_576 = arith.constant 0 : i32
    %add3A_577 = arith.addi %add3A_575, %add3A_576 : i32
    %add3A_578 = vector.broadcast %add3A_577 : i32 to vector<16xi32>
    %add3A_579 = arith.addi %get3A_4, %add3A_578 : vector<16xi32>
    %jit3A_580 = arith.constant 0 : i32
    %jit3A_581 = arith.constant 4139 : i32
    %max3A_582 = vector.broadcast %jit3A_580 : i32 to vector<16xi32>
    %max3A_583 = arith.maxsi %max3A_582, %add3A_579 : vector<16xi32>
    %min3A_584 = vector.broadcast %jit3A_581 : i32 to vector<16xi32>
    %min3A_585 = arith.minsi %min3A_584, %max3A_583 : vector<16xi32>
    %swap3A_586 = arith.constant 2 : i32
    %swap3A_587 = arith.index_cast %swap3A_586 : i32 to index
    %swap3A_588 = arith.constant 0 : index
    %swap3A_589 = tpu.vector_load %arg10[%swap3A_587, %swap3A_588] {strides = array<i32>} : memref<4x128xi32, #tpu.memory_space<vmem>>, vector<1x16xi32>,
    %swap3A_590 = vector.shape_cast %swap3A_589 : vector<1x16xi32> to vector<16xi32>
    %swap3A_591 = vector.shape_cast %min3A_585 : vector<16xi32> to vector<1x16xi32>
    tpu.vector_store %arg10[%swap3A_587, %swap3A_588], %swap3A_591 {strides = array<i32>} : memref<4x128xi32, #tpu.memory_space<vmem>>, vector<1x16xi32>,
    %add3A_592 = vector.broadcast %add3A_577 : i32 to vector<16xi32>
    %add3A_593 = arith.addi %get3A_10, %add3A_592 : vector<16xi32>
    %jit3A_594 = arith.constant 0 : i32
    %jit3A_595 = arith.constant 4338 : i32
    %max3A_596 = vector.broadcast %jit3A_594 : i32 to vector<16xi32>
    %max3A_597 = arith.maxsi %max3A_596, %add3A_593 : vector<16xi32>
    %min3A_598 = vector.broadcast %jit3A_595 : i32 to vector<16xi32>
    %min3A_599 = arith.minsi %min3A_598, %max3A_597 : vector<16xi32>
    %swap3A_600 = arith.constant 2 : i32
    %swap3A_601 = arith.index_cast %swap3A_600 : i32 to index
    %swap3A_602 = arith.constant 0 : index
    %swap3A_603 = tpu.vector_load %arg11[%swap3A_601, %swap3A_602] {strides = array<i32>} : memref<4x128xi32, #tpu.memory_space<vmem>>, vector<1x16xi32>,
    %swap3A_604 = vector.shape_cast %swap3A_603 : vector<1x16xi32> to vector<16xi32>
    %swap3A_605 = vector.shape_cast %min3A_599 : vector<16xi32> to vector<1x16xi32>
    tpu.vector_store %arg11[%swap3A_601, %swap3A_602], %swap3A_605 {strides = array<i32>} : memref<4x128xi32, #tpu.memory_space<vmem>>, vector<1x16xi32>,
    %add3A_606 = arith.constant 16 : i32
    %add3A_607 = arith.addi %mul3A_2, %add3A_606 : i32
    %add3A_608 = arith.constant 1 : i32
    %add3A_609 = arith.addi %add3A_607, %add3A_608 : i32
    %add3A_610 = vector.broadcast %add3A_609 : i32 to vector<16xi32>
    %add3A_611 = arith.addi %get3A_4, %add3A_610 : vector<16xi32>
    %jit3A_612 = arith.constant 0 : i32
    %jit3A_613 = arith.constant 4139 : i32
    %max3A_614 = vector.broadcast %jit3A_612 : i32 to vector<16xi32>
    %max3A_615 = arith.maxsi %max3A_614, %add3A_611 : vector<16xi32>
    %min3A_616 = vector.broadcast %jit3A_613 : i32 to vector<16xi32>
    %min3A_617 = arith.minsi %min3A_616, %max3A_615 : vector<16xi32>
    %swap3A_618 = arith.constant 2 : i32
    %swap3A_619 = arith.index_cast %swap3A_618 : i32 to index
    %swap3A_620 = arith.constant 16 : index
    %swap3A_621 = tpu.vector_load %arg10[%swap3A_619, %swap3A_620] {strides = array<i32>} : memref<4x128xi32, #tpu.memory_space<vmem>>, vector<1x16xi32>,
    %swap3A_622 = vector.shape_cast %swap3A_621 : vector<1x16xi32> to vector<16xi32>
    %swap3A_623 = vector.shape_cast %min3A_617 : vector<16xi32> to vector<1x16xi32>
    tpu.vector_store %arg10[%swap3A_619, %swap3A_620], %swap3A_623 {strides = array<i32>} : memref<4x128xi32, #tpu.memory_space<vmem>>, vector<1x16xi32>,
    %add3A_624 = vector.broadcast %add3A_609 : i32 to vector<16xi32>
    %add3A_625 = arith.addi %get3A_10, %add3A_624 : vector<16xi32>
    %jit3A_626 = arith.constant 0 : i32
    %jit3A_627 = arith.constant 4338 : i32
    %max3A_628 = vector.broadcast %jit3A_626 : i32 to vector<16xi32>
    %max3A_629 = arith.maxsi %max3A_628, %add3A_625 : vector<16xi32>
    %min3A_630 = vector.broadcast %jit3A_627 : i32 to vector<16xi32>
    %min3A_631 = arith.minsi %min3A_630, %max3A_629 : vector<16xi32>
    %swap3A_632 = arith.constant 2 : i32
    %swap3A_633 = arith.index_cast %swap3A_632 : i32 to index
    %swap3A_634 = arith.constant 16 : index
    %swap3A_635 = tpu.vector_load %arg11[%swap3A_633, %swap3A_634] {strides = array<i32>} : memref<4x128xi32, #tpu.memory_space<vmem>>, vector<1x16xi32>,
    %swap3A_636 = vector.shape_cast %swap3A_635 : vector<1x16xi32> to vector<16xi32>
    %swap3A_637 = vector.shape_cast %min3A_631 : vector<16xi32> to vector<1x16xi32>
    tpu.vector_store %arg11[%swap3A_633, %swap3A_634], %swap3A_637 {strides = array<i32>} : memref<4x128xi32, #tpu.memory_space<vmem>>, vector<1x16xi32>,
    %add3A_638 = arith.constant 16 : i32
    %add3A_639 = arith.addi %mul3A_2, %add3A_638 : i32
    %add3A_640 = arith.constant 2 : i32
    %add3A_641 = arith.addi %add3A_639, %add3A_640 : i32
    %add3A_642 = vector.broadcast %add3A_641 : i32 to vector<16xi32>
    %add3A_643 = arith.addi %get3A_4, %add3A_642 : vector<16xi32>
    %jit3A_644 = arith.constant 0 : i32
    %jit3A_645 = arith.constant 4139 : i32
    %max3A_646 = vector.broadcast %jit3A_644 : i32 to vector<16xi32>
    %max3A_647 = arith.maxsi %max3A_646, %add3A_643 : vector<16xi32>
    %min3A_648 = vector.broadcast %jit3A_645 : i32 to vector<16xi32>
    %min3A_649 = arith.minsi %min3A_648, %max3A_647 : vector<16xi32>
    %swap3A_650 = arith.constant 2 : i32
    %swap3A_651 = arith.index_cast %swap3A_650 : i32 to index
    %swap3A_652 = arith.constant 32 : index
    %swap3A_653 = tpu.vector_load %arg10[%swap3A_651, %swap3A_652] {strides = array<i32>} : memref<4x128xi32, #tpu.memory_space<vmem>>, vector<1x16xi32>,
    %swap3A_654 = vector.shape_cast %swap3A_653 : vector<1x16xi32> to vector<16xi32>
    %swap3A_655 = vector.shape_cast %min3A_649 : vector<16xi32> to vector<1x16xi32>
    tpu.vector_store %arg10[%swap3A_651, %swap3A_652], %swap3A_655 {strides = array<i32>} : memref<4x128xi32, #tpu.memory_space<vmem>>, vector<1x16xi32>,
    %add3A_656 = vector.broadcast %add3A_641 : i32 to vector<16xi32>
    %add3A_657 = arith.addi %get3A_10, %add3A_656 : vector<16xi32>
    %jit3A_658 = arith.constant 0 : i32
    %jit3A_659 = arith.constant 4338 : i32
    %max3A_660 = vector.broadcast %jit3A_658 : i32 to vector<16xi32>
    %max3A_661 = arith.maxsi %max3A_660, %add3A_657 : vector<16xi32>
    %min3A_662 = vector.broadcast %jit3A_659 : i32 to vector<16xi32>
    %min3A_663 = arith.minsi %min3A_662, %max3A_661 : vector<16xi32>
    %swap3A_664 = arith.constant 2 : i32
    %swap3A_665 = arith.index_cast %swap3A_664 : i32 to index
    %swap3A_666 = arith.constant 32 : index
    %swap3A_667 = tpu.vector_load %arg11[%swap3A_665, %swap3A_666] {strides = array<i32>} : memref<4x128xi32, #tpu.memory_space<vmem>>, vector<1x16xi32>,
    %swap3A_668 = vector.shape_cast %swap3A_667 : vector<1x16xi32> to vector<16xi32>
    %swap3A_669 = vector.shape_cast %min3A_663 : vector<16xi32> to vector<1x16xi32>
    tpu.vector_store %arg11[%swap3A_665, %swap3A_666], %swap3A_669 {strides = array<i32>} : memref<4x128xi32, #tpu.memory_space<vmem>>, vector<1x16xi32>,
    %add3A_670 = arith.constant 16 : i32
    %add3A_671 = arith.addi %mul3A_2, %add3A_670 : i32
    %add3A_672 = arith.constant 3 : i32
    %add3A_673 = arith.addi %add3A_671, %add3A_672 : i32
    %add3A_674 = vector.broadcast %add3A_673 : i32 to vector<16xi32>
    %add3A_675 = arith.addi %get3A_4, %add3A_674 : vector<16xi32>
    %jit3A_676 = arith.constant 0 : i32
    %jit3A_677 = arith.constant 4139 : i32
    %max3A_678 = vector.broadcast %jit3A_676 : i32 to vector<16xi32>
    %max3A_679 = arith.maxsi %max3A_678, %add3A_675 : vector<16xi32>
    %min3A_680 = vector.broadcast %jit3A_677 : i32 to vector<16xi32>
    %min3A_681 = arith.minsi %min3A_680, %max3A_679 : vector<16xi32>
    %swap3A_682 = arith.constant 2 : i32
    %swap3A_683 = arith.index_cast %swap3A_682 : i32 to index
    %swap3A_684 = arith.constant 48 : index
    %swap3A_685 = tpu.vector_load %arg10[%swap3A_683, %swap3A_684] {strides = array<i32>} : memref<4x128xi32, #tpu.memory_space<vmem>>, vector<1x16xi32>,
    %swap3A_686 = vector.shape_cast %swap3A_685 : vector<1x16xi32> to vector<16xi32>
    %swap3A_687 = vector.shape_cast %min3A_681 : vector<16xi32> to vector<1x16xi32>
    tpu.vector_store %arg10[%swap3A_683, %swap3A_684], %swap3A_687 {strides = array<i32>} : memref<4x128xi32, #tpu.memory_space<vmem>>, vector<1x16xi32>,
    %add3A_688 = vector.broadcast %add3A_673 : i32 to vector<16xi32>
    %add3A_689 = arith.addi %get3A_10, %add3A_688 : vector<16xi32>
    %jit3A_690 = arith.constant 0 : i32
    %jit3A_691 = arith.constant 4338 : i32
    %max3A_692 = vector.broadcast %jit3A_690 : i32 to vector<16xi32>
    %max3A_693 = arith.maxsi %max3A_692, %add3A_689 : vector<16xi32>
    %min3A_694 = vector.broadcast %jit3A_691 : i32 to vector<16xi32>
    %min3A_695 = arith.minsi %min3A_694, %max3A_693 : vector<16xi32>
    %swap3A_696 = arith.constant 2 : i32
    %swap3A_697 = arith.index_cast %swap3A_696 : i32 to index
    %swap3A_698 = arith.constant 48 : index
    %swap3A_699 = tpu.vector_load %arg11[%swap3A_697, %swap3A_698] {strides = array<i32>} : memref<4x128xi32, #tpu.memory_space<vmem>>, vector<1x16xi32>,
    %swap3A_700 = vector.shape_cast %swap3A_699 : vector<1x16xi32> to vector<16xi32>
    %swap3A_701 = vector.shape_cast %min3A_695 : vector<16xi32> to vector<1x16xi32>
    tpu.vector_store %arg11[%swap3A_697, %swap3A_698], %swap3A_701 {strides = array<i32>} : memref<4x128xi32, #tpu.memory_space<vmem>>, vector<1x16xi32>,
    %add3A_702 = arith.constant 16 : i32
    %add3A_703 = arith.addi %mul3A_2, %add3A_702 : i32
    %add3A_704 = arith.constant 4 : i32
    %add3A_705 = arith.addi %add3A_703, %add3A_704 : i32
    %add3A_706 = vector.broadcast %add3A_705 : i32 to vector<16xi32>
    %add3A_707 = arith.addi %get3A_4, %add3A_706 : vector<16xi32>
    %jit3A_708 = arith.constant 0 : i32
    %jit3A_709 = arith.constant 4139 : i32
    %max3A_710 = vector.broadcast %jit3A_708 : i32 to vector<16xi32>
    %max3A_711 = arith.maxsi %max3A_710, %add3A_707 : vector<16xi32>
    %min3A_712 = vector.broadcast %jit3A_709 : i32 to vector<16xi32>
    %min3A_713 = arith.minsi %min3A_712, %max3A_711 : vector<16xi32>
    %swap3A_714 = arith.constant 2 : i32
    %swap3A_715 = arith.index_cast %swap3A_714 : i32 to index
    %swap3A_716 = arith.constant 64 : index
    %swap3A_717 = tpu.vector_load %arg10[%swap3A_715, %swap3A_716] {strides = array<i32>} : memref<4x128xi32, #tpu.memory_space<vmem>>, vector<1x16xi32>,
    %swap3A_718 = vector.shape_cast %swap3A_717 : vector<1x16xi32> to vector<16xi32>
    %swap3A_719 = vector.shape_cast %min3A_713 : vector<16xi32> to vector<1x16xi32>
    tpu.vector_store %arg10[%swap3A_715, %swap3A_716], %swap3A_719 {strides = array<i32>} : memref<4x128xi32, #tpu.memory_space<vmem>>, vector<1x16xi32>,
    %add3A_720 = vector.broadcast %add3A_705 : i32 to vector<16xi32>
    %add3A_721 = arith.addi %get3A_10, %add3A_720 : vector<16xi32>
    %jit3A_722 = arith.constant 0 : i32
    %jit3A_723 = arith.constant 4338 : i32
    %max3A_724 = vector.broadcast %jit3A_722 : i32 to vector<16xi32>
    %max3A_725 = arith.maxsi %max3A_724, %add3A_721 : vector<16xi32>
    %min3A_726 = vector.broadcast %jit3A_723 : i32 to vector<16xi32>
    %min3A_727 = arith.minsi %min3A_726, %max3A_725 : vector<16xi32>
    %swap3A_728 = arith.constant 2 : i32
    %swap3A_729 = arith.index_cast %swap3A_728 : i32 to index
    %swap3A_730 = arith.constant 64 : index
    %swap3A_731 = tpu.vector_load %arg11[%swap3A_729, %swap3A_730] {strides = array<i32>} : memref<4x128xi32, #tpu.memory_space<vmem>>, vector<1x16xi32>,
    %swap3A_732 = vector.shape_cast %swap3A_731 : vector<1x16xi32> to vector<16xi32>
    %swap3A_733 = vector.shape_cast %min3A_727 : vector<16xi32> to vector<1x16xi32>
    tpu.vector_store %arg11[%swap3A_729, %swap3A_730], %swap3A_733 {strides = array<i32>} : memref<4x128xi32, #tpu.memory_space<vmem>>, vector<1x16xi32>,
    %add3A_734 = arith.constant 16 : i32
    %add3A_735 = arith.addi %mul3A_2, %add3A_734 : i32
    %add3A_736 = arith.constant 5 : i32
    %add3A_737 = arith.addi %add3A_735, %add3A_736 : i32
    %add3A_738 = vector.broadcast %add3A_737 : i32 to vector<16xi32>
    %add3A_739 = arith.addi %get3A_4, %add3A_738 : vector<16xi32>
    %jit3A_740 = arith.constant 0 : i32
    %jit3A_741 = arith.constant 4139 : i32
    %max3A_742 = vector.broadcast %jit3A_740 : i32 to vector<16xi32>
    %max3A_743 = arith.maxsi %max3A_742, %add3A_739 : vector<16xi32>
    %min3A_744 = vector.broadcast %jit3A_741 : i32 to vector<16xi32>
    %min3A_745 = arith.minsi %min3A_744, %max3A_743 : vector<16xi32>
    %swap3A_746 = arith.constant 2 : i32
    %swap3A_747 = arith.index_cast %swap3A_746 : i32 to index
    %swap3A_748 = arith.constant 80 : index
    %swap3A_749 = tpu.vector_load %arg10[%swap3A_747, %swap3A_748] {strides = array<i32>} : memref<4x128xi32, #tpu.memory_space<vmem>>, vector<1x16xi32>,
    %swap3A_750 = vector.shape_cast %swap3A_749 : vector<1x16xi32> to vector<16xi32>
    %swap3A_751 = vector.shape_cast %min3A_745 : vector<16xi32> to vector<1x16xi32>
    tpu.vector_store %arg10[%swap3A_747, %swap3A_748], %swap3A_751 {strides = array<i32>} : memref<4x128xi32, #tpu.memory_space<vmem>>, vector<1x16xi32>,
    %add3A_752 = vector.broadcast %add3A_737 : i32 to vector<16xi32>
    %add3A_753 = arith.addi %get3A_10, %add3A_752 : vector<16xi32>
    %jit3A_754 = arith.constant 0 : i32
    %jit3A_755 = arith.constant 4338 : i32
    %max3A_756 = vector.broadcast %jit3A_754 : i32 to vector<16xi32>
    %max3A_757 = arith.maxsi %max3A_756, %add3A_753 : vector<16xi32>
    %min3A_758 = vector.broadcast %jit3A_755 : i32 to vector<16xi32>
    %min3A_759 = arith.minsi %min3A_758, %max3A_757 : vector<16xi32>
    %swap3A_760 = arith.constant 2 : i32
    %swap3A_761 = arith.index_cast %swap3A_760 : i32 to index
    %swap3A_762 = arith.constant 80 : index
    %swap3A_763 = tpu.vector_load %arg11[%swap3A_761, %swap3A_762] {strides = array<i32>} : memref<4x128xi32, #tpu.memory_space<vmem>>, vector<1x16xi32>,
    %swap3A_764 = vector.shape_cast %swap3A_763 : vector<1x16xi32> to vector<16xi32>
    %swap3A_765 = vector.shape_cast %min3A_759 : vector<16xi32> to vector<1x16xi32>
    tpu.vector_store %arg11[%swap3A_761, %swap3A_762], %swap3A_765 {strides = array<i32>} : memref<4x128xi32, #tpu.memory_space<vmem>>, vector<1x16xi32>,
    %add3A_766 = arith.constant 16 : i32
    %add3A_767 = arith.addi %mul3A_2, %add3A_766 : i32
    %add3A_768 = arith.constant 6 : i32
    %add3A_769 = arith.addi %add3A_767, %add3A_768 : i32
    %add3A_770 = vector.broadcast %add3A_769 : i32 to vector<16xi32>
    %add3A_771 = arith.addi %get3A_4, %add3A_770 : vector<16xi32>
    %jit3A_772 = arith.constant 0 : i32
    %jit3A_773 = arith.constant 4139 : i32
    %max3A_774 = vector.broadcast %jit3A_772 : i32 to vector<16xi32>
    %max3A_775 = arith.maxsi %max3A_774, %add3A_771 : vector<16xi32>
    %min3A_776 = vector.broadcast %jit3A_773 : i32 to vector<16xi32>
    %min3A_777 = arith.minsi %min3A_776, %max3A_775 : vector<16xi32>
    %swap3A_778 = arith.constant 2 : i32
    %swap3A_779 = arith.index_cast %swap3A_778 : i32 to index
    %swap3A_780 = arith.constant 96 : index
    %swap3A_781 = tpu.vector_load %arg10[%swap3A_779, %swap3A_780] {strides = array<i32>} : memref<4x128xi32, #tpu.memory_space<vmem>>, vector<1x16xi32>,
    %swap3A_782 = vector.shape_cast %swap3A_781 : vector<1x16xi32> to vector<16xi32>
    %swap3A_783 = vector.shape_cast %min3A_777 : vector<16xi32> to vector<1x16xi32>
    tpu.vector_store %arg10[%swap3A_779, %swap3A_780], %swap3A_783 {strides = array<i32>} : memref<4x128xi32, #tpu.memory_space<vmem>>, vector<1x16xi32>,
    %add3A_784 = vector.broadcast %add3A_769 : i32 to vector<16xi32>
    %add3A_785 = arith.addi %get3A_10, %add3A_784 : vector<16xi32>
    %jit3A_786 = arith.constant 0 : i32
    %jit3A_787 = arith.constant 4338 : i32
    %max3A_788 = vector.broadcast %jit3A_786 : i32 to vector<16xi32>
    %max3A_789 = arith.maxsi %max3A_788, %add3A_785 : vector<16xi32>
    %min3A_790 = vector.broadcast %jit3A_787 : i32 to vector<16xi32>
    %min3A_791 = arith.minsi %min3A_790, %max3A_789 : vector<16xi32>
    %swap3A_792 = arith.constant 2 : i32
    %swap3A_793 = arith.index_cast %swap3A_792 : i32 to index
    %swap3A_794 = arith.constant 96 : index
    %swap3A_795 = tpu.vector_load %arg11[%swap3A_793, %swap3A_794] {strides = array<i32>} : memref<4x128xi32, #tpu.memory_space<vmem>>, vector<1x16xi32>,
    %swap3A_796 = vector.shape_cast %swap3A_795 : vector<1x16xi32> to vector<16xi32>
    %swap3A_797 = vector.shape_cast %min3A_791 : vector<16xi32> to vector<1x16xi32>
    tpu.vector_store %arg11[%swap3A_793, %swap3A_794], %swap3A_797 {strides = array<i32>} : memref<4x128xi32, #tpu.memory_space<vmem>>, vector<1x16xi32>,
    %add3A_798 = arith.constant 16 : i32
    %add3A_799 = arith.addi %mul3A_2, %add3A_798 : i32
    %add3A_800 = arith.constant 7 : i32
    %add3A_801 = arith.addi %add3A_799, %add3A_800 : i32
    %add3A_802 = vector.broadcast %add3A_801 : i32 to vector<16xi32>
    %add3A_803 = arith.addi %get3A_4, %add3A_802 : vector<16xi32>
    %jit3A_804 = arith.constant 0 : i32
    %jit3A_805 = arith.constant 4139 : i32
    %max3A_806 = vector.broadcast %jit3A_804 : i32 to vector<16xi32>
    %max3A_807 = arith.maxsi %max3A_806, %add3A_803 : vector<16xi32>
    %min3A_808 = vector.broadcast %jit3A_805 : i32 to vector<16xi32>
    %min3A_809 = arith.minsi %min3A_808, %max3A_807 : vector<16xi32>
    %swap3A_810 = arith.constant 2 : i32
    %swap3A_811 = arith.index_cast %swap3A_810 : i32 to index
    %swap3A_812 = arith.constant 112 : index
    %swap3A_813 = tpu.vector_load %arg10[%swap3A_811, %swap3A_812] {strides = array<i32>} : memref<4x128xi32, #tpu.memory_space<vmem>>, vector<1x16xi32>,
    %swap3A_814 = vector.shape_cast %swap3A_813 : vector<1x16xi32> to vector<16xi32>
    %swap3A_815 = vector.shape_cast %min3A_809 : vector<16xi32> to vector<1x16xi32>
    tpu.vector_store %arg10[%swap3A_811, %swap3A_812], %swap3A_815 {strides = array<i32>} : memref<4x128xi32, #tpu.memory_space<vmem>>, vector<1x16xi32>,
    %add3A_816 = vector.broadcast %add3A_801 : i32 to vector<16xi32>
    %add3A_817 = arith.addi %get3A_10, %add3A_816 : vector<16xi32>
    %jit3A_818 = arith.constant 0 : i32
    %jit3A_819 = arith.constant 4338 : i32
    %max3A_820 = vector.broadcast %jit3A_818 : i32 to vector<16xi32>
    %max3A_821 = arith.maxsi %max3A_820, %add3A_817 : vector<16xi32>
    %min3A_822 = vector.broadcast %jit3A_819 : i32 to vector<16xi32>
    %min3A_823 = arith.minsi %min3A_822, %max3A_821 : vector<16xi32>
    %swap3A_824 = arith.constant 2 : i32
    %swap3A_825 = arith.index_cast %swap3A_824 : i32 to index
    %swap3A_826 = arith.constant 112 : index
    %swap3A_827 = tpu.vector_load %arg11[%swap3A_825, %swap3A_826] {strides = array<i32>} : memref<4x128xi32, #tpu.memory_space<vmem>>, vector<1x16xi32>,
    %swap3A_828 = vector.shape_cast %swap3A_827 : vector<1x16xi32> to vector<16xi32>
    %swap3A_829 = vector.shape_cast %min3A_823 : vector<16xi32> to vector<1x16xi32>
    tpu.vector_store %arg11[%swap3A_825, %swap3A_826], %swap3A_829 {strides = array<i32>} : memref<4x128xi32, #tpu.memory_space<vmem>>, vector<1x16xi32>,
    %dma_start3A_830 = arith.constant 2 : i32
    %dma_start3A_831 = arith.constant 2 : i32
    %dma_start3A_832 = arith.constant 2 : i32
    %dma_start3A_833 = arith.constant 0 : i32
    %dma_start3A_834 = tpu.memref_slice %arg12[%dma_start3A_831, %dma_start3A_833] : memref<4x128xi32, #tpu.memory_space<vmem>> -> memref<1x128xi32, #tpu.memory_space<vmem>>
    %dma_start3A_835 = tpu.memref_squeeze %dma_start3A_834 : memref<1x128xi32, #tpu.memory_space<vmem>> -> memref<128xi32, #tpu.memory_space<vmem>>
    %dma_start3A_836 = arith.constant 0 : i32
    %dma_start3A_837 = tpu.memref_slice %arg10[%dma_start3A_830, %dma_start3A_836] : memref<4x128xi32, #tpu.memory_space<vmem>> -> memref<1x128xi32, #tpu.memory_space<vmem>>
    %dma_start3A_838 = tpu.memref_squeeze %dma_start3A_837 : memref<1x128xi32, #tpu.memory_space<vmem>> -> memref<128xi32, #tpu.memory_space<vmem>>
    %dma_start3A_839 = arith.constant 0 : i32
    %dma_start3A_840 = tpu.memref_slice %arg2[%dma_start3A_839] : memref<4140xi32, #tpu.memory_space<hbm>> -> memref<4140xi32, #tpu.memory_space<hbm>>
    %dma_start3A_841 = tpu.memref_slice %arg18[%dma_start3A_832] : memref<4x!tpu.dma_semaphore, #tpu.memory_space<semaphore_mem>> -> memref<1x!tpu.dma_semaphore, #tpu.memory_space<semaphore_mem>>
    %dma_start3A_842 = tpu.memref_squeeze %dma_start3A_841 : memref<1x!tpu.dma_semaphore, #tpu.memory_space<semaphore_mem>> -> memref<!tpu.dma_semaphore, #tpu.memory_space<semaphore_mem>>
    tpu.enqueue_indirect_dma source(%dma_start3A_840 : memref<4140xi32, #tpu.memory_space<hbm>>) target(%dma_start3A_835 : memref<128xi32, #tpu.memory_space<vmem>>) offsets(%dma_start3A_838 : memref<128xi32, #tpu.memory_space<vmem>>) semaphore(%dma_start3A_842 : memref<!tpu.dma_semaphore, #tpu.memory_space<semaphore_mem>>)
    %dma_start3A_843 = arith.constant 2 : i32
    %dma_start3A_844 = arith.constant 2 : i32
    %dma_start3A_845 = arith.constant 2 : i32
    %dma_start3A_846 = arith.constant 0 : i32
    %dma_start3A_847 = tpu.memref_slice %arg13[%dma_start3A_844, %dma_start3A_846] : memref<4x128xi32, #tpu.memory_space<vmem>> -> memref<1x128xi32, #tpu.memory_space<vmem>>
    %dma_start3A_848 = tpu.memref_squeeze %dma_start3A_847 : memref<1x128xi32, #tpu.memory_space<vmem>> -> memref<128xi32, #tpu.memory_space<vmem>>
    %dma_start3A_849 = arith.constant 0 : i32
    %dma_start3A_850 = tpu.memref_slice %arg11[%dma_start3A_843, %dma_start3A_849] : memref<4x128xi32, #tpu.memory_space<vmem>> -> memref<1x128xi32, #tpu.memory_space<vmem>>
    %dma_start3A_851 = tpu.memref_squeeze %dma_start3A_850 : memref<1x128xi32, #tpu.memory_space<vmem>> -> memref<128xi32, #tpu.memory_space<vmem>>
    %dma_start3A_852 = arith.constant 0 : i32
    %dma_start3A_853 = tpu.memref_slice %arg3[%dma_start3A_852] : memref<4339xi32, #tpu.memory_space<hbm>> -> memref<4339xi32, #tpu.memory_space<hbm>>
    %dma_start3A_854 = tpu.memref_slice %arg18[%dma_start3A_845] : memref<4x!tpu.dma_semaphore, #tpu.memory_space<semaphore_mem>> -> memref<1x!tpu.dma_semaphore, #tpu.memory_space<semaphore_mem>>
    %dma_start3A_855 = tpu.memref_squeeze %dma_start3A_854 : memref<1x!tpu.dma_semaphore, #tpu.memory_space<semaphore_mem>> -> memref<!tpu.dma_semaphore, #tpu.memory_space<semaphore_mem>>
    tpu.enqueue_indirect_dma source(%dma_start3A_853 : memref<4339xi32, #tpu.memory_space<hbm>>) target(%dma_start3A_848 : memref<128xi32, #tpu.memory_space<vmem>>) offsets(%dma_start3A_851 : memref<128xi32, #tpu.memory_space<vmem>>) semaphore(%dma_start3A_855 : memref<!tpu.dma_semaphore, #tpu.memory_space<semaphore_mem>>)
    %add3A_856 = arith.constant 24 : i32
    %add3A_857 = arith.addi %mul3A_2, %add3A_856 : i32
    %add3A_858 = arith.constant 0 : i32
    %add3A_859 = arith.addi %add3A_857, %add3A_858 : i32
    %add3A_860 = vector.broadcast %add3A_859 : i32 to vector<16xi32>
    %add3A_861 = arith.addi %get3A_4, %add3A_860 : vector<16xi32>
    %jit3A_862 = arith.constant 0 : i32
    %jit3A_863 = arith.constant 4139 : i32
    %max3A_864 = vector.broadcast %jit3A_862 : i32 to vector<16xi32>
    %max3A_865 = arith.maxsi %max3A_864, %add3A_861 : vector<16xi32>
    %min3A_866 = vector.broadcast %jit3A_863 : i32 to vector<16xi32>
    %min3A_867 = arith.minsi %min3A_866, %max3A_865 : vector<16xi32>
    %swap3A_868 = arith.constant 3 : i32
    %swap3A_869 = arith.index_cast %swap3A_868 : i32 to index
    %swap3A_870 = arith.constant 0 : index
    %swap3A_871 = tpu.vector_load %arg10[%swap3A_869, %swap3A_870] {strides = array<i32>} : memref<4x128xi32, #tpu.memory_space<vmem>>, vector<1x16xi32>,
    %swap3A_872 = vector.shape_cast %swap3A_871 : vector<1x16xi32> to vector<16xi32>
    %swap3A_873 = vector.shape_cast %min3A_867 : vector<16xi32> to vector<1x16xi32>
    tpu.vector_store %arg10[%swap3A_869, %swap3A_870], %swap3A_873 {strides = array<i32>} : memref<4x128xi32, #tpu.memory_space<vmem>>, vector<1x16xi32>,
    %add3A_874 = vector.broadcast %add3A_859 : i32 to vector<16xi32>
    %add3A_875 = arith.addi %get3A_10, %add3A_874 : vector<16xi32>
    %jit3A_876 = arith.constant 0 : i32
    %jit3A_877 = arith.constant 4338 : i32
    %max3A_878 = vector.broadcast %jit3A_876 : i32 to vector<16xi32>
    %max3A_879 = arith.maxsi %max3A_878, %add3A_875 : vector<16xi32>
    %min3A_880 = vector.broadcast %jit3A_877 : i32 to vector<16xi32>
    %min3A_881 = arith.minsi %min3A_880, %max3A_879 : vector<16xi32>
    %swap3A_882 = arith.constant 3 : i32
    %swap3A_883 = arith.index_cast %swap3A_882 : i32 to index
    %swap3A_884 = arith.constant 0 : index
    %swap3A_885 = tpu.vector_load %arg11[%swap3A_883, %swap3A_884] {strides = array<i32>} : memref<4x128xi32, #tpu.memory_space<vmem>>, vector<1x16xi32>,
    %swap3A_886 = vector.shape_cast %swap3A_885 : vector<1x16xi32> to vector<16xi32>
    %swap3A_887 = vector.shape_cast %min3A_881 : vector<16xi32> to vector<1x16xi32>
    tpu.vector_store %arg11[%swap3A_883, %swap3A_884], %swap3A_887 {strides = array<i32>} : memref<4x128xi32, #tpu.memory_space<vmem>>, vector<1x16xi32>,
    %add3A_888 = arith.constant 24 : i32
    %add3A_889 = arith.addi %mul3A_2, %add3A_888 : i32
    %add3A_890 = arith.constant 1 : i32
    %add3A_891 = arith.addi %add3A_889, %add3A_890 : i32
    %add3A_892 = vector.broadcast %add3A_891 : i32 to vector<16xi32>
    %add3A_893 = arith.addi %get3A_4, %add3A_892 : vector<16xi32>
    %jit3A_894 = arith.constant 0 : i32
    %jit3A_895 = arith.constant 4139 : i32
    %max3A_896 = vector.broadcast %jit3A_894 : i32 to vector<16xi32>
    %max3A_897 = arith.maxsi %max3A_896, %add3A_893 : vector<16xi32>
    %min3A_898 = vector.broadcast %jit3A_895 : i32 to vector<16xi32>
    %min3A_899 = arith.minsi %min3A_898, %max3A_897 : vector<16xi32>
    %swap3A_900 = arith.constant 3 : i32
    %swap3A_901 = arith.index_cast %swap3A_900 : i32 to index
    %swap3A_902 = arith.constant 16 : index
    %swap3A_903 = tpu.vector_load %arg10[%swap3A_901, %swap3A_902] {strides = array<i32>} : memref<4x128xi32, #tpu.memory_space<vmem>>, vector<1x16xi32>,
    %swap3A_904 = vector.shape_cast %swap3A_903 : vector<1x16xi32> to vector<16xi32>
    %swap3A_905 = vector.shape_cast %min3A_899 : vector<16xi32> to vector<1x16xi32>
    tpu.vector_store %arg10[%swap3A_901, %swap3A_902], %swap3A_905 {strides = array<i32>} : memref<4x128xi32, #tpu.memory_space<vmem>>, vector<1x16xi32>,
    %add3A_906 = vector.broadcast %add3A_891 : i32 to vector<16xi32>
    %add3A_907 = arith.addi %get3A_10, %add3A_906 : vector<16xi32>
    %jit3A_908 = arith.constant 0 : i32
    %jit3A_909 = arith.constant 4338 : i32
    %max3A_910 = vector.broadcast %jit3A_908 : i32 to vector<16xi32>
    %max3A_911 = arith.maxsi %max3A_910, %add3A_907 : vector<16xi32>
    %min3A_912 = vector.broadcast %jit3A_909 : i32 to vector<16xi32>
    %min3A_913 = arith.minsi %min3A_912, %max3A_911 : vector<16xi32>
    %swap3A_914 = arith.constant 3 : i32
    %swap3A_915 = arith.index_cast %swap3A_914 : i32 to index
    %swap3A_916 = arith.constant 16 : index
    %swap3A_917 = tpu.vector_load %arg11[%swap3A_915, %swap3A_916] {strides = array<i32>} : memref<4x128xi32, #tpu.memory_space<vmem>>, vector<1x16xi32>,
    %swap3A_918 = vector.shape_cast %swap3A_917 : vector<1x16xi32> to vector<16xi32>
    %swap3A_919 = vector.shape_cast %min3A_913 : vector<16xi32> to vector<1x16xi32>
    tpu.vector_store %arg11[%swap3A_915, %swap3A_916], %swap3A_919 {strides = array<i32>} : memref<4x128xi32, #tpu.memory_space<vmem>>, vector<1x16xi32>,
    %add3A_920 = arith.constant 24 : i32
    %add3A_921 = arith.addi %mul3A_2, %add3A_920 : i32
    %add3A_922 = arith.constant 2 : i32
    %add3A_923 = arith.addi %add3A_921, %add3A_922 : i32
    %add3A_924 = vector.broadcast %add3A_923 : i32 to vector<16xi32>
    %add3A_925 = arith.addi %get3A_4, %add3A_924 : vector<16xi32>
    %jit3A_926 = arith.constant 0 : i32
    %jit3A_927 = arith.constant 4139 : i32
    %max3A_928 = vector.broadcast %jit3A_926 : i32 to vector<16xi32>
    %max3A_929 = arith.maxsi %max3A_928, %add3A_925 : vector<16xi32>
    %min3A_930 = vector.broadcast %jit3A_927 : i32 to vector<16xi32>
    %min3A_931 = arith.minsi %min3A_930, %max3A_929 : vector<16xi32>
    %swap3A_932 = arith.constant 3 : i32
    %swap3A_933 = arith.index_cast %swap3A_932 : i32 to index
    %swap3A_934 = arith.constant 32 : index
    %swap3A_935 = tpu.vector_load %arg10[%swap3A_933, %swap3A_934] {strides = array<i32>} : memref<4x128xi32, #tpu.memory_space<vmem>>, vector<1x16xi32>,
    %swap3A_936 = vector.shape_cast %swap3A_935 : vector<1x16xi32> to vector<16xi32>
    %swap3A_937 = vector.shape_cast %min3A_931 : vector<16xi32> to vector<1x16xi32>
    tpu.vector_store %arg10[%swap3A_933, %swap3A_934], %swap3A_937 {strides = array<i32>} : memref<4x128xi32, #tpu.memory_space<vmem>>, vector<1x16xi32>,
    %add3A_938 = vector.broadcast %add3A_923 : i32 to vector<16xi32>
    %add3A_939 = arith.addi %get3A_10, %add3A_938 : vector<16xi32>
    %jit3A_940 = arith.constant 0 : i32
    %jit3A_941 = arith.constant 4338 : i32
    %max3A_942 = vector.broadcast %jit3A_940 : i32 to vector<16xi32>
    %max3A_943 = arith.maxsi %max3A_942, %add3A_939 : vector<16xi32>
    %min3A_944 = vector.broadcast %jit3A_941 : i32 to vector<16xi32>
    %min3A_945 = arith.minsi %min3A_944, %max3A_943 : vector<16xi32>
    %swap3A_946 = arith.constant 3 : i32
    %swap3A_947 = arith.index_cast %swap3A_946 : i32 to index
    %swap3A_948 = arith.constant 32 : index
    %swap3A_949 = tpu.vector_load %arg11[%swap3A_947, %swap3A_948] {strides = array<i32>} : memref<4x128xi32, #tpu.memory_space<vmem>>, vector<1x16xi32>,
    %swap3A_950 = vector.shape_cast %swap3A_949 : vector<1x16xi32> to vector<16xi32>
    %swap3A_951 = vector.shape_cast %min3A_945 : vector<16xi32> to vector<1x16xi32>
    tpu.vector_store %arg11[%swap3A_947, %swap3A_948], %swap3A_951 {strides = array<i32>} : memref<4x128xi32, #tpu.memory_space<vmem>>, vector<1x16xi32>,
    %add3A_952 = arith.constant 24 : i32
    %add3A_953 = arith.addi %mul3A_2, %add3A_952 : i32
    %add3A_954 = arith.constant 3 : i32
    %add3A_955 = arith.addi %add3A_953, %add3A_954 : i32
    %add3A_956 = vector.broadcast %add3A_955 : i32 to vector<16xi32>
    %add3A_957 = arith.addi %get3A_4, %add3A_956 : vector<16xi32>
    %jit3A_958 = arith.constant 0 : i32
    %jit3A_959 = arith.constant 4139 : i32
    %max3A_960 = vector.broadcast %jit3A_958 : i32 to vector<16xi32>
    %max3A_961 = arith.maxsi %max3A_960, %add3A_957 : vector<16xi32>
    %min3A_962 = vector.broadcast %jit3A_959 : i32 to vector<16xi32>
    %min3A_963 = arith.minsi %min3A_962, %max3A_961 : vector<16xi32>
    %swap3A_964 = arith.constant 3 : i32
    %swap3A_965 = arith.index_cast %swap3A_964 : i32 to index
    %swap3A_966 = arith.constant 48 : index
    %swap3A_967 = tpu.vector_load %arg10[%swap3A_965, %swap3A_966] {strides = array<i32>} : memref<4x128xi32, #tpu.memory_space<vmem>>, vector<1x16xi32>,
    %swap3A_968 = vector.shape_cast %swap3A_967 : vector<1x16xi32> to vector<16xi32>
    %swap3A_969 = vector.shape_cast %min3A_963 : vector<16xi32> to vector<1x16xi32>
    tpu.vector_store %arg10[%swap3A_965, %swap3A_966], %swap3A_969 {strides = array<i32>} : memref<4x128xi32, #tpu.memory_space<vmem>>, vector<1x16xi32>,
    %add3A_970 = vector.broadcast %add3A_955 : i32 to vector<16xi32>
    %add3A_971 = arith.addi %get3A_10, %add3A_970 : vector<16xi32>
    %jit3A_972 = arith.constant 0 : i32
    %jit3A_973 = arith.constant 4338 : i32
    %max3A_974 = vector.broadcast %jit3A_972 : i32 to vector<16xi32>
    %max3A_975 = arith.maxsi %max3A_974, %add3A_971 : vector<16xi32>
    %min3A_976 = vector.broadcast %jit3A_973 : i32 to vector<16xi32>
    %min3A_977 = arith.minsi %min3A_976, %max3A_975 : vector<16xi32>
    %swap3A_978 = arith.constant 3 : i32
    %swap3A_979 = arith.index_cast %swap3A_978 : i32 to index
    %swap3A_980 = arith.constant 48 : index
    %swap3A_981 = tpu.vector_load %arg11[%swap3A_979, %swap3A_980] {strides = array<i32>} : memref<4x128xi32, #tpu.memory_space<vmem>>, vector<1x16xi32>,
    %swap3A_982 = vector.shape_cast %swap3A_981 : vector<1x16xi32> to vector<16xi32>
    %swap3A_983 = vector.shape_cast %min3A_977 : vector<16xi32> to vector<1x16xi32>
    tpu.vector_store %arg11[%swap3A_979, %swap3A_980], %swap3A_983 {strides = array<i32>} : memref<4x128xi32, #tpu.memory_space<vmem>>, vector<1x16xi32>,
    %add3A_984 = arith.constant 24 : i32
    %add3A_985 = arith.addi %mul3A_2, %add3A_984 : i32
    %add3A_986 = arith.constant 4 : i32
    %add3A_987 = arith.addi %add3A_985, %add3A_986 : i32
    %add3A_988 = vector.broadcast %add3A_987 : i32 to vector<16xi32>
    %add3A_989 = arith.addi %get3A_4, %add3A_988 : vector<16xi32>
    %jit3A_990 = arith.constant 0 : i32
    %jit3A_991 = arith.constant 4139 : i32
    %max3A_992 = vector.broadcast %jit3A_990 : i32 to vector<16xi32>
    %max3A_993 = arith.maxsi %max3A_992, %add3A_989 : vector<16xi32>
    %min3A_994 = vector.broadcast %jit3A_991 : i32 to vector<16xi32>
    %min3A_995 = arith.minsi %min3A_994, %max3A_993 : vector<16xi32>
    %swap3A_996 = arith.constant 3 : i32
    %swap3A_997 = arith.index_cast %swap3A_996 : i32 to index
    %swap3A_998 = arith.constant 64 : index
    %swap3A_999 = tpu.vector_load %arg10[%swap3A_997, %swap3A_998] {strides = array<i32>} : memref<4x128xi32, #tpu.memory_space<vmem>>, vector<1x16xi32>,
    %swap3A_1000 = vector.shape_cast %swap3A_999 : vector<1x16xi32> to vector<16xi32>
    %swap3A_1001 = vector.shape_cast %min3A_995 : vector<16xi32> to vector<1x16xi32>
    tpu.vector_store %arg10[%swap3A_997, %swap3A_998], %swap3A_1001 {strides = array<i32>} : memref<4x128xi32, #tpu.memory_space<vmem>>, vector<1x16xi32>,
    %add3A_1002 = vector.broadcast %add3A_987 : i32 to vector<16xi32>
    %add3A_1003 = arith.addi %get3A_10, %add3A_1002 : vector<16xi32>
    %jit3A_1004 = arith.constant 0 : i32
    %jit3A_1005 = arith.constant 4338 : i32
    %max3A_1006 = vector.broadcast %jit3A_1004 : i32 to vector<16xi32>
    %max3A_1007 = arith.maxsi %max3A_1006, %add3A_1003 : vector<16xi32>
    %min3A_1008 = vector.broadcast %jit3A_1005 : i32 to vector<16xi32>
    %min3A_1009 = arith.minsi %min3A_1008, %max3A_1007 : vector<16xi32>
    %swap3A_1010 = arith.constant 3 : i32
    %swap3A_1011 = arith.index_cast %swap3A_1010 : i32 to index
    %swap3A_1012 = arith.constant 64 : index
    %swap3A_1013 = tpu.vector_load %arg11[%swap3A_1011, %swap3A_1012] {strides = array<i32>} : memref<4x128xi32, #tpu.memory_space<vmem>>, vector<1x16xi32>,
    %swap3A_1014 = vector.shape_cast %swap3A_1013 : vector<1x16xi32> to vector<16xi32>
    %swap3A_1015 = vector.shape_cast %min3A_1009 : vector<16xi32> to vector<1x16xi32>
    tpu.vector_store %arg11[%swap3A_1011, %swap3A_1012], %swap3A_1015 {strides = array<i32>} : memref<4x128xi32, #tpu.memory_space<vmem>>, vector<1x16xi32>,
    %add3A_1016 = arith.constant 24 : i32
    %add3A_1017 = arith.addi %mul3A_2, %add3A_1016 : i32
    %add3A_1018 = arith.constant 5 : i32
    %add3A_1019 = arith.addi %add3A_1017, %add3A_1018 : i32
    %add3A_1020 = vector.broadcast %add3A_1019 : i32 to vector<16xi32>
    %add3A_1021 = arith.addi %get3A_4, %add3A_1020 : vector<16xi32>
    %jit3A_1022 = arith.constant 0 : i32
    %jit3A_1023 = arith.constant 4139 : i32
    %max3A_1024 = vector.broadcast %jit3A_1022 : i32 to vector<16xi32>
    %max3A_1025 = arith.maxsi %max3A_1024, %add3A_1021 : vector<16xi32>
    %min3A_1026 = vector.broadcast %jit3A_1023 : i32 to vector<16xi32>
    %min3A_1027 = arith.minsi %min3A_1026, %max3A_1025 : vector<16xi32>
    %swap3A_1028 = arith.constant 3 : i32
    %swap3A_1029 = arith.index_cast %swap3A_1028 : i32 to index
    %swap3A_1030 = arith.constant 80 : index
    %swap3A_1031 = tpu.vector_load %arg10[%swap3A_1029, %swap3A_1030] {strides = array<i32>} : memref<4x128xi32, #tpu.memory_space<vmem>>, vector<1x16xi32>,
    %swap3A_1032 = vector.shape_cast %swap3A_1031 : vector<1x16xi32> to vector<16xi32>
    %swap3A_1033 = vector.shape_cast %min3A_1027 : vector<16xi32> to vector<1x16xi32>
    tpu.vector_store %arg10[%swap3A_1029, %swap3A_1030], %swap3A_1033 {strides = array<i32>} : memref<4x128xi32, #tpu.memory_space<vmem>>, vector<1x16xi32>,
    %add3A_1034 = vector.broadcast %add3A_1019 : i32 to vector<16xi32>
    %add3A_1035 = arith.addi %get3A_10, %add3A_1034 : vector<16xi32>
    %jit3A_1036 = arith.constant 0 : i32
    %jit3A_1037 = arith.constant 4338 : i32
    %max3A_1038 = vector.broadcast %jit3A_1036 : i32 to vector<16xi32>
    %max3A_1039 = arith.maxsi %max3A_1038, %add3A_1035 : vector<16xi32>
    %min3A_1040 = vector.broadcast %jit3A_1037 : i32 to vector<16xi32>
    %min3A_1041 = arith.minsi %min3A_1040, %max3A_1039 : vector<16xi32>
    %swap3A_1042 = arith.constant 3 : i32
    %swap3A_1043 = arith.index_cast %swap3A_1042 : i32 to index
    %swap3A_1044 = arith.constant 80 : index
    %swap3A_1045 = tpu.vector_load %arg11[%swap3A_1043, %swap3A_1044] {strides = array<i32>} : memref<4x128xi32, #tpu.memory_space<vmem>>, vector<1x16xi32>,
    %swap3A_1046 = vector.shape_cast %swap3A_1045 : vector<1x16xi32> to vector<16xi32>
    %swap3A_1047 = vector.shape_cast %min3A_1041 : vector<16xi32> to vector<1x16xi32>
    tpu.vector_store %arg11[%swap3A_1043, %swap3A_1044], %swap3A_1047 {strides = array<i32>} : memref<4x128xi32, #tpu.memory_space<vmem>>, vector<1x16xi32>,
    %add3A_1048 = arith.constant 24 : i32
    %add3A_1049 = arith.addi %mul3A_2, %add3A_1048 : i32
    %add3A_1050 = arith.constant 6 : i32
    %add3A_1051 = arith.addi %add3A_1049, %add3A_1050 : i32
    %add3A_1052 = vector.broadcast %add3A_1051 : i32 to vector<16xi32>
    %add3A_1053 = arith.addi %get3A_4, %add3A_1052 : vector<16xi32>
    %jit3A_1054 = arith.constant 0 : i32
    %jit3A_1055 = arith.constant 4139 : i32
    %max3A_1056 = vector.broadcast %jit3A_1054 : i32 to vector<16xi32>
    %max3A_1057 = arith.maxsi %max3A_1056, %add3A_1053 : vector<16xi32>
    %min3A_1058 = vector.broadcast %jit3A_1055 : i32 to vector<16xi32>
    %min3A_1059 = arith.minsi %min3A_1058, %max3A_1057 : vector<16xi32>
    %swap3A_1060 = arith.constant 3 : i32
    %swap3A_1061 = arith.index_cast %swap3A_1060 : i32 to index
    %swap3A_1062 = arith.constant 96 : index
    %swap3A_1063 = tpu.vector_load %arg10[%swap3A_1061, %swap3A_1062] {strides = array<i32>} : memref<4x128xi32, #tpu.memory_space<vmem>>, vector<1x16xi32>,
    %swap3A_1064 = vector.shape_cast %swap3A_1063 : vector<1x16xi32> to vector<16xi32>
    %swap3A_1065 = vector.shape_cast %min3A_1059 : vector<16xi32> to vector<1x16xi32>
    tpu.vector_store %arg10[%swap3A_1061, %swap3A_1062], %swap3A_1065 {strides = array<i32>} : memref<4x128xi32, #tpu.memory_space<vmem>>, vector<1x16xi32>,
    %add3A_1066 = vector.broadcast %add3A_1051 : i32 to vector<16xi32>
    %add3A_1067 = arith.addi %get3A_10, %add3A_1066 : vector<16xi32>
    %jit3A_1068 = arith.constant 0 : i32
    %jit3A_1069 = arith.constant 4338 : i32
    %max3A_1070 = vector.broadcast %jit3A_1068 : i32 to vector<16xi32>
    %max3A_1071 = arith.maxsi %max3A_1070, %add3A_1067 : vector<16xi32>
    %min3A_1072 = vector.broadcast %jit3A_1069 : i32 to vector<16xi32>
    %min3A_1073 = arith.minsi %min3A_1072, %max3A_1071 : vector<16xi32>
    %swap3A_1074 = arith.constant 3 : i32
    %swap3A_1075 = arith.index_cast %swap3A_1074 : i32 to index
    %swap3A_1076 = arith.constant 96 : index
    %swap3A_1077 = tpu.vector_load %arg11[%swap3A_1075, %swap3A_1076] {strides = array<i32>} : memref<4x128xi32, #tpu.memory_space<vmem>>, vector<1x16xi32>,
    %swap3A_1078 = vector.shape_cast %swap3A_1077 : vector<1x16xi32> to vector<16xi32>
    %swap3A_1079 = vector.shape_cast %min3A_1073 : vector<16xi32> to vector<1x16xi32>
    tpu.vector_store %arg11[%swap3A_1075, %swap3A_1076], %swap3A_1079 {strides = array<i32>} : memref<4x128xi32, #tpu.memory_space<vmem>>, vector<1x16xi32>,
    %add3A_1080 = arith.constant 24 : i32
    %add3A_1081 = arith.addi %mul3A_2, %add3A_1080 : i32
    %add3A_1082 = arith.constant 7 : i32
    %add3A_1083 = arith.addi %add3A_1081, %add3A_1082 : i32
    %add3A_1084 = vector.broadcast %add3A_1083 : i32 to vector<16xi32>
    %add3A_1085 = arith.addi %get3A_4, %add3A_1084 : vector<16xi32>
    %jit3A_1086 = arith.constant 0 : i32
    %jit3A_1087 = arith.constant 4139 : i32
    %max3A_1088 = vector.broadcast %jit3A_1086 : i32 to vector<16xi32>
    %max3A_1089 = arith.maxsi %max3A_1088, %add3A_1085 : vector<16xi32>
    %min3A_1090 = vector.broadcast %jit3A_1087 : i32 to vector<16xi32>
    %min3A_1091 = arith.minsi %min3A_1090, %max3A_1089 : vector<16xi32>
    %swap3A_1092 = arith.constant 3 : i32
    %swap3A_1093 = arith.index_cast %swap3A_1092 : i32 to index
    %swap3A_1094 = arith.constant 112 : index
    %swap3A_1095 = tpu.vector_load %arg10[%swap3A_1093, %swap3A_1094] {strides = array<i32>} : memref<4x128xi32, #tpu.memory_space<vmem>>, vector<1x16xi32>,
    %swap3A_1096 = vector.shape_cast %swap3A_1095 : vector<1x16xi32> to vector<16xi32>
    %swap3A_1097 = vector.shape_cast %min3A_1091 : vector<16xi32> to vector<1x16xi32>
    tpu.vector_store %arg10[%swap3A_1093, %swap3A_1094], %swap3A_1097 {strides = array<i32>} : memref<4x128xi32, #tpu.memory_space<vmem>>, vector<1x16xi32>,
    %add3A_1098 = vector.broadcast %add3A_1083 : i32 to vector<16xi32>
    %add3A_1099 = arith.addi %get3A_10, %add3A_1098 : vector<16xi32>
    %jit3A_1100 = arith.constant 0 : i32
    %jit3A_1101 = arith.constant 4338 : i32
    %max3A_1102 = vector.broadcast %jit3A_1100 : i32 to vector<16xi32>
    %max3A_1103 = arith.maxsi %max3A_1102, %add3A_1099 : vector<16xi32>
    %min3A_1104 = vector.broadcast %jit3A_1101 : i32 to vector<16xi32>
    %min3A_1105 = arith.minsi %min3A_1104, %max3A_1103 : vector<16xi32>
    %swap3A_1106 = arith.constant 3 : i32
    %swap3A_1107 = arith.index_cast %swap3A_1106 : i32 to index
    %swap3A_1108 = arith.constant 112 : index
    %swap3A_1109 = tpu.vector_load %arg11[%swap3A_1107, %swap3A_1108] {strides = array<i32>} : memref<4x128xi32, #tpu.memory_space<vmem>>, vector<1x16xi32>,
    %swap3A_1110 = vector.shape_cast %swap3A_1109 : vector<1x16xi32> to vector<16xi32>
    %swap3A_1111 = vector.shape_cast %min3A_1105 : vector<16xi32> to vector<1x16xi32>
    tpu.vector_store %arg11[%swap3A_1107, %swap3A_1108], %swap3A_1111 {strides = array<i32>} : memref<4x128xi32, #tpu.memory_space<vmem>>, vector<1x16xi32>,
    %dma_start3A_1112 = arith.constant 3 : i32
    %dma_start3A_1113 = arith.constant 3 : i32
    %dma_start3A_1114 = arith.constant 3 : i32
    %dma_start3A_1115 = arith.constant 0 : i32
    %dma_start3A_1116 = tpu.memref_slice %arg12[%dma_start3A_1113, %dma_start3A_1115] : memref<4x128xi32, #tpu.memory_space<vmem>> -> memref<1x128xi32, #tpu.memory_space<vmem>>
    %dma_start3A_1117 = tpu.memref_squeeze %dma_start3A_1116 : memref<1x128xi32, #tpu.memory_space<vmem>> -> memref<128xi32, #tpu.memory_space<vmem>>
    %dma_start3A_1118 = arith.constant 0 : i32
    %dma_start3A_1119 = tpu.memref_slice %arg10[%dma_start3A_1112, %dma_start3A_1118] : memref<4x128xi32, #tpu.memory_space<vmem>> -> memref<1x128xi32, #tpu.memory_space<vmem>>
    %dma_start3A_1120 = tpu.memref_squeeze %dma_start3A_1119 : memref<1x128xi32, #tpu.memory_space<vmem>> -> memref<128xi32, #tpu.memory_space<vmem>>
    %dma_start3A_1121 = arith.constant 0 : i32
    %dma_start3A_1122 = tpu.memref_slice %arg2[%dma_start3A_1121] : memref<4140xi32, #tpu.memory_space<hbm>> -> memref<4140xi32, #tpu.memory_space<hbm>>
    %dma_start3A_1123 = tpu.memref_slice %arg18[%dma_start3A_1114] : memref<4x!tpu.dma_semaphore, #tpu.memory_space<semaphore_mem>> -> memref<1x!tpu.dma_semaphore, #tpu.memory_space<semaphore_mem>>
    %dma_start3A_1124 = tpu.memref_squeeze %dma_start3A_1123 : memref<1x!tpu.dma_semaphore, #tpu.memory_space<semaphore_mem>> -> memref<!tpu.dma_semaphore, #tpu.memory_space<semaphore_mem>>
    tpu.enqueue_indirect_dma source(%dma_start3A_1122 : memref<4140xi32, #tpu.memory_space<hbm>>) target(%dma_start3A_1117 : memref<128xi32, #tpu.memory_space<vmem>>) offsets(%dma_start3A_1120 : memref<128xi32, #tpu.memory_space<vmem>>) semaphore(%dma_start3A_1124 : memref<!tpu.dma_semaphore, #tpu.memory_space<semaphore_mem>>)
    %dma_start3A_1125 = arith.constant 3 : i32
    %dma_start3A_1126 = arith.constant 3 : i32
    %dma_start3A_1127 = arith.constant 3 : i32
    %dma_start3A_1128 = arith.constant 0 : i32
    %dma_start3A_1129 = tpu.memref_slice %arg13[%dma_start3A_1126, %dma_start3A_1128] : memref<4x128xi32, #tpu.memory_space<vmem>> -> memref<1x128xi32, #tpu.memory_space<vmem>>
    %dma_start3A_1130 = tpu.memref_squeeze %dma_start3A_1129 : memref<1x128xi32, #tpu.memory_space<vmem>> -> memref<128xi32, #tpu.memory_space<vmem>>
    %dma_start3A_1131 = arith.constant 0 : i32
    %dma_start3A_1132 = tpu.memref_slice %arg11[%dma_start3A_1125, %dma_start3A_1131] : memref<4x128xi32, #tpu.memory_space<vmem>> -> memref<1x128xi32, #tpu.memory_space<vmem>>
    %dma_start3A_1133 = tpu.memref_squeeze %dma_start3A_1132 : memref<1x128xi32, #tpu.memory_space<vmem>> -> memref<128xi32, #tpu.memory_space<vmem>>
    %dma_start3A_1134 = arith.constant 0 : i32
    %dma_start3A_1135 = tpu.memref_slice %arg3[%dma_start3A_1134] : memref<4339xi32, #tpu.memory_space<hbm>> -> memref<4339xi32, #tpu.memory_space<hbm>>
    %dma_start3A_1136 = tpu.memref_slice %arg18[%dma_start3A_1127] : memref<4x!tpu.dma_semaphore, #tpu.memory_space<semaphore_mem>> -> memref<1x!tpu.dma_semaphore, #tpu.memory_space<semaphore_mem>>
    %dma_start3A_1137 = tpu.memref_squeeze %dma_start3A_1136 : memref<1x!tpu.dma_semaphore, #tpu.memory_space<semaphore_mem>> -> memref<!tpu.dma_semaphore, #tpu.memory_space<semaphore_mem>>
    tpu.enqueue_indirect_dma source(%dma_start3A_1135 : memref<4339xi32, #tpu.memory_space<hbm>>) target(%dma_start3A_1130 : memref<128xi32, #tpu.memory_space<vmem>>) offsets(%dma_start3A_1133 : memref<128xi32, #tpu.memory_space<vmem>>) semaphore(%dma_start3A_1137 : memref<!tpu.dma_semaphore, #tpu.memory_space<semaphore_mem>>)
    %dma_wait3A = arith.constant 0 : i32
    %dma_wait3A_1138 = arith.constant 0 : i32
    %dma_wait3A_1139 = arith.constant 0 : i32
    %dma_wait3A_1140 = arith.constant 0 : i32
    %dma_wait3A_1141 = tpu.memref_slice %arg12[%dma_wait3A_1138, %dma_wait3A_1140] : memref<4x128xi32, #tpu.memory_space<vmem>> -> memref<1x128xi32, #tpu.memory_space<vmem>>
    %dma_wait3A_1142 = tpu.memref_squeeze %dma_wait3A_1141 : memref<1x128xi32, #tpu.memory_space<vmem>> -> memref<128xi32, #tpu.memory_space<vmem>>
    %dma_wait3A_1143 = arith.constant 0 : i32
    %dma_wait3A_1144 = tpu.memref_slice %arg10[%dma_wait3A, %dma_wait3A_1143] : memref<4x128xi32, #tpu.memory_space<vmem>> -> memref<1x128xi32, #tpu.memory_space<vmem>>
    %dma_wait3A_1145 = tpu.memref_squeeze %dma_wait3A_1144 : memref<1x128xi32, #tpu.memory_space<vmem>> -> memref<128xi32, #tpu.memory_space<vmem>>
    %dma_wait3A_1146 = arith.constant 0 : i32
    %dma_wait3A_1147 = tpu.memref_slice %arg2[%dma_wait3A_1146] : memref<4140xi32, #tpu.memory_space<hbm>> -> memref<4140xi32, #tpu.memory_space<hbm>>
    %dma_wait3A_1148 = tpu.memref_slice %arg18[%dma_wait3A_1139] : memref<4x!tpu.dma_semaphore, #tpu.memory_space<semaphore_mem>> -> memref<1x!tpu.dma_semaphore, #tpu.memory_space<semaphore_mem>>
    %dma_wait3A_1149 = tpu.memref_squeeze %dma_wait3A_1148 : memref<1x!tpu.dma_semaphore, #tpu.memory_space<semaphore_mem>> -> memref<!tpu.dma_semaphore, #tpu.memory_space<semaphore_mem>>
    tpu.wait_indirect_dma semaphore(%dma_wait3A_1149 : memref<!tpu.dma_semaphore, #tpu.memory_space<semaphore_mem>>) src(%dma_wait3A_1147 : memref<4140xi32, #tpu.memory_space<hbm>>) dst(%dma_wait3A_1142 : memref<128xi32, #tpu.memory_space<vmem>>)
    %dma_wait3A_1150 = arith.constant 0 : i32
    %dma_wait3A_1151 = arith.constant 0 : i32
    %dma_wait3A_1152 = arith.constant 0 : i32
    %dma_wait3A_1153 = arith.constant 0 : i32
    %dma_wait3A_1154 = tpu.memref_slice %arg13[%dma_wait3A_1151, %dma_wait3A_1153] : memref<4x128xi32, #tpu.memory_space<vmem>> -> memref<1x128xi32, #tpu.memory_space<vmem>>
    %dma_wait3A_1155 = tpu.memref_squeeze %dma_wait3A_1154 : memref<1x128xi32, #tpu.memory_space<vmem>> -> memref<128xi32, #tpu.memory_space<vmem>>
    %dma_wait3A_1156 = arith.constant 0 : i32
    %dma_wait3A_1157 = tpu.memref_slice %arg11[%dma_wait3A_1150, %dma_wait3A_1156] : memref<4x128xi32, #tpu.memory_space<vmem>> -> memref<1x128xi32, #tpu.memory_space<vmem>>
    %dma_wait3A_1158 = tpu.memref_squeeze %dma_wait3A_1157 : memref<1x128xi32, #tpu.memory_space<vmem>> -> memref<128xi32, #tpu.memory_space<vmem>>
    %dma_wait3A_1159 = arith.constant 0 : i32
    %dma_wait3A_1160 = tpu.memref_slice %arg3[%dma_wait3A_1159] : memref<4339xi32, #tpu.memory_space<hbm>> -> memref<4339xi32, #tpu.memory_space<hbm>>
    %dma_wait3A_1161 = tpu.memref_slice %arg18[%dma_wait3A_1152] : memref<4x!tpu.dma_semaphore, #tpu.memory_space<semaphore_mem>> -> memref<1x!tpu.dma_semaphore, #tpu.memory_space<semaphore_mem>>
    %dma_wait3A_1162 = tpu.memref_squeeze %dma_wait3A_1161 : memref<1x!tpu.dma_semaphore, #tpu.memory_space<semaphore_mem>> -> memref<!tpu.dma_semaphore, #tpu.memory_space<semaphore_mem>>
    tpu.wait_indirect_dma semaphore(%dma_wait3A_1162 : memref<!tpu.dma_semaphore, #tpu.memory_space<semaphore_mem>>) src(%dma_wait3A_1160 : memref<4339xi32, #tpu.memory_space<hbm>>) dst(%dma_wait3A_1155 : memref<128xi32, #tpu.memory_space<vmem>>)
    %add3A_1163 = arith.constant 0 : i32
    %add3A_1164 = arith.addi %mul3A_2, %add3A_1163 : i32
    %add3A_1165 = arith.constant 0 : i32
    %add3A_1166 = arith.addi %add3A_1164, %add3A_1165 : i32
    %lt3A = vector.broadcast %add3A_1166 : i32 to vector<16xi32>
    %lt3A_1167 = arith.cmpi slt, %lt3A, %sub3A : vector<16xi32>
    %get3A_1168 = arith.constant 0 : i32
    %get3A_1169 = arith.index_cast %get3A_1168 : i32 to index
    %get3A_1170 = arith.constant 0 : index
    %get3A_1171 = tpu.vector_load %arg12[%get3A_1169, %get3A_1170] {strides = array<i32>} : memref<4x128xi32, #tpu.memory_space<vmem>>, vector<1x16xi32>,
    %get3A_1172 = vector.shape_cast %get3A_1171 : vector<1x16xi32> to vector<16xi32>
    %jit3A_1173 = arith.constant 0 : i32
    %broadcast_in_dim3A = vector.broadcast %jit3A_1173 : i32 to vector<16xi32>
    %select_n3A = arith.select %lt3A_1167, %get3A_1172, %broadcast_in_dim3A : vector<16xi1>, vector<16xi32>
    %lt3A_1174 = vector.broadcast %add3A_1166 : i32 to vector<16xi32>
    %lt3A_1175 = arith.cmpi slt, %lt3A_1174, %sub3A_14 : vector<16xi32>
    %get3A_1176 = arith.constant 0 : i32
    %get3A_1177 = arith.index_cast %get3A_1176 : i32 to index
    %get3A_1178 = arith.constant 0 : index
    %get3A_1179 = tpu.vector_load %arg13[%get3A_1177, %get3A_1178] {strides = array<i32>} : memref<4x128xi32, #tpu.memory_space<vmem>>, vector<1x16xi32>,
    %get3A_1180 = vector.shape_cast %get3A_1179 : vector<1x16xi32> to vector<16xi32>
    %jit3A_1181 = arith.constant 0 : i32
    %broadcast_in_dim3A_1182 = vector.broadcast %jit3A_1181 : i32 to vector<16xi32>
    %select_n3A_1183 = arith.select %lt3A_1175, %get3A_1180, %broadcast_in_dim3A_1182 : vector<16xi1>, vector<16xi32>
    %mul3A_1184 = arith.constant 512 : i32
    %mul3A_1185 = vector.broadcast %mul3A_1184 : i32 to vector<16xi32>
    %mul3A_1186 = arith.muli %select_n3A, %mul3A_1185 : vector<16xi32>
    %add3A_1187 = arith.addi %mul3A_1186, %select_n3A_1183 : vector<16xi32>
    %swap3A_1188 = arith.constant 0 : i32
    %swap3A_1189 = arith.index_cast %swap3A_1188 : i32 to index
    %swap3A_1190 = arith.constant 0 : index
    %swap3A_1191 = tpu.vector_load %arg14[%swap3A_1189, %swap3A_1190] {strides = array<i32>} : memref<4x128xi32, #tpu.memory_space<vmem>>, vector<1x16xi32>,
    %swap3A_1192 = vector.shape_cast %swap3A_1191 : vector<1x16xi32> to vector<16xi32>
    %swap3A_1193 = vector.shape_cast %add3A_1187 : vector<16xi32> to vector<1x16xi32>
    tpu.vector_store %arg14[%swap3A_1189, %swap3A_1190], %swap3A_1193 {strides = array<i32>} : memref<4x128xi32, #tpu.memory_space<vmem>>, vector<1x16xi32>,
    %add3A_1194 = arith.constant 0 : i32
    %add3A_1195 = arith.addi %mul3A_2, %add3A_1194 : i32
    %add3A_1196 = arith.constant 1 : i32
    %add3A_1197 = arith.addi %add3A_1195, %add3A_1196 : i32
    %lt3A_1198 = vector.broadcast %add3A_1197 : i32 to vector<16xi32>
    %lt3A_1199 = arith.cmpi slt, %lt3A_1198, %sub3A : vector<16xi32>
    %get3A_1200 = arith.constant 0 : i32
    %get3A_1201 = arith.index_cast %get3A_1200 : i32 to index
    %get3A_1202 = arith.constant 16 : index
    %get3A_1203 = tpu.vector_load %arg12[%get3A_1201, %get3A_1202] {strides = array<i32>} : memref<4x128xi32, #tpu.memory_space<vmem>>, vector<1x16xi32>,
    %get3A_1204 = vector.shape_cast %get3A_1203 : vector<1x16xi32> to vector<16xi32>
    %jit3A_1205 = arith.constant 0 : i32
    %broadcast_in_dim3A_1206 = vector.broadcast %jit3A_1205 : i32 to vector<16xi32>
    %select_n3A_1207 = arith.select %lt3A_1199, %get3A_1204, %broadcast_in_dim3A_1206 : vector<16xi1>, vector<16xi32>
    %lt3A_1208 = vector.broadcast %add3A_1197 : i32 to vector<16xi32>
    %lt3A_1209 = arith.cmpi slt, %lt3A_1208, %sub3A_14 : vector<16xi32>
    %get3A_1210 = arith.constant 0 : i32
    %get3A_1211 = arith.index_cast %get3A_1210 : i32 to index
    %get3A_1212 = arith.constant 16 : index
    %get3A_1213 = tpu.vector_load %arg13[%get3A_1211, %get3A_1212] {strides = array<i32>} : memref<4x128xi32, #tpu.memory_space<vmem>>, vector<1x16xi32>,
    %get3A_1214 = vector.shape_cast %get3A_1213 : vector<1x16xi32> to vector<16xi32>
    %jit3A_1215 = arith.constant 0 : i32
    %broadcast_in_dim3A_1216 = vector.broadcast %jit3A_1215 : i32 to vector<16xi32>
    %select_n3A_1217 = arith.select %lt3A_1209, %get3A_1214, %broadcast_in_dim3A_1216 : vector<16xi1>, vector<16xi32>
    %mul3A_1218 = arith.constant 512 : i32
    %mul3A_1219 = vector.broadcast %mul3A_1218 : i32 to vector<16xi32>
    %mul3A_1220 = arith.muli %select_n3A_1207, %mul3A_1219 : vector<16xi32>
    %add3A_1221 = arith.addi %mul3A_1220, %select_n3A_1217 : vector<16xi32>
    %swap3A_1222 = arith.constant 0 : i32
    %swap3A_1223 = arith.index_cast %swap3A_1222 : i32 to index
    %swap3A_1224 = arith.constant 16 : index
    %swap3A_1225 = tpu.vector_load %arg14[%swap3A_1223, %swap3A_1224] {strides = array<i32>} : memref<4x128xi32, #tpu.memory_space<vmem>>, vector<1x16xi32>,
    %swap3A_1226 = vector.shape_cast %swap3A_1225 : vector<1x16xi32> to vector<16xi32>
    %swap3A_1227 = vector.shape_cast %add3A_1221 : vector<16xi32> to vector<1x16xi32>
    tpu.vector_store %arg14[%swap3A_1223, %swap3A_1224], %swap3A_1227 {strides = array<i32>} : memref<4x128xi32, #tpu.memory_space<vmem>>, vector<1x16xi32>,
    %add3A_1228 = arith.constant 0 : i32
    %add3A_1229 = arith.addi %mul3A_2, %add3A_1228 : i32
    %add3A_1230 = arith.constant 2 : i32
    %add3A_1231 = arith.addi %add3A_1229, %add3A_1230 : i32
    %lt3A_1232 = vector.broadcast %add3A_1231 : i32 to vector<16xi32>
    %lt3A_1233 = arith.cmpi slt, %lt3A_1232, %sub3A : vector<16xi32>
    %get3A_1234 = arith.constant 0 : i32
    %get3A_1235 = arith.index_cast %get3A_1234 : i32 to index
    %get3A_1236 = arith.constant 32 : index
    %get3A_1237 = tpu.vector_load %arg12[%get3A_1235, %get3A_1236] {strides = array<i32>} : memref<4x128xi32, #tpu.memory_space<vmem>>, vector<1x16xi32>,
    %get3A_1238 = vector.shape_cast %get3A_1237 : vector<1x16xi32> to vector<16xi32>
    %jit3A_1239 = arith.constant 0 : i32
    %broadcast_in_dim3A_1240 = vector.broadcast %jit3A_1239 : i32 to vector<16xi32>
    %select_n3A_1241 = arith.select %lt3A_1233, %get3A_1238, %broadcast_in_dim3A_1240 : vector<16xi1>, vector<16xi32>
    %lt3A_1242 = vector.broadcast %add3A_1231 : i32 to vector<16xi32>
    %lt3A_1243 = arith.cmpi slt, %lt3A_1242, %sub3A_14 : vector<16xi32>
    %get3A_1244 = arith.constant 0 : i32
    %get3A_1245 = arith.index_cast %get3A_1244 : i32 to index
    %get3A_1246 = arith.constant 32 : index
    %get3A_1247 = tpu.vector_load %arg13[%get3A_1245, %get3A_1246] {strides = array<i32>} : memref<4x128xi32, #tpu.memory_space<vmem>>, vector<1x16xi32>,
    %get3A_1248 = vector.shape_cast %get3A_1247 : vector<1x16xi32> to vector<16xi32>
    %jit3A_1249 = arith.constant 0 : i32
    %broadcast_in_dim3A_1250 = vector.broadcast %jit3A_1249 : i32 to vector<16xi32>
    %select_n3A_1251 = arith.select %lt3A_1243, %get3A_1248, %broadcast_in_dim3A_1250 : vector<16xi1>, vector<16xi32>
    %mul3A_1252 = arith.constant 512 : i32
    %mul3A_1253 = vector.broadcast %mul3A_1252 : i32 to vector<16xi32>
    %mul3A_1254 = arith.muli %select_n3A_1241, %mul3A_1253 : vector<16xi32>
    %add3A_1255 = arith.addi %mul3A_1254, %select_n3A_1251 : vector<16xi32>
    %swap3A_1256 = arith.constant 0 : i32
    %swap3A_1257 = arith.index_cast %swap3A_1256 : i32 to index
    %swap3A_1258 = arith.constant 32 : index
    %swap3A_1259 = tpu.vector_load %arg14[%swap3A_1257, %swap3A_1258] {strides = array<i32>} : memref<4x128xi32, #tpu.memory_space<vmem>>, vector<1x16xi32>,
    %swap3A_1260 = vector.shape_cast %swap3A_1259 : vector<1x16xi32> to vector<16xi32>
    %swap3A_1261 = vector.shape_cast %add3A_1255 : vector<16xi32> to vector<1x16xi32>
    tpu.vector_store %arg14[%swap3A_1257, %swap3A_1258], %swap3A_1261 {strides = array<i32>} : memref<4x128xi32, #tpu.memory_space<vmem>>, vector<1x16xi32>,
    %add3A_1262 = arith.constant 0 : i32
    %add3A_1263 = arith.addi %mul3A_2, %add3A_1262 : i32
    %add3A_1264 = arith.constant 3 : i32
    %add3A_1265 = arith.addi %add3A_1263, %add3A_1264 : i32
    %lt3A_1266 = vector.broadcast %add3A_1265 : i32 to vector<16xi32>
    %lt3A_1267 = arith.cmpi slt, %lt3A_1266, %sub3A : vector<16xi32>
    %get3A_1268 = arith.constant 0 : i32
    %get3A_1269 = arith.index_cast %get3A_1268 : i32 to index
    %get3A_1270 = arith.constant 48 : index
    %get3A_1271 = tpu.vector_load %arg12[%get3A_1269, %get3A_1270] {strides = array<i32>} : memref<4x128xi32, #tpu.memory_space<vmem>>, vector<1x16xi32>,
    %get3A_1272 = vector.shape_cast %get3A_1271 : vector<1x16xi32> to vector<16xi32>
    %jit3A_1273 = arith.constant 0 : i32
    %broadcast_in_dim3A_1274 = vector.broadcast %jit3A_1273 : i32 to vector<16xi32>
    %select_n3A_1275 = arith.select %lt3A_1267, %get3A_1272, %broadcast_in_dim3A_1274 : vector<16xi1>, vector<16xi32>
    %lt3A_1276 = vector.broadcast %add3A_1265 : i32 to vector<16xi32>
    %lt3A_1277 = arith.cmpi slt, %lt3A_1276, %sub3A_14 : vector<16xi32>
    %get3A_1278 = arith.constant 0 : i32
    %get3A_1279 = arith.index_cast %get3A_1278 : i32 to index
    %get3A_1280 = arith.constant 48 : index
    %get3A_1281 = tpu.vector_load %arg13[%get3A_1279, %get3A_1280] {strides = array<i32>} : memref<4x128xi32, #tpu.memory_space<vmem>>, vector<1x16xi32>,
    %get3A_1282 = vector.shape_cast %get3A_1281 : vector<1x16xi32> to vector<16xi32>
    %jit3A_1283 = arith.constant 0 : i32
    %broadcast_in_dim3A_1284 = vector.broadcast %jit3A_1283 : i32 to vector<16xi32>
    %select_n3A_1285 = arith.select %lt3A_1277, %get3A_1282, %broadcast_in_dim3A_1284 : vector<16xi1>, vector<16xi32>
    %mul3A_1286 = arith.constant 512 : i32
    %mul3A_1287 = vector.broadcast %mul3A_1286 : i32 to vector<16xi32>
    %mul3A_1288 = arith.muli %select_n3A_1275, %mul3A_1287 : vector<16xi32>
    %add3A_1289 = arith.addi %mul3A_1288, %select_n3A_1285 : vector<16xi32>
    %swap3A_1290 = arith.constant 0 : i32
    %swap3A_1291 = arith.index_cast %swap3A_1290 : i32 to index
    %swap3A_1292 = arith.constant 48 : index
    %swap3A_1293 = tpu.vector_load %arg14[%swap3A_1291, %swap3A_1292] {strides = array<i32>} : memref<4x128xi32, #tpu.memory_space<vmem>>, vector<1x16xi32>,
    %swap3A_1294 = vector.shape_cast %swap3A_1293 : vector<1x16xi32> to vector<16xi32>
    %swap3A_1295 = vector.shape_cast %add3A_1289 : vector<16xi32> to vector<1x16xi32>
    tpu.vector_store %arg14[%swap3A_1291, %swap3A_1292], %swap3A_1295 {strides = array<i32>} : memref<4x128xi32, #tpu.memory_space<vmem>>, vector<1x16xi32>,
    %add3A_1296 = arith.constant 0 : i32
    %add3A_1297 = arith.addi %mul3A_2, %add3A_1296 : i32
    %add3A_1298 = arith.constant 4 : i32
    %add3A_1299 = arith.addi %add3A_1297, %add3A_1298 : i32
    %lt3A_1300 = vector.broadcast %add3A_1299 : i32 to vector<16xi32>
    %lt3A_1301 = arith.cmpi slt, %lt3A_1300, %sub3A : vector<16xi32>
    %get3A_1302 = arith.constant 0 : i32
    %get3A_1303 = arith.index_cast %get3A_1302 : i32 to index
    %get3A_1304 = arith.constant 64 : index
    %get3A_1305 = tpu.vector_load %arg12[%get3A_1303, %get3A_1304] {strides = array<i32>} : memref<4x128xi32, #tpu.memory_space<vmem>>, vector<1x16xi32>,
    %get3A_1306 = vector.shape_cast %get3A_1305 : vector<1x16xi32> to vector<16xi32>
    %jit3A_1307 = arith.constant 0 : i32
    %broadcast_in_dim3A_1308 = vector.broadcast %jit3A_1307 : i32 to vector<16xi32>
    %select_n3A_1309 = arith.select %lt3A_1301, %get3A_1306, %broadcast_in_dim3A_1308 : vector<16xi1>, vector<16xi32>
    %lt3A_1310 = vector.broadcast %add3A_1299 : i32 to vector<16xi32>
    %lt3A_1311 = arith.cmpi slt, %lt3A_1310, %sub3A_14 : vector<16xi32>
    %get3A_1312 = arith.constant 0 : i32
    %get3A_1313 = arith.index_cast %get3A_1312 : i32 to index
    %get3A_1314 = arith.constant 64 : index
    %get3A_1315 = tpu.vector_load %arg13[%get3A_1313, %get3A_1314] {strides = array<i32>} : memref<4x128xi32, #tpu.memory_space<vmem>>, vector<1x16xi32>,
    %get3A_1316 = vector.shape_cast %get3A_1315 : vector<1x16xi32> to vector<16xi32>
    %jit3A_1317 = arith.constant 0 : i32
    %broadcast_in_dim3A_1318 = vector.broadcast %jit3A_1317 : i32 to vector<16xi32>
    %select_n3A_1319 = arith.select %lt3A_1311, %get3A_1316, %broadcast_in_dim3A_1318 : vector<16xi1>, vector<16xi32>
    %mul3A_1320 = arith.constant 512 : i32
    %mul3A_1321 = vector.broadcast %mul3A_1320 : i32 to vector<16xi32>
    %mul3A_1322 = arith.muli %select_n3A_1309, %mul3A_1321 : vector<16xi32>
    %add3A_1323 = arith.addi %mul3A_1322, %select_n3A_1319 : vector<16xi32>
    %swap3A_1324 = arith.constant 0 : i32
    %swap3A_1325 = arith.index_cast %swap3A_1324 : i32 to index
    %swap3A_1326 = arith.constant 64 : index
    %swap3A_1327 = tpu.vector_load %arg14[%swap3A_1325, %swap3A_1326] {strides = array<i32>} : memref<4x128xi32, #tpu.memory_space<vmem>>, vector<1x16xi32>,
    %swap3A_1328 = vector.shape_cast %swap3A_1327 : vector<1x16xi32> to vector<16xi32>
    %swap3A_1329 = vector.shape_cast %add3A_1323 : vector<16xi32> to vector<1x16xi32>
    tpu.vector_store %arg14[%swap3A_1325, %swap3A_1326], %swap3A_1329 {strides = array<i32>} : memref<4x128xi32, #tpu.memory_space<vmem>>, vector<1x16xi32>,
    %add3A_1330 = arith.constant 0 : i32
    %add3A_1331 = arith.addi %mul3A_2, %add3A_1330 : i32
    %add3A_1332 = arith.constant 5 : i32
    %add3A_1333 = arith.addi %add3A_1331, %add3A_1332 : i32
    %lt3A_1334 = vector.broadcast %add3A_1333 : i32 to vector<16xi32>
    %lt3A_1335 = arith.cmpi slt, %lt3A_1334, %sub3A : vector<16xi32>
    %get3A_1336 = arith.constant 0 : i32
    %get3A_1337 = arith.index_cast %get3A_1336 : i32 to index
    %get3A_1338 = arith.constant 80 : index
    %get3A_1339 = tpu.vector_load %arg12[%get3A_1337, %get3A_1338] {strides = array<i32>} : memref<4x128xi32, #tpu.memory_space<vmem>>, vector<1x16xi32>,
    %get3A_1340 = vector.shape_cast %get3A_1339 : vector<1x16xi32> to vector<16xi32>
    %jit3A_1341 = arith.constant 0 : i32
    %broadcast_in_dim3A_1342 = vector.broadcast %jit3A_1341 : i32 to vector<16xi32>
    %select_n3A_1343 = arith.select %lt3A_1335, %get3A_1340, %broadcast_in_dim3A_1342 : vector<16xi1>, vector<16xi32>
    %lt3A_1344 = vector.broadcast %add3A_1333 : i32 to vector<16xi32>
    %lt3A_1345 = arith.cmpi slt, %lt3A_1344, %sub3A_14 : vector<16xi32>
    %get3A_1346 = arith.constant 0 : i32
    %get3A_1347 = arith.index_cast %get3A_1346 : i32 to index
    %get3A_1348 = arith.constant 80 : index
    %get3A_1349 = tpu.vector_load %arg13[%get3A_1347, %get3A_1348] {strides = array<i32>} : memref<4x128xi32, #tpu.memory_space<vmem>>, vector<1x16xi32>,
    %get3A_1350 = vector.shape_cast %get3A_1349 : vector<1x16xi32> to vector<16xi32>
    %jit3A_1351 = arith.constant 0 : i32
    %broadcast_in_dim3A_1352 = vector.broadcast %jit3A_1351 : i32 to vector<16xi32>
    %select_n3A_1353 = arith.select %lt3A_1345, %get3A_1350, %broadcast_in_dim3A_1352 : vector<16xi1>, vector<16xi32>
    %mul3A_1354 = arith.constant 512 : i32
    %mul3A_1355 = vector.broadcast %mul3A_1354 : i32 to vector<16xi32>
    %mul3A_1356 = arith.muli %select_n3A_1343, %mul3A_1355 : vector<16xi32>
    %add3A_1357 = arith.addi %mul3A_1356, %select_n3A_1353 : vector<16xi32>
    %swap3A_1358 = arith.constant 0 : i32
    %swap3A_1359 = arith.index_cast %swap3A_1358 : i32 to index
    %swap3A_1360 = arith.constant 80 : index
    %swap3A_1361 = tpu.vector_load %arg14[%swap3A_1359, %swap3A_1360] {strides = array<i32>} : memref<4x128xi32, #tpu.memory_space<vmem>>, vector<1x16xi32>,
    %swap3A_1362 = vector.shape_cast %swap3A_1361 : vector<1x16xi32> to vector<16xi32>
    %swap3A_1363 = vector.shape_cast %add3A_1357 : vector<16xi32> to vector<1x16xi32>
    tpu.vector_store %arg14[%swap3A_1359, %swap3A_1360], %swap3A_1363 {strides = array<i32>} : memref<4x128xi32, #tpu.memory_space<vmem>>, vector<1x16xi32>,
    %add3A_1364 = arith.constant 0 : i32
    %add3A_1365 = arith.addi %mul3A_2, %add3A_1364 : i32
    %add3A_1366 = arith.constant 6 : i32
    %add3A_1367 = arith.addi %add3A_1365, %add3A_1366 : i32
    %lt3A_1368 = vector.broadcast %add3A_1367 : i32 to vector<16xi32>
    %lt3A_1369 = arith.cmpi slt, %lt3A_1368, %sub3A : vector<16xi32>
    %get3A_1370 = arith.constant 0 : i32
    %get3A_1371 = arith.index_cast %get3A_1370 : i32 to index
    %get3A_1372 = arith.constant 96 : index
    %get3A_1373 = tpu.vector_load %arg12[%get3A_1371, %get3A_1372] {strides = array<i32>} : memref<4x128xi32, #tpu.memory_space<vmem>>, vector<1x16xi32>,
    %get3A_1374 = vector.shape_cast %get3A_1373 : vector<1x16xi32> to vector<16xi32>
    %jit3A_1375 = arith.constant 0 : i32
    %broadcast_in_dim3A_1376 = vector.broadcast %jit3A_1375 : i32 to vector<16xi32>
    %select_n3A_1377 = arith.select %lt3A_1369, %get3A_1374, %broadcast_in_dim3A_1376 : vector<16xi1>, vector<16xi32>
    %lt3A_1378 = vector.broadcast %add3A_1367 : i32 to vector<16xi32>
    %lt3A_1379 = arith.cmpi slt, %lt3A_1378, %sub3A_14 : vector<16xi32>
    %get3A_1380 = arith.constant 0 : i32
    %get3A_1381 = arith.index_cast %get3A_1380 : i32 to index
    %get3A_1382 = arith.constant 96 : index
    %get3A_1383 = tpu.vector_load %arg13[%get3A_1381, %get3A_1382] {strides = array<i32>} : memref<4x128xi32, #tpu.memory_space<vmem>>, vector<1x16xi32>,
    %get3A_1384 = vector.shape_cast %get3A_1383 : vector<1x16xi32> to vector<16xi32>
    %jit3A_1385 = arith.constant 0 : i32
    %broadcast_in_dim3A_1386 = vector.broadcast %jit3A_1385 : i32 to vector<16xi32>
    %select_n3A_1387 = arith.select %lt3A_1379, %get3A_1384, %broadcast_in_dim3A_1386 : vector<16xi1>, vector<16xi32>
    %mul3A_1388 = arith.constant 512 : i32
    %mul3A_1389 = vector.broadcast %mul3A_1388 : i32 to vector<16xi32>
    %mul3A_1390 = arith.muli %select_n3A_1377, %mul3A_1389 : vector<16xi32>
    %add3A_1391 = arith.addi %mul3A_1390, %select_n3A_1387 : vector<16xi32>
    %swap3A_1392 = arith.constant 0 : i32
    %swap3A_1393 = arith.index_cast %swap3A_1392 : i32 to index
    %swap3A_1394 = arith.constant 96 : index
    %swap3A_1395 = tpu.vector_load %arg14[%swap3A_1393, %swap3A_1394] {strides = array<i32>} : memref<4x128xi32, #tpu.memory_space<vmem>>, vector<1x16xi32>,
    %swap3A_1396 = vector.shape_cast %swap3A_1395 : vector<1x16xi32> to vector<16xi32>
    %swap3A_1397 = vector.shape_cast %add3A_1391 : vector<16xi32> to vector<1x16xi32>
    tpu.vector_store %arg14[%swap3A_1393, %swap3A_1394], %swap3A_1397 {strides = array<i32>} : memref<4x128xi32, #tpu.memory_space<vmem>>, vector<1x16xi32>,
    %add3A_1398 = arith.constant 0 : i32
    %add3A_1399 = arith.addi %mul3A_2, %add3A_1398 : i32
    %add3A_1400 = arith.constant 7 : i32
    %add3A_1401 = arith.addi %add3A_1399, %add3A_1400 : i32
    %lt3A_1402 = vector.broadcast %add3A_1401 : i32 to vector<16xi32>
    %lt3A_1403 = arith.cmpi slt, %lt3A_1402, %sub3A : vector<16xi32>
    %get3A_1404 = arith.constant 0 : i32
    %get3A_1405 = arith.index_cast %get3A_1404 : i32 to index
    %get3A_1406 = arith.constant 112 : index
    %get3A_1407 = tpu.vector_load %arg12[%get3A_1405, %get3A_1406] {strides = array<i32>} : memref<4x128xi32, #tpu.memory_space<vmem>>, vector<1x16xi32>,
    %get3A_1408 = vector.shape_cast %get3A_1407 : vector<1x16xi32> to vector<16xi32>
    %jit3A_1409 = arith.constant 0 : i32
    %broadcast_in_dim3A_1410 = vector.broadcast %jit3A_1409 : i32 to vector<16xi32>
    %select_n3A_1411 = arith.select %lt3A_1403, %get3A_1408, %broadcast_in_dim3A_1410 : vector<16xi1>, vector<16xi32>
    %lt3A_1412 = vector.broadcast %add3A_1401 : i32 to vector<16xi32>
    %lt3A_1413 = arith.cmpi slt, %lt3A_1412, %sub3A_14 : vector<16xi32>
    %get3A_1414 = arith.constant 0 : i32
    %get3A_1415 = arith.index_cast %get3A_1414 : i32 to index
    %get3A_1416 = arith.constant 112 : index
    %get3A_1417 = tpu.vector_load %arg13[%get3A_1415, %get3A_1416] {strides = array<i32>} : memref<4x128xi32, #tpu.memory_space<vmem>>, vector<1x16xi32>,
    %get3A_1418 = vector.shape_cast %get3A_1417 : vector<1x16xi32> to vector<16xi32>
    %jit3A_1419 = arith.constant 0 : i32
    %broadcast_in_dim3A_1420 = vector.broadcast %jit3A_1419 : i32 to vector<16xi32>
    %select_n3A_1421 = arith.select %lt3A_1413, %get3A_1418, %broadcast_in_dim3A_1420 : vector<16xi1>, vector<16xi32>
    %mul3A_1422 = arith.constant 512 : i32
    %mul3A_1423 = vector.broadcast %mul3A_1422 : i32 to vector<16xi32>
    %mul3A_1424 = arith.muli %select_n3A_1411, %mul3A_1423 : vector<16xi32>
    %add3A_1425 = arith.addi %mul3A_1424, %select_n3A_1421 : vector<16xi32>
    %swap3A_1426 = arith.constant 0 : i32
    %swap3A_1427 = arith.index_cast %swap3A_1426 : i32 to index
    %swap3A_1428 = arith.constant 112 : index
    %swap3A_1429 = tpu.vector_load %arg14[%swap3A_1427, %swap3A_1428] {strides = array<i32>} : memref<4x128xi32, #tpu.memory_space<vmem>>, vector<1x16xi32>,
    %swap3A_1430 = vector.shape_cast %swap3A_1429 : vector<1x16xi32> to vector<16xi32>
    %swap3A_1431 = vector.shape_cast %add3A_1425 : vector<16xi32> to vector<1x16xi32>
    tpu.vector_store %arg14[%swap3A_1427, %swap3A_1428], %swap3A_1431 {strides = array<i32>} : memref<4x128xi32, #tpu.memory_space<vmem>>, vector<1x16xi32>,
    %dma_start3A_1432 = arith.constant 0 : i32
    %dma_start3A_1433 = arith.constant 0 : i32
    %dma_start3A_1434 = arith.constant 0 : i32
    %dma_start3A_1435 = arith.constant 0 : i32
    %dma_start3A_1436 = tpu.memref_slice %arg15[%dma_start3A_1433, %dma_start3A_1435] : memref<4x128xf32, #tpu.memory_space<vmem>> -> memref<1x128xf32, #tpu.memory_space<vmem>>
    %dma_start3A_1437 = tpu.memref_squeeze %dma_start3A_1436 : memref<1x128xf32, #tpu.memory_space<vmem>> -> memref<128xf32, #tpu.memory_space<vmem>>
    %dma_start3A_1438 = arith.constant 0 : i32
    %dma_start3A_1439 = tpu.memref_slice %arg14[%dma_start3A_1432, %dma_start3A_1438] : memref<4x128xi32, #tpu.memory_space<vmem>> -> memref<1x128xi32, #tpu.memory_space<vmem>>
    %dma_start3A_1440 = tpu.memref_squeeze %dma_start3A_1439 : memref<1x128xi32, #tpu.memory_space<vmem>> -> memref<128xi32, #tpu.memory_space<vmem>>
    %dma_start3A_1441 = arith.constant 0 : i32
    %dma_start3A_1442 = tpu.memref_slice %arg6[%dma_start3A_1441] : memref<262144xf32, #tpu.memory_space<hbm>> -> memref<262144xf32, #tpu.memory_space<hbm>>
    %dma_start3A_1443 = tpu.memref_slice %arg19[%dma_start3A_1434] : memref<4x!tpu.dma_semaphore, #tpu.memory_space<semaphore_mem>> -> memref<1x!tpu.dma_semaphore, #tpu.memory_space<semaphore_mem>>
    %dma_start3A_1444 = tpu.memref_squeeze %dma_start3A_1443 : memref<1x!tpu.dma_semaphore, #tpu.memory_space<semaphore_mem>> -> memref<!tpu.dma_semaphore, #tpu.memory_space<semaphore_mem>>
    tpu.enqueue_indirect_dma source(%dma_start3A_1442 : memref<262144xf32, #tpu.memory_space<hbm>>) target(%dma_start3A_1437 : memref<128xf32, #tpu.memory_space<vmem>>) offsets(%dma_start3A_1440 : memref<128xi32, #tpu.memory_space<vmem>>) semaphore(%dma_start3A_1444 : memref<!tpu.dma_semaphore, #tpu.memory_space<semaphore_mem>>)
    %dma_wait3A_1445 = arith.constant 1 : i32
    %dma_wait3A_1446 = arith.constant 1 : i32
    %dma_wait3A_1447 = arith.constant 1 : i32
    %dma_wait3A_1448 = arith.constant 0 : i32
    %dma_wait3A_1449 = tpu.memref_slice %arg12[%dma_wait3A_1446, %dma_wait3A_1448] : memref<4x128xi32, #tpu.memory_space<vmem>> -> memref<1x128xi32, #tpu.memory_space<vmem>>
    %dma_wait3A_1450 = tpu.memref_squeeze %dma_wait3A_1449 : memref<1x128xi32, #tpu.memory_space<vmem>> -> memref<128xi32, #tpu.memory_space<vmem>>
    %dma_wait3A_1451 = arith.constant 0 : i32
    %dma_wait3A_1452 = tpu.memref_slice %arg10[%dma_wait3A_1445, %dma_wait3A_1451] : memref<4x128xi32, #tpu.memory_space<vmem>> -> memref<1x128xi32, #tpu.memory_space<vmem>>
    %dma_wait3A_1453 = tpu.memref_squeeze %dma_wait3A_1452 : memref<1x128xi32, #tpu.memory_space<vmem>> -> memref<128xi32, #tpu.memory_space<vmem>>
    %dma_wait3A_1454 = arith.constant 0 : i32
    %dma_wait3A_1455 = tpu.memref_slice %arg2[%dma_wait3A_1454] : memref<4140xi32, #tpu.memory_space<hbm>> -> memref<4140xi32, #tpu.memory_space<hbm>>
    %dma_wait3A_1456 = tpu.memref_slice %arg18[%dma_wait3A_1447] : memref<4x!tpu.dma_semaphore, #tpu.memory_space<semaphore_mem>> -> memref<1x!tpu.dma_semaphore, #tpu.memory_space<semaphore_mem>>
    %dma_wait3A_1457 = tpu.memref_squeeze %dma_wait3A_1456 : memref<1x!tpu.dma_semaphore, #tpu.memory_space<semaphore_mem>> -> memref<!tpu.dma_semaphore, #tpu.memory_space<semaphore_mem>>
    tpu.wait_indirect_dma semaphore(%dma_wait3A_1457 : memref<!tpu.dma_semaphore, #tpu.memory_space<semaphore_mem>>) src(%dma_wait3A_1455 : memref<4140xi32, #tpu.memory_space<hbm>>) dst(%dma_wait3A_1450 : memref<128xi32, #tpu.memory_space<vmem>>)
    %dma_wait3A_1458 = arith.constant 1 : i32
    %dma_wait3A_1459 = arith.constant 1 : i32
    %dma_wait3A_1460 = arith.constant 1 : i32
    %dma_wait3A_1461 = arith.constant 0 : i32
    %dma_wait3A_1462 = tpu.memref_slice %arg13[%dma_wait3A_1459, %dma_wait3A_1461] : memref<4x128xi32, #tpu.memory_space<vmem>> -> memref<1x128xi32, #tpu.memory_space<vmem>>
    %dma_wait3A_1463 = tpu.memref_squeeze %dma_wait3A_1462 : memref<1x128xi32, #tpu.memory_space<vmem>> -> memref<128xi32, #tpu.memory_space<vmem>>
    %dma_wait3A_1464 = arith.constant 0 : i32
    %dma_wait3A_1465 = tpu.memref_slice %arg11[%dma_wait3A_1458, %dma_wait3A_1464] : memref<4x128xi32, #tpu.memory_space<vmem>> -> memref<1x128xi32, #tpu.memory_space<vmem>>
    %dma_wait3A_1466 = tpu.memref_squeeze %dma_wait3A_1465 : memref<1x128xi32, #tpu.memory_space<vmem>> -> memref<128xi32, #tpu.memory_space<vmem>>
    %dma_wait3A_1467 = arith.constant 0 : i32
    %dma_wait3A_1468 = tpu.memref_slice %arg3[%dma_wait3A_1467] : memref<4339xi32, #tpu.memory_space<hbm>> -> memref<4339xi32, #tpu.memory_space<hbm>>
    %dma_wait3A_1469 = tpu.memref_slice %arg18[%dma_wait3A_1460] : memref<4x!tpu.dma_semaphore, #tpu.memory_space<semaphore_mem>> -> memref<1x!tpu.dma_semaphore, #tpu.memory_space<semaphore_mem>>
    %dma_wait3A_1470 = tpu.memref_squeeze %dma_wait3A_1469 : memref<1x!tpu.dma_semaphore, #tpu.memory_space<semaphore_mem>> -> memref<!tpu.dma_semaphore, #tpu.memory_space<semaphore_mem>>
    tpu.wait_indirect_dma semaphore(%dma_wait3A_1470 : memref<!tpu.dma_semaphore, #tpu.memory_space<semaphore_mem>>) src(%dma_wait3A_1468 : memref<4339xi32, #tpu.memory_space<hbm>>) dst(%dma_wait3A_1463 : memref<128xi32, #tpu.memory_space<vmem>>)
    %add3A_1471 = arith.constant 8 : i32
    %add3A_1472 = arith.addi %mul3A_2, %add3A_1471 : i32
    %add3A_1473 = arith.constant 0 : i32
    %add3A_1474 = arith.addi %add3A_1472, %add3A_1473 : i32
    %lt3A_1475 = vector.broadcast %add3A_1474 : i32 to vector<16xi32>
    %lt3A_1476 = arith.cmpi slt, %lt3A_1475, %sub3A : vector<16xi32>
    %get3A_1477 = arith.constant 1 : i32
    %get3A_1478 = arith.index_cast %get3A_1477 : i32 to index
    %get3A_1479 = arith.constant 0 : index
    %get3A_1480 = tpu.vector_load %arg12[%get3A_1478, %get3A_1479] {strides = array<i32>} : memref<4x128xi32, #tpu.memory_space<vmem>>, vector<1x16xi32>,
    %get3A_1481 = vector.shape_cast %get3A_1480 : vector<1x16xi32> to vector<16xi32>
    %jit3A_1482 = arith.constant 0 : i32
    %broadcast_in_dim3A_1483 = vector.broadcast %jit3A_1482 : i32 to vector<16xi32>
    %select_n3A_1484 = arith.select %lt3A_1476, %get3A_1481, %broadcast_in_dim3A_1483 : vector<16xi1>, vector<16xi32>
    %lt3A_1485 = vector.broadcast %add3A_1474 : i32 to vector<16xi32>
    %lt3A_1486 = arith.cmpi slt, %lt3A_1485, %sub3A_14 : vector<16xi32>
    %get3A_1487 = arith.constant 1 : i32
    %get3A_1488 = arith.index_cast %get3A_1487 : i32 to index
    %get3A_1489 = arith.constant 0 : index
    %get3A_1490 = tpu.vector_load %arg13[%get3A_1488, %get3A_1489] {strides = array<i32>} : memref<4x128xi32, #tpu.memory_space<vmem>>, vector<1x16xi32>,
    %get3A_1491 = vector.shape_cast %get3A_1490 : vector<1x16xi32> to vector<16xi32>
    %jit3A_1492 = arith.constant 0 : i32
    %broadcast_in_dim3A_1493 = vector.broadcast %jit3A_1492 : i32 to vector<16xi32>
    %select_n3A_1494 = arith.select %lt3A_1486, %get3A_1491, %broadcast_in_dim3A_1493 : vector<16xi1>, vector<16xi32>
    %mul3A_1495 = arith.constant 512 : i32
    %mul3A_1496 = vector.broadcast %mul3A_1495 : i32 to vector<16xi32>
    %mul3A_1497 = arith.muli %select_n3A_1484, %mul3A_1496 : vector<16xi32>
    %add3A_1498 = arith.addi %mul3A_1497, %select_n3A_1494 : vector<16xi32>
    %swap3A_1499 = arith.constant 1 : i32
    %swap3A_1500 = arith.index_cast %swap3A_1499 : i32 to index
    %swap3A_1501 = arith.constant 0 : index
    %swap3A_1502 = tpu.vector_load %arg14[%swap3A_1500, %swap3A_1501] {strides = array<i32>} : memref<4x128xi32, #tpu.memory_space<vmem>>, vector<1x16xi32>,
    %swap3A_1503 = vector.shape_cast %swap3A_1502 : vector<1x16xi32> to vector<16xi32>
    %swap3A_1504 = vector.shape_cast %add3A_1498 : vector<16xi32> to vector<1x16xi32>
    tpu.vector_store %arg14[%swap3A_1500, %swap3A_1501], %swap3A_1504 {strides = array<i32>} : memref<4x128xi32, #tpu.memory_space<vmem>>, vector<1x16xi32>,
    %add3A_1505 = arith.constant 8 : i32
    %add3A_1506 = arith.addi %mul3A_2, %add3A_1505 : i32
    %add3A_1507 = arith.constant 1 : i32
    %add3A_1508 = arith.addi %add3A_1506, %add3A_1507 : i32
    %lt3A_1509 = vector.broadcast %add3A_1508 : i32 to vector<16xi32>
    %lt3A_1510 = arith.cmpi slt, %lt3A_1509, %sub3A : vector<16xi32>
    %get3A_1511 = arith.constant 1 : i32
    %get3A_1512 = arith.index_cast %get3A_1511 : i32 to index
    %get3A_1513 = arith.constant 16 : index
    %get3A_1514 = tpu.vector_load %arg12[%get3A_1512, %get3A_1513] {strides = array<i32>} : memref<4x128xi32, #tpu.memory_space<vmem>>, vector<1x16xi32>,
    %get3A_1515 = vector.shape_cast %get3A_1514 : vector<1x16xi32> to vector<16xi32>
    %jit3A_1516 = arith.constant 0 : i32
    %broadcast_in_dim3A_1517 = vector.broadcast %jit3A_1516 : i32 to vector<16xi32>
    %select_n3A_1518 = arith.select %lt3A_1510, %get3A_1515, %broadcast_in_dim3A_1517 : vector<16xi1>, vector<16xi32>
    %lt3A_1519 = vector.broadcast %add3A_1508 : i32 to vector<16xi32>
    %lt3A_1520 = arith.cmpi slt, %lt3A_1519, %sub3A_14 : vector<16xi32>
    %get3A_1521 = arith.constant 1 : i32
    %get3A_1522 = arith.index_cast %get3A_1521 : i32 to index
    %get3A_1523 = arith.constant 16 : index
    %get3A_1524 = tpu.vector_load %arg13[%get3A_1522, %get3A_1523] {strides = array<i32>} : memref<4x128xi32, #tpu.memory_space<vmem>>, vector<1x16xi32>,
    %get3A_1525 = vector.shape_cast %get3A_1524 : vector<1x16xi32> to vector<16xi32>
    %jit3A_1526 = arith.constant 0 : i32
    %broadcast_in_dim3A_1527 = vector.broadcast %jit3A_1526 : i32 to vector<16xi32>
    %select_n3A_1528 = arith.select %lt3A_1520, %get3A_1525, %broadcast_in_dim3A_1527 : vector<16xi1>, vector<16xi32>
    %mul3A_1529 = arith.constant 512 : i32
    %mul3A_1530 = vector.broadcast %mul3A_1529 : i32 to vector<16xi32>
    %mul3A_1531 = arith.muli %select_n3A_1518, %mul3A_1530 : vector<16xi32>
    %add3A_1532 = arith.addi %mul3A_1531, %select_n3A_1528 : vector<16xi32>
    %swap3A_1533 = arith.constant 1 : i32
    %swap3A_1534 = arith.index_cast %swap3A_1533 : i32 to index
    %swap3A_1535 = arith.constant 16 : index
    %swap3A_1536 = tpu.vector_load %arg14[%swap3A_1534, %swap3A_1535] {strides = array<i32>} : memref<4x128xi32, #tpu.memory_space<vmem>>, vector<1x16xi32>,
    %swap3A_1537 = vector.shape_cast %swap3A_1536 : vector<1x16xi32> to vector<16xi32>
    %swap3A_1538 = vector.shape_cast %add3A_1532 : vector<16xi32> to vector<1x16xi32>
    tpu.vector_store %arg14[%swap3A_1534, %swap3A_1535], %swap3A_1538 {strides = array<i32>} : memref<4x128xi32, #tpu.memory_space<vmem>>, vector<1x16xi32>,
    %add3A_1539 = arith.constant 8 : i32
    %add3A_1540 = arith.addi %mul3A_2, %add3A_1539 : i32
    %add3A_1541 = arith.constant 2 : i32
    %add3A_1542 = arith.addi %add3A_1540, %add3A_1541 : i32
    %lt3A_1543 = vector.broadcast %add3A_1542 : i32 to vector<16xi32>
    %lt3A_1544 = arith.cmpi slt, %lt3A_1543, %sub3A : vector<16xi32>
    %get3A_1545 = arith.constant 1 : i32
    %get3A_1546 = arith.index_cast %get3A_1545 : i32 to index
    %get3A_1547 = arith.constant 32 : index
    %get3A_1548 = tpu.vector_load %arg12[%get3A_1546, %get3A_1547] {strides = array<i32>} : memref<4x128xi32, #tpu.memory_space<vmem>>, vector<1x16xi32>,
    %get3A_1549 = vector.shape_cast %get3A_1548 : vector<1x16xi32> to vector<16xi32>
    %jit3A_1550 = arith.constant 0 : i32
    %broadcast_in_dim3A_1551 = vector.broadcast %jit3A_1550 : i32 to vector<16xi32>
    %select_n3A_1552 = arith.select %lt3A_1544, %get3A_1549, %broadcast_in_dim3A_1551 : vector<16xi1>, vector<16xi32>
    %lt3A_1553 = vector.broadcast %add3A_1542 : i32 to vector<16xi32>
    %lt3A_1554 = arith.cmpi slt, %lt3A_1553, %sub3A_14 : vector<16xi32>
    %get3A_1555 = arith.constant 1 : i32
    %get3A_1556 = arith.index_cast %get3A_1555 : i32 to index
    %get3A_1557 = arith.constant 32 : index
    %get3A_1558 = tpu.vector_load %arg13[%get3A_1556, %get3A_1557] {strides = array<i32>} : memref<4x128xi32, #tpu.memory_space<vmem>>, vector<1x16xi32>,
    %get3A_1559 = vector.shape_cast %get3A_1558 : vector<1x16xi32> to vector<16xi32>
    %jit3A_1560 = arith.constant 0 : i32
    %broadcast_in_dim3A_1561 = vector.broadcast %jit3A_1560 : i32 to vector<16xi32>
    %select_n3A_1562 = arith.select %lt3A_1554, %get3A_1559, %broadcast_in_dim3A_1561 : vector<16xi1>, vector<16xi32>
    %mul3A_1563 = arith.constant 512 : i32
    %mul3A_1564 = vector.broadcast %mul3A_1563 : i32 to vector<16xi32>
    %mul3A_1565 = arith.muli %select_n3A_1552, %mul3A_1564 : vector<16xi32>
    %add3A_1566 = arith.addi %mul3A_1565, %select_n3A_1562 : vector<16xi32>
    %swap3A_1567 = arith.constant 1 : i32
    %swap3A_1568 = arith.index_cast %swap3A_1567 : i32 to index
    %swap3A_1569 = arith.constant 32 : index
    %swap3A_1570 = tpu.vector_load %arg14[%swap3A_1568, %swap3A_1569] {strides = array<i32>} : memref<4x128xi32, #tpu.memory_space<vmem>>, vector<1x16xi32>,
    %swap3A_1571 = vector.shape_cast %swap3A_1570 : vector<1x16xi32> to vector<16xi32>
    %swap3A_1572 = vector.shape_cast %add3A_1566 : vector<16xi32> to vector<1x16xi32>
    tpu.vector_store %arg14[%swap3A_1568, %swap3A_1569], %swap3A_1572 {strides = array<i32>} : memref<4x128xi32, #tpu.memory_space<vmem>>, vector<1x16xi32>,
    %add3A_1573 = arith.constant 8 : i32
    %add3A_1574 = arith.addi %mul3A_2, %add3A_1573 : i32
    %add3A_1575 = arith.constant 3 : i32
    %add3A_1576 = arith.addi %add3A_1574, %add3A_1575 : i32
    %lt3A_1577 = vector.broadcast %add3A_1576 : i32 to vector<16xi32>
    %lt3A_1578 = arith.cmpi slt, %lt3A_1577, %sub3A : vector<16xi32>
    %get3A_1579 = arith.constant 1 : i32
    %get3A_1580 = arith.index_cast %get3A_1579 : i32 to index
    %get3A_1581 = arith.constant 48 : index
    %get3A_1582 = tpu.vector_load %arg12[%get3A_1580, %get3A_1581] {strides = array<i32>} : memref<4x128xi32, #tpu.memory_space<vmem>>, vector<1x16xi32>,
    %get3A_1583 = vector.shape_cast %get3A_1582 : vector<1x16xi32> to vector<16xi32>
    %jit3A_1584 = arith.constant 0 : i32
    %broadcast_in_dim3A_1585 = vector.broadcast %jit3A_1584 : i32 to vector<16xi32>
    %select_n3A_1586 = arith.select %lt3A_1578, %get3A_1583, %broadcast_in_dim3A_1585 : vector<16xi1>, vector<16xi32>
    %lt3A_1587 = vector.broadcast %add3A_1576 : i32 to vector<16xi32>
    %lt3A_1588 = arith.cmpi slt, %lt3A_1587, %sub3A_14 : vector<16xi32>
    %get3A_1589 = arith.constant 1 : i32
    %get3A_1590 = arith.index_cast %get3A_1589 : i32 to index
    %get3A_1591 = arith.constant 48 : index
    %get3A_1592 = tpu.vector_load %arg13[%get3A_1590, %get3A_1591] {strides = array<i32>} : memref<4x128xi32, #tpu.memory_space<vmem>>, vector<1x16xi32>,
    %get3A_1593 = vector.shape_cast %get3A_1592 : vector<1x16xi32> to vector<16xi32>
    %jit3A_1594 = arith.constant 0 : i32
    %broadcast_in_dim3A_1595 = vector.broadcast %jit3A_1594 : i32 to vector<16xi32>
    %select_n3A_1596 = arith.select %lt3A_1588, %get3A_1593, %broadcast_in_dim3A_1595 : vector<16xi1>, vector<16xi32>
    %mul3A_1597 = arith.constant 512 : i32
    %mul3A_1598 = vector.broadcast %mul3A_1597 : i32 to vector<16xi32>
    %mul3A_1599 = arith.muli %select_n3A_1586, %mul3A_1598 : vector<16xi32>
    %add3A_1600 = arith.addi %mul3A_1599, %select_n3A_1596 : vector<16xi32>
    %swap3A_1601 = arith.constant 1 : i32
    %swap3A_1602 = arith.index_cast %swap3A_1601 : i32 to index
    %swap3A_1603 = arith.constant 48 : index
    %swap3A_1604 = tpu.vector_load %arg14[%swap3A_1602, %swap3A_1603] {strides = array<i32>} : memref<4x128xi32, #tpu.memory_space<vmem>>, vector<1x16xi32>,
    %swap3A_1605 = vector.shape_cast %swap3A_1604 : vector<1x16xi32> to vector<16xi32>
    %swap3A_1606 = vector.shape_cast %add3A_1600 : vector<16xi32> to vector<1x16xi32>
    tpu.vector_store %arg14[%swap3A_1602, %swap3A_1603], %swap3A_1606 {strides = array<i32>} : memref<4x128xi32, #tpu.memory_space<vmem>>, vector<1x16xi32>,
    %add3A_1607 = arith.constant 8 : i32
    %add3A_1608 = arith.addi %mul3A_2, %add3A_1607 : i32
    %add3A_1609 = arith.constant 4 : i32
    %add3A_1610 = arith.addi %add3A_1608, %add3A_1609 : i32
    %lt3A_1611 = vector.broadcast %add3A_1610 : i32 to vector<16xi32>
    %lt3A_1612 = arith.cmpi slt, %lt3A_1611, %sub3A : vector<16xi32>
    %get3A_1613 = arith.constant 1 : i32
    %get3A_1614 = arith.index_cast %get3A_1613 : i32 to index
    %get3A_1615 = arith.constant 64 : index
    %get3A_1616 = tpu.vector_load %arg12[%get3A_1614, %get3A_1615] {strides = array<i32>} : memref<4x128xi32, #tpu.memory_space<vmem>>, vector<1x16xi32>,
    %get3A_1617 = vector.shape_cast %get3A_1616 : vector<1x16xi32> to vector<16xi32>
    %jit3A_1618 = arith.constant 0 : i32
    %broadcast_in_dim3A_1619 = vector.broadcast %jit3A_1618 : i32 to vector<16xi32>
    %select_n3A_1620 = arith.select %lt3A_1612, %get3A_1617, %broadcast_in_dim3A_1619 : vector<16xi1>, vector<16xi32>
    %lt3A_1621 = vector.broadcast %add3A_1610 : i32 to vector<16xi32>
    %lt3A_1622 = arith.cmpi slt, %lt3A_1621, %sub3A_14 : vector<16xi32>
    %get3A_1623 = arith.constant 1 : i32
    %get3A_1624 = arith.index_cast %get3A_1623 : i32 to index
    %get3A_1625 = arith.constant 64 : index
    %get3A_1626 = tpu.vector_load %arg13[%get3A_1624, %get3A_1625] {strides = array<i32>} : memref<4x128xi32, #tpu.memory_space<vmem>>, vector<1x16xi32>,
    %get3A_1627 = vector.shape_cast %get3A_1626 : vector<1x16xi32> to vector<16xi32>
    %jit3A_1628 = arith.constant 0 : i32
    %broadcast_in_dim3A_1629 = vector.broadcast %jit3A_1628 : i32 to vector<16xi32>
    %select_n3A_1630 = arith.select %lt3A_1622, %get3A_1627, %broadcast_in_dim3A_1629 : vector<16xi1>, vector<16xi32>
    %mul3A_1631 = arith.constant 512 : i32
    %mul3A_1632 = vector.broadcast %mul3A_1631 : i32 to vector<16xi32>
    %mul3A_1633 = arith.muli %select_n3A_1620, %mul3A_1632 : vector<16xi32>
    %add3A_1634 = arith.addi %mul3A_1633, %select_n3A_1630 : vector<16xi32>
    %swap3A_1635 = arith.constant 1 : i32
    %swap3A_1636 = arith.index_cast %swap3A_1635 : i32 to index
    %swap3A_1637 = arith.constant 64 : index
    %swap3A_1638 = tpu.vector_load %arg14[%swap3A_1636, %swap3A_1637] {strides = array<i32>} : memref<4x128xi32, #tpu.memory_space<vmem>>, vector<1x16xi32>,
    %swap3A_1639 = vector.shape_cast %swap3A_1638 : vector<1x16xi32> to vector<16xi32>
    %swap3A_1640 = vector.shape_cast %add3A_1634 : vector<16xi32> to vector<1x16xi32>
    tpu.vector_store %arg14[%swap3A_1636, %swap3A_1637], %swap3A_1640 {strides = array<i32>} : memref<4x128xi32, #tpu.memory_space<vmem>>, vector<1x16xi32>,
    %add3A_1641 = arith.constant 8 : i32
    %add3A_1642 = arith.addi %mul3A_2, %add3A_1641 : i32
    %add3A_1643 = arith.constant 5 : i32
    %add3A_1644 = arith.addi %add3A_1642, %add3A_1643 : i32
    %lt3A_1645 = vector.broadcast %add3A_1644 : i32 to vector<16xi32>
    %lt3A_1646 = arith.cmpi slt, %lt3A_1645, %sub3A : vector<16xi32>
    %get3A_1647 = arith.constant 1 : i32
    %get3A_1648 = arith.index_cast %get3A_1647 : i32 to index
    %get3A_1649 = arith.constant 80 : index
    %get3A_1650 = tpu.vector_load %arg12[%get3A_1648, %get3A_1649] {strides = array<i32>} : memref<4x128xi32, #tpu.memory_space<vmem>>, vector<1x16xi32>,
    %get3A_1651 = vector.shape_cast %get3A_1650 : vector<1x16xi32> to vector<16xi32>
    %jit3A_1652 = arith.constant 0 : i32
    %broadcast_in_dim3A_1653 = vector.broadcast %jit3A_1652 : i32 to vector<16xi32>
    %select_n3A_1654 = arith.select %lt3A_1646, %get3A_1651, %broadcast_in_dim3A_1653 : vector<16xi1>, vector<16xi32>
    %lt3A_1655 = vector.broadcast %add3A_1644 : i32 to vector<16xi32>
    %lt3A_1656 = arith.cmpi slt, %lt3A_1655, %sub3A_14 : vector<16xi32>
    %get3A_1657 = arith.constant 1 : i32
    %get3A_1658 = arith.index_cast %get3A_1657 : i32 to index
    %get3A_1659 = arith.constant 80 : index
    %get3A_1660 = tpu.vector_load %arg13[%get3A_1658, %get3A_1659] {strides = array<i32>} : memref<4x128xi32, #tpu.memory_space<vmem>>, vector<1x16xi32>,
    %get3A_1661 = vector.shape_cast %get3A_1660 : vector<1x16xi32> to vector<16xi32>
    %jit3A_1662 = arith.constant 0 : i32
    %broadcast_in_dim3A_1663 = vector.broadcast %jit3A_1662 : i32 to vector<16xi32>
    %select_n3A_1664 = arith.select %lt3A_1656, %get3A_1661, %broadcast_in_dim3A_1663 : vector<16xi1>, vector<16xi32>
    %mul3A_1665 = arith.constant 512 : i32
    %mul3A_1666 = vector.broadcast %mul3A_1665 : i32 to vector<16xi32>
    %mul3A_1667 = arith.muli %select_n3A_1654, %mul3A_1666 : vector<16xi32>
    %add3A_1668 = arith.addi %mul3A_1667, %select_n3A_1664 : vector<16xi32>
    %swap3A_1669 = arith.constant 1 : i32
    %swap3A_1670 = arith.index_cast %swap3A_1669 : i32 to index
    %swap3A_1671 = arith.constant 80 : index
    %swap3A_1672 = tpu.vector_load %arg14[%swap3A_1670, %swap3A_1671] {strides = array<i32>} : memref<4x128xi32, #tpu.memory_space<vmem>>, vector<1x16xi32>,
    %swap3A_1673 = vector.shape_cast %swap3A_1672 : vector<1x16xi32> to vector<16xi32>
    %swap3A_1674 = vector.shape_cast %add3A_1668 : vector<16xi32> to vector<1x16xi32>
    tpu.vector_store %arg14[%swap3A_1670, %swap3A_1671], %swap3A_1674 {strides = array<i32>} : memref<4x128xi32, #tpu.memory_space<vmem>>, vector<1x16xi32>,
    %add3A_1675 = arith.constant 8 : i32
    %add3A_1676 = arith.addi %mul3A_2, %add3A_1675 : i32
    %add3A_1677 = arith.constant 6 : i32
    %add3A_1678 = arith.addi %add3A_1676, %add3A_1677 : i32
    %lt3A_1679 = vector.broadcast %add3A_1678 : i32 to vector<16xi32>
    %lt3A_1680 = arith.cmpi slt, %lt3A_1679, %sub3A : vector<16xi32>
    %get3A_1681 = arith.constant 1 : i32
    %get3A_1682 = arith.index_cast %get3A_1681 : i32 to index
    %get3A_1683 = arith.constant 96 : index
    %get3A_1684 = tpu.vector_load %arg12[%get3A_1682, %get3A_1683] {strides = array<i32>} : memref<4x128xi32, #tpu.memory_space<vmem>>, vector<1x16xi32>,
    %get3A_1685 = vector.shape_cast %get3A_1684 : vector<1x16xi32> to vector<16xi32>
    %jit3A_1686 = arith.constant 0 : i32
    %broadcast_in_dim3A_1687 = vector.broadcast %jit3A_1686 : i32 to vector<16xi32>
    %select_n3A_1688 = arith.select %lt3A_1680, %get3A_1685, %broadcast_in_dim3A_1687 : vector<16xi1>, vector<16xi32>
    %lt3A_1689 = vector.broadcast %add3A_1678 : i32 to vector<16xi32>
    %lt3A_1690 = arith.cmpi slt, %lt3A_1689, %sub3A_14 : vector<16xi32>
    %get3A_1691 = arith.constant 1 : i32
    %get3A_1692 = arith.index_cast %get3A_1691 : i32 to index
    %get3A_1693 = arith.constant 96 : index
    %get3A_1694 = tpu.vector_load %arg13[%get3A_1692, %get3A_1693] {strides = array<i32>} : memref<4x128xi32, #tpu.memory_space<vmem>>, vector<1x16xi32>,
    %get3A_1695 = vector.shape_cast %get3A_1694 : vector<1x16xi32> to vector<16xi32>
    %jit3A_1696 = arith.constant 0 : i32
    %broadcast_in_dim3A_1697 = vector.broadcast %jit3A_1696 : i32 to vector<16xi32>
    %select_n3A_1698 = arith.select %lt3A_1690, %get3A_1695, %broadcast_in_dim3A_1697 : vector<16xi1>, vector<16xi32>
    %mul3A_1699 = arith.constant 512 : i32
    %mul3A_1700 = vector.broadcast %mul3A_1699 : i32 to vector<16xi32>
    %mul3A_1701 = arith.muli %select_n3A_1688, %mul3A_1700 : vector<16xi32>
    %add3A_1702 = arith.addi %mul3A_1701, %select_n3A_1698 : vector<16xi32>
    %swap3A_1703 = arith.constant 1 : i32
    %swap3A_1704 = arith.index_cast %swap3A_1703 : i32 to index
    %swap3A_1705 = arith.constant 96 : index
    %swap3A_1706 = tpu.vector_load %arg14[%swap3A_1704, %swap3A_1705] {strides = array<i32>} : memref<4x128xi32, #tpu.memory_space<vmem>>, vector<1x16xi32>,
    %swap3A_1707 = vector.shape_cast %swap3A_1706 : vector<1x16xi32> to vector<16xi32>
    %swap3A_1708 = vector.shape_cast %add3A_1702 : vector<16xi32> to vector<1x16xi32>
    tpu.vector_store %arg14[%swap3A_1704, %swap3A_1705], %swap3A_1708 {strides = array<i32>} : memref<4x128xi32, #tpu.memory_space<vmem>>, vector<1x16xi32>,
    %add3A_1709 = arith.constant 8 : i32
    %add3A_1710 = arith.addi %mul3A_2, %add3A_1709 : i32
    %add3A_1711 = arith.constant 7 : i32
    %add3A_1712 = arith.addi %add3A_1710, %add3A_1711 : i32
    %lt3A_1713 = vector.broadcast %add3A_1712 : i32 to vector<16xi32>
    %lt3A_1714 = arith.cmpi slt, %lt3A_1713, %sub3A : vector<16xi32>
    %get3A_1715 = arith.constant 1 : i32
    %get3A_1716 = arith.index_cast %get3A_1715 : i32 to index
    %get3A_1717 = arith.constant 112 : index
    %get3A_1718 = tpu.vector_load %arg12[%get3A_1716, %get3A_1717] {strides = array<i32>} : memref<4x128xi32, #tpu.memory_space<vmem>>, vector<1x16xi32>,
    %get3A_1719 = vector.shape_cast %get3A_1718 : vector<1x16xi32> to vector<16xi32>
    %jit3A_1720 = arith.constant 0 : i32
    %broadcast_in_dim3A_1721 = vector.broadcast %jit3A_1720 : i32 to vector<16xi32>
    %select_n3A_1722 = arith.select %lt3A_1714, %get3A_1719, %broadcast_in_dim3A_1721 : vector<16xi1>, vector<16xi32>
    %lt3A_1723 = vector.broadcast %add3A_1712 : i32 to vector<16xi32>
    %lt3A_1724 = arith.cmpi slt, %lt3A_1723, %sub3A_14 : vector<16xi32>
    %get3A_1725 = arith.constant 1 : i32
    %get3A_1726 = arith.index_cast %get3A_1725 : i32 to index
    %get3A_1727 = arith.constant 112 : index
    %get3A_1728 = tpu.vector_load %arg13[%get3A_1726, %get3A_1727] {strides = array<i32>} : memref<4x128xi32, #tpu.memory_space<vmem>>, vector<1x16xi32>,
    %get3A_1729 = vector.shape_cast %get3A_1728 : vector<1x16xi32> to vector<16xi32>
    %jit3A_1730 = arith.constant 0 : i32
    %broadcast_in_dim3A_1731 = vector.broadcast %jit3A_1730 : i32 to vector<16xi32>
    %select_n3A_1732 = arith.select %lt3A_1724, %get3A_1729, %broadcast_in_dim3A_1731 : vector<16xi1>, vector<16xi32>
    %mul3A_1733 = arith.constant 512 : i32
    %mul3A_1734 = vector.broadcast %mul3A_1733 : i32 to vector<16xi32>
    %mul3A_1735 = arith.muli %select_n3A_1722, %mul3A_1734 : vector<16xi32>
    %add3A_1736 = arith.addi %mul3A_1735, %select_n3A_1732 : vector<16xi32>
    %swap3A_1737 = arith.constant 1 : i32
    %swap3A_1738 = arith.index_cast %swap3A_1737 : i32 to index
    %swap3A_1739 = arith.constant 112 : index
    %swap3A_1740 = tpu.vector_load %arg14[%swap3A_1738, %swap3A_1739] {strides = array<i32>} : memref<4x128xi32, #tpu.memory_space<vmem>>, vector<1x16xi32>,
    %swap3A_1741 = vector.shape_cast %swap3A_1740 : vector<1x16xi32> to vector<16xi32>
    %swap3A_1742 = vector.shape_cast %add3A_1736 : vector<16xi32> to vector<1x16xi32>
    tpu.vector_store %arg14[%swap3A_1738, %swap3A_1739], %swap3A_1742 {strides = array<i32>} : memref<4x128xi32, #tpu.memory_space<vmem>>, vector<1x16xi32>,
    %dma_start3A_1743 = arith.constant 1 : i32
    %dma_start3A_1744 = arith.constant 1 : i32
    %dma_start3A_1745 = arith.constant 1 : i32
    %dma_start3A_1746 = arith.constant 0 : i32
    %dma_start3A_1747 = tpu.memref_slice %arg15[%dma_start3A_1744, %dma_start3A_1746] : memref<4x128xf32, #tpu.memory_space<vmem>> -> memref<1x128xf32, #tpu.memory_space<vmem>>
    %dma_start3A_1748 = tpu.memref_squeeze %dma_start3A_1747 : memref<1x128xf32, #tpu.memory_space<vmem>> -> memref<128xf32, #tpu.memory_space<vmem>>
    %dma_start3A_1749 = arith.constant 0 : i32
    %dma_start3A_1750 = tpu.memref_slice %arg14[%dma_start3A_1743, %dma_start3A_1749] : memref<4x128xi32, #tpu.memory_space<vmem>> -> memref<1x128xi32, #tpu.memory_space<vmem>>
    %dma_start3A_1751 = tpu.memref_squeeze %dma_start3A_1750 : memref<1x128xi32, #tpu.memory_space<vmem>> -> memref<128xi32, #tpu.memory_space<vmem>>
    %dma_start3A_1752 = arith.constant 0 : i32
    %dma_start3A_1753 = tpu.memref_slice %arg6[%dma_start3A_1752] : memref<262144xf32, #tpu.memory_space<hbm>> -> memref<262144xf32, #tpu.memory_space<hbm>>
    %dma_start3A_1754 = tpu.memref_slice %arg19[%dma_start3A_1745] : memref<4x!tpu.dma_semaphore, #tpu.memory_space<semaphore_mem>> -> memref<1x!tpu.dma_semaphore, #tpu.memory_space<semaphore_mem>>
    %dma_start3A_1755 = tpu.memref_squeeze %dma_start3A_1754 : memref<1x!tpu.dma_semaphore, #tpu.memory_space<semaphore_mem>> -> memref<!tpu.dma_semaphore, #tpu.memory_space<semaphore_mem>>
    tpu.enqueue_indirect_dma source(%dma_start3A_1753 : memref<262144xf32, #tpu.memory_space<hbm>>) target(%dma_start3A_1748 : memref<128xf32, #tpu.memory_space<vmem>>) offsets(%dma_start3A_1751 : memref<128xi32, #tpu.memory_space<vmem>>) semaphore(%dma_start3A_1755 : memref<!tpu.dma_semaphore, #tpu.memory_space<semaphore_mem>>)
    %dma_wait3A_1756 = arith.constant 2 : i32
    %dma_wait3A_1757 = arith.constant 2 : i32
    %dma_wait3A_1758 = arith.constant 2 : i32
    %dma_wait3A_1759 = arith.constant 0 : i32
    %dma_wait3A_1760 = tpu.memref_slice %arg12[%dma_wait3A_1757, %dma_wait3A_1759] : memref<4x128xi32, #tpu.memory_space<vmem>> -> memref<1x128xi32, #tpu.memory_space<vmem>>
    %dma_wait3A_1761 = tpu.memref_squeeze %dma_wait3A_1760 : memref<1x128xi32, #tpu.memory_space<vmem>> -> memref<128xi32, #tpu.memory_space<vmem>>
    %dma_wait3A_1762 = arith.constant 0 : i32
    %dma_wait3A_1763 = tpu.memref_slice %arg10[%dma_wait3A_1756, %dma_wait3A_1762] : memref<4x128xi32, #tpu.memory_space<vmem>> -> memref<1x128xi32, #tpu.memory_space<vmem>>
    %dma_wait3A_1764 = tpu.memref_squeeze %dma_wait3A_1763 : memref<1x128xi32, #tpu.memory_space<vmem>> -> memref<128xi32, #tpu.memory_space<vmem>>
    %dma_wait3A_1765 = arith.constant 0 : i32
    %dma_wait3A_1766 = tpu.memref_slice %arg2[%dma_wait3A_1765] : memref<4140xi32, #tpu.memory_space<hbm>> -> memref<4140xi32, #tpu.memory_space<hbm>>
    %dma_wait3A_1767 = tpu.memref_slice %arg18[%dma_wait3A_1758] : memref<4x!tpu.dma_semaphore, #tpu.memory_space<semaphore_mem>> -> memref<1x!tpu.dma_semaphore, #tpu.memory_space<semaphore_mem>>
    %dma_wait3A_1768 = tpu.memref_squeeze %dma_wait3A_1767 : memref<1x!tpu.dma_semaphore, #tpu.memory_space<semaphore_mem>> -> memref<!tpu.dma_semaphore, #tpu.memory_space<semaphore_mem>>
    tpu.wait_indirect_dma semaphore(%dma_wait3A_1768 : memref<!tpu.dma_semaphore, #tpu.memory_space<semaphore_mem>>) src(%dma_wait3A_1766 : memref<4140xi32, #tpu.memory_space<hbm>>) dst(%dma_wait3A_1761 : memref<128xi32, #tpu.memory_space<vmem>>)
    %dma_wait3A_1769 = arith.constant 2 : i32
    %dma_wait3A_1770 = arith.constant 2 : i32
    %dma_wait3A_1771 = arith.constant 2 : i32
    %dma_wait3A_1772 = arith.constant 0 : i32
    %dma_wait3A_1773 = tpu.memref_slice %arg13[%dma_wait3A_1770, %dma_wait3A_1772] : memref<4x128xi32, #tpu.memory_space<vmem>> -> memref<1x128xi32, #tpu.memory_space<vmem>>
    %dma_wait3A_1774 = tpu.memref_squeeze %dma_wait3A_1773 : memref<1x128xi32, #tpu.memory_space<vmem>> -> memref<128xi32, #tpu.memory_space<vmem>>
    %dma_wait3A_1775 = arith.constant 0 : i32
    %dma_wait3A_1776 = tpu.memref_slice %arg11[%dma_wait3A_1769, %dma_wait3A_1775] : memref<4x128xi32, #tpu.memory_space<vmem>> -> memref<1x128xi32, #tpu.memory_space<vmem>>
    %dma_wait3A_1777 = tpu.memref_squeeze %dma_wait3A_1776 : memref<1x128xi32, #tpu.memory_space<vmem>> -> memref<128xi32, #tpu.memory_space<vmem>>
    %dma_wait3A_1778 = arith.constant 0 : i32
    %dma_wait3A_1779 = tpu.memref_slice %arg3[%dma_wait3A_1778] : memref<4339xi32, #tpu.memory_space<hbm>> -> memref<4339xi32, #tpu.memory_space<hbm>>
    %dma_wait3A_1780 = tpu.memref_slice %arg18[%dma_wait3A_1771] : memref<4x!tpu.dma_semaphore, #tpu.memory_space<semaphore_mem>> -> memref<1x!tpu.dma_semaphore, #tpu.memory_space<semaphore_mem>>
    %dma_wait3A_1781 = tpu.memref_squeeze %dma_wait3A_1780 : memref<1x!tpu.dma_semaphore, #tpu.memory_space<semaphore_mem>> -> memref<!tpu.dma_semaphore, #tpu.memory_space<semaphore_mem>>
    tpu.wait_indirect_dma semaphore(%dma_wait3A_1781 : memref<!tpu.dma_semaphore, #tpu.memory_space<semaphore_mem>>) src(%dma_wait3A_1779 : memref<4339xi32, #tpu.memory_space<hbm>>) dst(%dma_wait3A_1774 : memref<128xi32, #tpu.memory_space<vmem>>)
    %add3A_1782 = arith.constant 16 : i32
    %add3A_1783 = arith.addi %mul3A_2, %add3A_1782 : i32
    %add3A_1784 = arith.constant 0 : i32
    %add3A_1785 = arith.addi %add3A_1783, %add3A_1784 : i32
    %lt3A_1786 = vector.broadcast %add3A_1785 : i32 to vector<16xi32>
    %lt3A_1787 = arith.cmpi slt, %lt3A_1786, %sub3A : vector<16xi32>
    %get3A_1788 = arith.constant 2 : i32
    %get3A_1789 = arith.index_cast %get3A_1788 : i32 to index
    %get3A_1790 = arith.constant 0 : index
    %get3A_1791 = tpu.vector_load %arg12[%get3A_1789, %get3A_1790] {strides = array<i32>} : memref<4x128xi32, #tpu.memory_space<vmem>>, vector<1x16xi32>,
    %get3A_1792 = vector.shape_cast %get3A_1791 : vector<1x16xi32> to vector<16xi32>
    %jit3A_1793 = arith.constant 0 : i32
    %broadcast_in_dim3A_1794 = vector.broadcast %jit3A_1793 : i32 to vector<16xi32>
    %select_n3A_1795 = arith.select %lt3A_1787, %get3A_1792, %broadcast_in_dim3A_1794 : vector<16xi1>, vector<16xi32>
    %lt3A_1796 = vector.broadcast %add3A_1785 : i32 to vector<16xi32>
    %lt3A_1797 = arith.cmpi slt, %lt3A_1796, %sub3A_14 : vector<16xi32>
    %get3A_1798 = arith.constant 2 : i32
    %get3A_1799 = arith.index_cast %get3A_1798 : i32 to index
    %get3A_1800 = arith.constant 0 : index
    %get3A_1801 = tpu.vector_load %arg13[%get3A_1799, %get3A_1800] {strides = array<i32>} : memref<4x128xi32, #tpu.memory_space<vmem>>, vector<1x16xi32>,
    %get3A_1802 = vector.shape_cast %get3A_1801 : vector<1x16xi32> to vector<16xi32>
    %jit3A_1803 = arith.constant 0 : i32
    %broadcast_in_dim3A_1804 = vector.broadcast %jit3A_1803 : i32 to vector<16xi32>
    %select_n3A_1805 = arith.select %lt3A_1797, %get3A_1802, %broadcast_in_dim3A_1804 : vector<16xi1>, vector<16xi32>
    %mul3A_1806 = arith.constant 512 : i32
    %mul3A_1807 = vector.broadcast %mul3A_1806 : i32 to vector<16xi32>
    %mul3A_1808 = arith.muli %select_n3A_1795, %mul3A_1807 : vector<16xi32>
    %add3A_1809 = arith.addi %mul3A_1808, %select_n3A_1805 : vector<16xi32>
    %swap3A_1810 = arith.constant 2 : i32
    %swap3A_1811 = arith.index_cast %swap3A_1810 : i32 to index
    %swap3A_1812 = arith.constant 0 : index
    %swap3A_1813 = tpu.vector_load %arg14[%swap3A_1811, %swap3A_1812] {strides = array<i32>} : memref<4x128xi32, #tpu.memory_space<vmem>>, vector<1x16xi32>,
    %swap3A_1814 = vector.shape_cast %swap3A_1813 : vector<1x16xi32> to vector<16xi32>
    %swap3A_1815 = vector.shape_cast %add3A_1809 : vector<16xi32> to vector<1x16xi32>
    tpu.vector_store %arg14[%swap3A_1811, %swap3A_1812], %swap3A_1815 {strides = array<i32>} : memref<4x128xi32, #tpu.memory_space<vmem>>, vector<1x16xi32>,
    %add3A_1816 = arith.constant 16 : i32
    %add3A_1817 = arith.addi %mul3A_2, %add3A_1816 : i32
    %add3A_1818 = arith.constant 1 : i32
    %add3A_1819 = arith.addi %add3A_1817, %add3A_1818 : i32
    %lt3A_1820 = vector.broadcast %add3A_1819 : i32 to vector<16xi32>
    %lt3A_1821 = arith.cmpi slt, %lt3A_1820, %sub3A : vector<16xi32>
    %get3A_1822 = arith.constant 2 : i32
    %get3A_1823 = arith.index_cast %get3A_1822 : i32 to index
    %get3A_1824 = arith.constant 16 : index
    %get3A_1825 = tpu.vector_load %arg12[%get3A_1823, %get3A_1824] {strides = array<i32>} : memref<4x128xi32, #tpu.memory_space<vmem>>, vector<1x16xi32>,
    %get3A_1826 = vector.shape_cast %get3A_1825 : vector<1x16xi32> to vector<16xi32>
    %jit3A_1827 = arith.constant 0 : i32
    %broadcast_in_dim3A_1828 = vector.broadcast %jit3A_1827 : i32 to vector<16xi32>
    %select_n3A_1829 = arith.select %lt3A_1821, %get3A_1826, %broadcast_in_dim3A_1828 : vector<16xi1>, vector<16xi32>
    %lt3A_1830 = vector.broadcast %add3A_1819 : i32 to vector<16xi32>
    %lt3A_1831 = arith.cmpi slt, %lt3A_1830, %sub3A_14 : vector<16xi32>
    %get3A_1832 = arith.constant 2 : i32
    %get3A_1833 = arith.index_cast %get3A_1832 : i32 to index
    %get3A_1834 = arith.constant 16 : index
    %get3A_1835 = tpu.vector_load %arg13[%get3A_1833, %get3A_1834] {strides = array<i32>} : memref<4x128xi32, #tpu.memory_space<vmem>>, vector<1x16xi32>,
    %get3A_1836 = vector.shape_cast %get3A_1835 : vector<1x16xi32> to vector<16xi32>
    %jit3A_1837 = arith.constant 0 : i32
    %broadcast_in_dim3A_1838 = vector.broadcast %jit3A_1837 : i32 to vector<16xi32>
    %select_n3A_1839 = arith.select %lt3A_1831, %get3A_1836, %broadcast_in_dim3A_1838 : vector<16xi1>, vector<16xi32>
    %mul3A_1840 = arith.constant 512 : i32
    %mul3A_1841 = vector.broadcast %mul3A_1840 : i32 to vector<16xi32>
    %mul3A_1842 = arith.muli %select_n3A_1829, %mul3A_1841 : vector<16xi32>
    %add3A_1843 = arith.addi %mul3A_1842, %select_n3A_1839 : vector<16xi32>
    %swap3A_1844 = arith.constant 2 : i32
    %swap3A_1845 = arith.index_cast %swap3A_1844 : i32 to index
    %swap3A_1846 = arith.constant 16 : index
    %swap3A_1847 = tpu.vector_load %arg14[%swap3A_1845, %swap3A_1846] {strides = array<i32>} : memref<4x128xi32, #tpu.memory_space<vmem>>, vector<1x16xi32>,
    %swap3A_1848 = vector.shape_cast %swap3A_1847 : vector<1x16xi32> to vector<16xi32>
    %swap3A_1849 = vector.shape_cast %add3A_1843 : vector<16xi32> to vector<1x16xi32>
    tpu.vector_store %arg14[%swap3A_1845, %swap3A_1846], %swap3A_1849 {strides = array<i32>} : memref<4x128xi32, #tpu.memory_space<vmem>>, vector<1x16xi32>,
    %add3A_1850 = arith.constant 16 : i32
    %add3A_1851 = arith.addi %mul3A_2, %add3A_1850 : i32
    %add3A_1852 = arith.constant 2 : i32
    %add3A_1853 = arith.addi %add3A_1851, %add3A_1852 : i32
    %lt3A_1854 = vector.broadcast %add3A_1853 : i32 to vector<16xi32>
    %lt3A_1855 = arith.cmpi slt, %lt3A_1854, %sub3A : vector<16xi32>
    %get3A_1856 = arith.constant 2 : i32
    %get3A_1857 = arith.index_cast %get3A_1856 : i32 to index
    %get3A_1858 = arith.constant 32 : index
    %get3A_1859 = tpu.vector_load %arg12[%get3A_1857, %get3A_1858] {strides = array<i32>} : memref<4x128xi32, #tpu.memory_space<vmem>>, vector<1x16xi32>,
    %get3A_1860 = vector.shape_cast %get3A_1859 : vector<1x16xi32> to vector<16xi32>
    %jit3A_1861 = arith.constant 0 : i32
    %broadcast_in_dim3A_1862 = vector.broadcast %jit3A_1861 : i32 to vector<16xi32>
    %select_n3A_1863 = arith.select %lt3A_1855, %get3A_1860, %broadcast_in_dim3A_1862 : vector<16xi1>, vector<16xi32>
    %lt3A_1864 = vector.broadcast %add3A_1853 : i32 to vector<16xi32>
    %lt3A_1865 = arith.cmpi slt, %lt3A_1864, %sub3A_14 : vector<16xi32>
    %get3A_1866 = arith.constant 2 : i32
    %get3A_1867 = arith.index_cast %get3A_1866 : i32 to index
    %get3A_1868 = arith.constant 32 : index
    %get3A_1869 = tpu.vector_load %arg13[%get3A_1867, %get3A_1868] {strides = array<i32>} : memref<4x128xi32, #tpu.memory_space<vmem>>, vector<1x16xi32>,
    %get3A_1870 = vector.shape_cast %get3A_1869 : vector<1x16xi32> to vector<16xi32>
    %jit3A_1871 = arith.constant 0 : i32
    %broadcast_in_dim3A_1872 = vector.broadcast %jit3A_1871 : i32 to vector<16xi32>
    %select_n3A_1873 = arith.select %lt3A_1865, %get3A_1870, %broadcast_in_dim3A_1872 : vector<16xi1>, vector<16xi32>
    %mul3A_1874 = arith.constant 512 : i32
    %mul3A_1875 = vector.broadcast %mul3A_1874 : i32 to vector<16xi32>
    %mul3A_1876 = arith.muli %select_n3A_1863, %mul3A_1875 : vector<16xi32>
    %add3A_1877 = arith.addi %mul3A_1876, %select_n3A_1873 : vector<16xi32>
    %swap3A_1878 = arith.constant 2 : i32
    %swap3A_1879 = arith.index_cast %swap3A_1878 : i32 to index
    %swap3A_1880 = arith.constant 32 : index
    %swap3A_1881 = tpu.vector_load %arg14[%swap3A_1879, %swap3A_1880] {strides = array<i32>} : memref<4x128xi32, #tpu.memory_space<vmem>>, vector<1x16xi32>,
    %swap3A_1882 = vector.shape_cast %swap3A_1881 : vector<1x16xi32> to vector<16xi32>
    %swap3A_1883 = vector.shape_cast %add3A_1877 : vector<16xi32> to vector<1x16xi32>
    tpu.vector_store %arg14[%swap3A_1879, %swap3A_1880], %swap3A_1883 {strides = array<i32>} : memref<4x128xi32, #tpu.memory_space<vmem>>, vector<1x16xi32>,
    %add3A_1884 = arith.constant 16 : i32
    %add3A_1885 = arith.addi %mul3A_2, %add3A_1884 : i32
    %add3A_1886 = arith.constant 3 : i32
    %add3A_1887 = arith.addi %add3A_1885, %add3A_1886 : i32
    %lt3A_1888 = vector.broadcast %add3A_1887 : i32 to vector<16xi32>
    %lt3A_1889 = arith.cmpi slt, %lt3A_1888, %sub3A : vector<16xi32>
    %get3A_1890 = arith.constant 2 : i32
    %get3A_1891 = arith.index_cast %get3A_1890 : i32 to index
    %get3A_1892 = arith.constant 48 : index
    %get3A_1893 = tpu.vector_load %arg12[%get3A_1891, %get3A_1892] {strides = array<i32>} : memref<4x128xi32, #tpu.memory_space<vmem>>, vector<1x16xi32>,
    %get3A_1894 = vector.shape_cast %get3A_1893 : vector<1x16xi32> to vector<16xi32>
    %jit3A_1895 = arith.constant 0 : i32
    %broadcast_in_dim3A_1896 = vector.broadcast %jit3A_1895 : i32 to vector<16xi32>
    %select_n3A_1897 = arith.select %lt3A_1889, %get3A_1894, %broadcast_in_dim3A_1896 : vector<16xi1>, vector<16xi32>
    %lt3A_1898 = vector.broadcast %add3A_1887 : i32 to vector<16xi32>
    %lt3A_1899 = arith.cmpi slt, %lt3A_1898, %sub3A_14 : vector<16xi32>
    %get3A_1900 = arith.constant 2 : i32
    %get3A_1901 = arith.index_cast %get3A_1900 : i32 to index
    %get3A_1902 = arith.constant 48 : index
    %get3A_1903 = tpu.vector_load %arg13[%get3A_1901, %get3A_1902] {strides = array<i32>} : memref<4x128xi32, #tpu.memory_space<vmem>>, vector<1x16xi32>,
    %get3A_1904 = vector.shape_cast %get3A_1903 : vector<1x16xi32> to vector<16xi32>
    %jit3A_1905 = arith.constant 0 : i32
    %broadcast_in_dim3A_1906 = vector.broadcast %jit3A_1905 : i32 to vector<16xi32>
    %select_n3A_1907 = arith.select %lt3A_1899, %get3A_1904, %broadcast_in_dim3A_1906 : vector<16xi1>, vector<16xi32>
    %mul3A_1908 = arith.constant 512 : i32
    %mul3A_1909 = vector.broadcast %mul3A_1908 : i32 to vector<16xi32>
    %mul3A_1910 = arith.muli %select_n3A_1897, %mul3A_1909 : vector<16xi32>
    %add3A_1911 = arith.addi %mul3A_1910, %select_n3A_1907 : vector<16xi32>
    %swap3A_1912 = arith.constant 2 : i32
    %swap3A_1913 = arith.index_cast %swap3A_1912 : i32 to index
    %swap3A_1914 = arith.constant 48 : index
    %swap3A_1915 = tpu.vector_load %arg14[%swap3A_1913, %swap3A_1914] {strides = array<i32>} : memref<4x128xi32, #tpu.memory_space<vmem>>, vector<1x16xi32>,
    %swap3A_1916 = vector.shape_cast %swap3A_1915 : vector<1x16xi32> to vector<16xi32>
    %swap3A_1917 = vector.shape_cast %add3A_1911 : vector<16xi32> to vector<1x16xi32>
    tpu.vector_store %arg14[%swap3A_1913, %swap3A_1914], %swap3A_1917 {strides = array<i32>} : memref<4x128xi32, #tpu.memory_space<vmem>>, vector<1x16xi32>,
    %add3A_1918 = arith.constant 16 : i32
    %add3A_1919 = arith.addi %mul3A_2, %add3A_1918 : i32
    %add3A_1920 = arith.constant 4 : i32
    %add3A_1921 = arith.addi %add3A_1919, %add3A_1920 : i32
    %lt3A_1922 = vector.broadcast %add3A_1921 : i32 to vector<16xi32>
    %lt3A_1923 = arith.cmpi slt, %lt3A_1922, %sub3A : vector<16xi32>
    %get3A_1924 = arith.constant 2 : i32
    %get3A_1925 = arith.index_cast %get3A_1924 : i32 to index
    %get3A_1926 = arith.constant 64 : index
    %get3A_1927 = tpu.vector_load %arg12[%get3A_1925, %get3A_1926] {strides = array<i32>} : memref<4x128xi32, #tpu.memory_space<vmem>>, vector<1x16xi32>,
    %get3A_1928 = vector.shape_cast %get3A_1927 : vector<1x16xi32> to vector<16xi32>
    %jit3A_1929 = arith.constant 0 : i32
    %broadcast_in_dim3A_1930 = vector.broadcast %jit3A_1929 : i32 to vector<16xi32>
    %select_n3A_1931 = arith.select %lt3A_1923, %get3A_1928, %broadcast_in_dim3A_1930 : vector<16xi1>, vector<16xi32>
    %lt3A_1932 = vector.broadcast %add3A_1921 : i32 to vector<16xi32>
    %lt3A_1933 = arith.cmpi slt, %lt3A_1932, %sub3A_14 : vector<16xi32>
    %get3A_1934 = arith.constant 2 : i32
    %get3A_1935 = arith.index_cast %get3A_1934 : i32 to index
    %get3A_1936 = arith.constant 64 : index
    %get3A_1937 = tpu.vector_load %arg13[%get3A_1935, %get3A_1936] {strides = array<i32>} : memref<4x128xi32, #tpu.memory_space<vmem>>, vector<1x16xi32>,
    %get3A_1938 = vector.shape_cast %get3A_1937 : vector<1x16xi32> to vector<16xi32>
    %jit3A_1939 = arith.constant 0 : i32
    %broadcast_in_dim3A_1940 = vector.broadcast %jit3A_1939 : i32 to vector<16xi32>
    %select_n3A_1941 = arith.select %lt3A_1933, %get3A_1938, %broadcast_in_dim3A_1940 : vector<16xi1>, vector<16xi32>
    %mul3A_1942 = arith.constant 512 : i32
    %mul3A_1943 = vector.broadcast %mul3A_1942 : i32 to vector<16xi32>
    %mul3A_1944 = arith.muli %select_n3A_1931, %mul3A_1943 : vector<16xi32>
    %add3A_1945 = arith.addi %mul3A_1944, %select_n3A_1941 : vector<16xi32>
    %swap3A_1946 = arith.constant 2 : i32
    %swap3A_1947 = arith.index_cast %swap3A_1946 : i32 to index
    %swap3A_1948 = arith.constant 64 : index
    %swap3A_1949 = tpu.vector_load %arg14[%swap3A_1947, %swap3A_1948] {strides = array<i32>} : memref<4x128xi32, #tpu.memory_space<vmem>>, vector<1x16xi32>,
    %swap3A_1950 = vector.shape_cast %swap3A_1949 : vector<1x16xi32> to vector<16xi32>
    %swap3A_1951 = vector.shape_cast %add3A_1945 : vector<16xi32> to vector<1x16xi32>
    tpu.vector_store %arg14[%swap3A_1947, %swap3A_1948], %swap3A_1951 {strides = array<i32>} : memref<4x128xi32, #tpu.memory_space<vmem>>, vector<1x16xi32>,
    %add3A_1952 = arith.constant 16 : i32
    %add3A_1953 = arith.addi %mul3A_2, %add3A_1952 : i32
    %add3A_1954 = arith.constant 5 : i32
    %add3A_1955 = arith.addi %add3A_1953, %add3A_1954 : i32
    %lt3A_1956 = vector.broadcast %add3A_1955 : i32 to vector<16xi32>
    %lt3A_1957 = arith.cmpi slt, %lt3A_1956, %sub3A : vector<16xi32>
    %get3A_1958 = arith.constant 2 : i32
    %get3A_1959 = arith.index_cast %get3A_1958 : i32 to index
    %get3A_1960 = arith.constant 80 : index
    %get3A_1961 = tpu.vector_load %arg12[%get3A_1959, %get3A_1960] {strides = array<i32>} : memref<4x128xi32, #tpu.memory_space<vmem>>, vector<1x16xi32>,
    %get3A_1962 = vector.shape_cast %get3A_1961 : vector<1x16xi32> to vector<16xi32>
    %jit3A_1963 = arith.constant 0 : i32
    %broadcast_in_dim3A_1964 = vector.broadcast %jit3A_1963 : i32 to vector<16xi32>
    %select_n3A_1965 = arith.select %lt3A_1957, %get3A_1962, %broadcast_in_dim3A_1964 : vector<16xi1>, vector<16xi32>
    %lt3A_1966 = vector.broadcast %add3A_1955 : i32 to vector<16xi32>
    %lt3A_1967 = arith.cmpi slt, %lt3A_1966, %sub3A_14 : vector<16xi32>
    %get3A_1968 = arith.constant 2 : i32
    %get3A_1969 = arith.index_cast %get3A_1968 : i32 to index
    %get3A_1970 = arith.constant 80 : index
    %get3A_1971 = tpu.vector_load %arg13[%get3A_1969, %get3A_1970] {strides = array<i32>} : memref<4x128xi32, #tpu.memory_space<vmem>>, vector<1x16xi32>,
    %get3A_1972 = vector.shape_cast %get3A_1971 : vector<1x16xi32> to vector<16xi32>
    %jit3A_1973 = arith.constant 0 : i32
    %broadcast_in_dim3A_1974 = vector.broadcast %jit3A_1973 : i32 to vector<16xi32>
    %select_n3A_1975 = arith.select %lt3A_1967, %get3A_1972, %broadcast_in_dim3A_1974 : vector<16xi1>, vector<16xi32>
    %mul3A_1976 = arith.constant 512 : i32
    %mul3A_1977 = vector.broadcast %mul3A_1976 : i32 to vector<16xi32>
    %mul3A_1978 = arith.muli %select_n3A_1965, %mul3A_1977 : vector<16xi32>
    %add3A_1979 = arith.addi %mul3A_1978, %select_n3A_1975 : vector<16xi32>
    %swap3A_1980 = arith.constant 2 : i32
    %swap3A_1981 = arith.index_cast %swap3A_1980 : i32 to index
    %swap3A_1982 = arith.constant 80 : index
    %swap3A_1983 = tpu.vector_load %arg14[%swap3A_1981, %swap3A_1982] {strides = array<i32>} : memref<4x128xi32, #tpu.memory_space<vmem>>, vector<1x16xi32>,
    %swap3A_1984 = vector.shape_cast %swap3A_1983 : vector<1x16xi32> to vector<16xi32>
    %swap3A_1985 = vector.shape_cast %add3A_1979 : vector<16xi32> to vector<1x16xi32>
    tpu.vector_store %arg14[%swap3A_1981, %swap3A_1982], %swap3A_1985 {strides = array<i32>} : memref<4x128xi32, #tpu.memory_space<vmem>>, vector<1x16xi32>,
    %add3A_1986 = arith.constant 16 : i32
    %add3A_1987 = arith.addi %mul3A_2, %add3A_1986 : i32
    %add3A_1988 = arith.constant 6 : i32
    %add3A_1989 = arith.addi %add3A_1987, %add3A_1988 : i32
    %lt3A_1990 = vector.broadcast %add3A_1989 : i32 to vector<16xi32>
    %lt3A_1991 = arith.cmpi slt, %lt3A_1990, %sub3A : vector<16xi32>
    %get3A_1992 = arith.constant 2 : i32
    %get3A_1993 = arith.index_cast %get3A_1992 : i32 to index
    %get3A_1994 = arith.constant 96 : index
    %get3A_1995 = tpu.vector_load %arg12[%get3A_1993, %get3A_1994] {strides = array<i32>} : memref<4x128xi32, #tpu.memory_space<vmem>>, vector<1x16xi32>,
    %get3A_1996 = vector.shape_cast %get3A_1995 : vector<1x16xi32> to vector<16xi32>
    %jit3A_1997 = arith.constant 0 : i32
    %broadcast_in_dim3A_1998 = vector.broadcast %jit3A_1997 : i32 to vector<16xi32>
    %select_n3A_1999 = arith.select %lt3A_1991, %get3A_1996, %broadcast_in_dim3A_1998 : vector<16xi1>, vector<16xi32>
    %lt3A_2000 = vector.broadcast %add3A_1989 : i32 to vector<16xi32>
    %lt3A_2001 = arith.cmpi slt, %lt3A_2000, %sub3A_14 : vector<16xi32>
    %get3A_2002 = arith.constant 2 : i32
    %get3A_2003 = arith.index_cast %get3A_2002 : i32 to index
    %get3A_2004 = arith.constant 96 : index
    %get3A_2005 = tpu.vector_load %arg13[%get3A_2003, %get3A_2004] {strides = array<i32>} : memref<4x128xi32, #tpu.memory_space<vmem>>, vector<1x16xi32>,
    %get3A_2006 = vector.shape_cast %get3A_2005 : vector<1x16xi32> to vector<16xi32>
    %jit3A_2007 = arith.constant 0 : i32
    %broadcast_in_dim3A_2008 = vector.broadcast %jit3A_2007 : i32 to vector<16xi32>
    %select_n3A_2009 = arith.select %lt3A_2001, %get3A_2006, %broadcast_in_dim3A_2008 : vector<16xi1>, vector<16xi32>
    %mul3A_2010 = arith.constant 512 : i32
    %mul3A_2011 = vector.broadcast %mul3A_2010 : i32 to vector<16xi32>
    %mul3A_2012 = arith.muli %select_n3A_1999, %mul3A_2011 : vector<16xi32>
    %add3A_2013 = arith.addi %mul3A_2012, %select_n3A_2009 : vector<16xi32>
    %swap3A_2014 = arith.constant 2 : i32
    %swap3A_2015 = arith.index_cast %swap3A_2014 : i32 to index
    %swap3A_2016 = arith.constant 96 : index
    %swap3A_2017 = tpu.vector_load %arg14[%swap3A_2015, %swap3A_2016] {strides = array<i32>} : memref<4x128xi32, #tpu.memory_space<vmem>>, vector<1x16xi32>,
    %swap3A_2018 = vector.shape_cast %swap3A_2017 : vector<1x16xi32> to vector<16xi32>
    %swap3A_2019 = vector.shape_cast %add3A_2013 : vector<16xi32> to vector<1x16xi32>
    tpu.vector_store %arg14[%swap3A_2015, %swap3A_2016], %swap3A_2019 {strides = array<i32>} : memref<4x128xi32, #tpu.memory_space<vmem>>, vector<1x16xi32>,
    %add3A_2020 = arith.constant 16 : i32
    %add3A_2021 = arith.addi %mul3A_2, %add3A_2020 : i32
    %add3A_2022 = arith.constant 7 : i32
    %add3A_2023 = arith.addi %add3A_2021, %add3A_2022 : i32
    %lt3A_2024 = vector.broadcast %add3A_2023 : i32 to vector<16xi32>
    %lt3A_2025 = arith.cmpi slt, %lt3A_2024, %sub3A : vector<16xi32>
    %get3A_2026 = arith.constant 2 : i32
    %get3A_2027 = arith.index_cast %get3A_2026 : i32 to index
    %get3A_2028 = arith.constant 112 : index
    %get3A_2029 = tpu.vector_load %arg12[%get3A_2027, %get3A_2028] {strides = array<i32>} : memref<4x128xi32, #tpu.memory_space<vmem>>, vector<1x16xi32>,
    %get3A_2030 = vector.shape_cast %get3A_2029 : vector<1x16xi32> to vector<16xi32>
    %jit3A_2031 = arith.constant 0 : i32
    %broadcast_in_dim3A_2032 = vector.broadcast %jit3A_2031 : i32 to vector<16xi32>
    %select_n3A_2033 = arith.select %lt3A_2025, %get3A_2030, %broadcast_in_dim3A_2032 : vector<16xi1>, vector<16xi32>
    %lt3A_2034 = vector.broadcast %add3A_2023 : i32 to vector<16xi32>
    %lt3A_2035 = arith.cmpi slt, %lt3A_2034, %sub3A_14 : vector<16xi32>
    %get3A_2036 = arith.constant 2 : i32
    %get3A_2037 = arith.index_cast %get3A_2036 : i32 to index
    %get3A_2038 = arith.constant 112 : index
    %get3A_2039 = tpu.vector_load %arg13[%get3A_2037, %get3A_2038] {strides = array<i32>} : memref<4x128xi32, #tpu.memory_space<vmem>>, vector<1x16xi32>,
    %get3A_2040 = vector.shape_cast %get3A_2039 : vector<1x16xi32> to vector<16xi32>
    %jit3A_2041 = arith.constant 0 : i32
    %broadcast_in_dim3A_2042 = vector.broadcast %jit3A_2041 : i32 to vector<16xi32>
    %select_n3A_2043 = arith.select %lt3A_2035, %get3A_2040, %broadcast_in_dim3A_2042 : vector<16xi1>, vector<16xi32>
    %mul3A_2044 = arith.constant 512 : i32
    %mul3A_2045 = vector.broadcast %mul3A_2044 : i32 to vector<16xi32>
    %mul3A_2046 = arith.muli %select_n3A_2033, %mul3A_2045 : vector<16xi32>
    %add3A_2047 = arith.addi %mul3A_2046, %select_n3A_2043 : vector<16xi32>
    %swap3A_2048 = arith.constant 2 : i32
    %swap3A_2049 = arith.index_cast %swap3A_2048 : i32 to index
    %swap3A_2050 = arith.constant 112 : index
    %swap3A_2051 = tpu.vector_load %arg14[%swap3A_2049, %swap3A_2050] {strides = array<i32>} : memref<4x128xi32, #tpu.memory_space<vmem>>, vector<1x16xi32>,
    %swap3A_2052 = vector.shape_cast %swap3A_2051 : vector<1x16xi32> to vector<16xi32>
    %swap3A_2053 = vector.shape_cast %add3A_2047 : vector<16xi32> to vector<1x16xi32>
    tpu.vector_store %arg14[%swap3A_2049, %swap3A_2050], %swap3A_2053 {strides = array<i32>} : memref<4x128xi32, #tpu.memory_space<vmem>>, vector<1x16xi32>,
    %dma_start3A_2054 = arith.constant 2 : i32
    %dma_start3A_2055 = arith.constant 2 : i32
    %dma_start3A_2056 = arith.constant 2 : i32
    %dma_start3A_2057 = arith.constant 0 : i32
    %dma_start3A_2058 = tpu.memref_slice %arg15[%dma_start3A_2055, %dma_start3A_2057] : memref<4x128xf32, #tpu.memory_space<vmem>> -> memref<1x128xf32, #tpu.memory_space<vmem>>
    %dma_start3A_2059 = tpu.memref_squeeze %dma_start3A_2058 : memref<1x128xf32, #tpu.memory_space<vmem>> -> memref<128xf32, #tpu.memory_space<vmem>>
    %dma_start3A_2060 = arith.constant 0 : i32
    %dma_start3A_2061 = tpu.memref_slice %arg14[%dma_start3A_2054, %dma_start3A_2060] : memref<4x128xi32, #tpu.memory_space<vmem>> -> memref<1x128xi32, #tpu.memory_space<vmem>>
    %dma_start3A_2062 = tpu.memref_squeeze %dma_start3A_2061 : memref<1x128xi32, #tpu.memory_space<vmem>> -> memref<128xi32, #tpu.memory_space<vmem>>
    %dma_start3A_2063 = arith.constant 0 : i32
    %dma_start3A_2064 = tpu.memref_slice %arg6[%dma_start3A_2063] : memref<262144xf32, #tpu.memory_space<hbm>> -> memref<262144xf32, #tpu.memory_space<hbm>>
    %dma_start3A_2065 = tpu.memref_slice %arg19[%dma_start3A_2056] : memref<4x!tpu.dma_semaphore, #tpu.memory_space<semaphore_mem>> -> memref<1x!tpu.dma_semaphore, #tpu.memory_space<semaphore_mem>>
    %dma_start3A_2066 = tpu.memref_squeeze %dma_start3A_2065 : memref<1x!tpu.dma_semaphore, #tpu.memory_space<semaphore_mem>> -> memref<!tpu.dma_semaphore, #tpu.memory_space<semaphore_mem>>
    tpu.enqueue_indirect_dma source(%dma_start3A_2064 : memref<262144xf32, #tpu.memory_space<hbm>>) target(%dma_start3A_2059 : memref<128xf32, #tpu.memory_space<vmem>>) offsets(%dma_start3A_2062 : memref<128xi32, #tpu.memory_space<vmem>>) semaphore(%dma_start3A_2066 : memref<!tpu.dma_semaphore, #tpu.memory_space<semaphore_mem>>)
    %dma_wait3A_2067 = arith.constant 3 : i32
    %dma_wait3A_2068 = arith.constant 3 : i32
    %dma_wait3A_2069 = arith.constant 3 : i32
    %dma_wait3A_2070 = arith.constant 0 : i32
    %dma_wait3A_2071 = tpu.memref_slice %arg12[%dma_wait3A_2068, %dma_wait3A_2070] : memref<4x128xi32, #tpu.memory_space<vmem>> -> memref<1x128xi32, #tpu.memory_space<vmem>>
    %dma_wait3A_2072 = tpu.memref_squeeze %dma_wait3A_2071 : memref<1x128xi32, #tpu.memory_space<vmem>> -> memref<128xi32, #tpu.memory_space<vmem>>
    %dma_wait3A_2073 = arith.constant 0 : i32
    %dma_wait3A_2074 = tpu.memref_slice %arg10[%dma_wait3A_2067, %dma_wait3A_2073] : memref<4x128xi32, #tpu.memory_space<vmem>> -> memref<1x128xi32, #tpu.memory_space<vmem>>
    %dma_wait3A_2075 = tpu.memref_squeeze %dma_wait3A_2074 : memref<1x128xi32, #tpu.memory_space<vmem>> -> memref<128xi32, #tpu.memory_space<vmem>>
    %dma_wait3A_2076 = arith.constant 0 : i32
    %dma_wait3A_2077 = tpu.memref_slice %arg2[%dma_wait3A_2076] : memref<4140xi32, #tpu.memory_space<hbm>> -> memref<4140xi32, #tpu.memory_space<hbm>>
    %dma_wait3A_2078 = tpu.memref_slice %arg18[%dma_wait3A_2069] : memref<4x!tpu.dma_semaphore, #tpu.memory_space<semaphore_mem>> -> memref<1x!tpu.dma_semaphore, #tpu.memory_space<semaphore_mem>>
    %dma_wait3A_2079 = tpu.memref_squeeze %dma_wait3A_2078 : memref<1x!tpu.dma_semaphore, #tpu.memory_space<semaphore_mem>> -> memref<!tpu.dma_semaphore, #tpu.memory_space<semaphore_mem>>
    tpu.wait_indirect_dma semaphore(%dma_wait3A_2079 : memref<!tpu.dma_semaphore, #tpu.memory_space<semaphore_mem>>) src(%dma_wait3A_2077 : memref<4140xi32, #tpu.memory_space<hbm>>) dst(%dma_wait3A_2072 : memref<128xi32, #tpu.memory_space<vmem>>)
    %dma_wait3A_2080 = arith.constant 3 : i32
    %dma_wait3A_2081 = arith.constant 3 : i32
    %dma_wait3A_2082 = arith.constant 3 : i32
    %dma_wait3A_2083 = arith.constant 0 : i32
    %dma_wait3A_2084 = tpu.memref_slice %arg13[%dma_wait3A_2081, %dma_wait3A_2083] : memref<4x128xi32, #tpu.memory_space<vmem>> -> memref<1x128xi32, #tpu.memory_space<vmem>>
    %dma_wait3A_2085 = tpu.memref_squeeze %dma_wait3A_2084 : memref<1x128xi32, #tpu.memory_space<vmem>> -> memref<128xi32, #tpu.memory_space<vmem>>
    %dma_wait3A_2086 = arith.constant 0 : i32
    %dma_wait3A_2087 = tpu.memref_slice %arg11[%dma_wait3A_2080, %dma_wait3A_2086] : memref<4x128xi32, #tpu.memory_space<vmem>> -> memref<1x128xi32, #tpu.memory_space<vmem>>
    %dma_wait3A_2088 = tpu.memref_squeeze %dma_wait3A_2087 : memref<1x128xi32, #tpu.memory_space<vmem>> -> memref<128xi32, #tpu.memory_space<vmem>>
    %dma_wait3A_2089 = arith.constant 0 : i32
    %dma_wait3A_2090 = tpu.memref_slice %arg3[%dma_wait3A_2089] : memref<4339xi32, #tpu.memory_space<hbm>> -> memref<4339xi32, #tpu.memory_space<hbm>>
    %dma_wait3A_2091 = tpu.memref_slice %arg18[%dma_wait3A_2082] : memref<4x!tpu.dma_semaphore, #tpu.memory_space<semaphore_mem>> -> memref<1x!tpu.dma_semaphore, #tpu.memory_space<semaphore_mem>>
    %dma_wait3A_2092 = tpu.memref_squeeze %dma_wait3A_2091 : memref<1x!tpu.dma_semaphore, #tpu.memory_space<semaphore_mem>> -> memref<!tpu.dma_semaphore, #tpu.memory_space<semaphore_mem>>
    tpu.wait_indirect_dma semaphore(%dma_wait3A_2092 : memref<!tpu.dma_semaphore, #tpu.memory_space<semaphore_mem>>) src(%dma_wait3A_2090 : memref<4339xi32, #tpu.memory_space<hbm>>) dst(%dma_wait3A_2085 : memref<128xi32, #tpu.memory_space<vmem>>)
    %add3A_2093 = arith.constant 24 : i32
    %add3A_2094 = arith.addi %mul3A_2, %add3A_2093 : i32
    %add3A_2095 = arith.constant 0 : i32
    %add3A_2096 = arith.addi %add3A_2094, %add3A_2095 : i32
    %lt3A_2097 = vector.broadcast %add3A_2096 : i32 to vector<16xi32>
    %lt3A_2098 = arith.cmpi slt, %lt3A_2097, %sub3A : vector<16xi32>
    %get3A_2099 = arith.constant 3 : i32
    %get3A_2100 = arith.index_cast %get3A_2099 : i32 to index
    %get3A_2101 = arith.constant 0 : index
    %get3A_2102 = tpu.vector_load %arg12[%get3A_2100, %get3A_2101] {strides = array<i32>} : memref<4x128xi32, #tpu.memory_space<vmem>>, vector<1x16xi32>,
    %get3A_2103 = vector.shape_cast %get3A_2102 : vector<1x16xi32> to vector<16xi32>
    %jit3A_2104 = arith.constant 0 : i32
    %broadcast_in_dim3A_2105 = vector.broadcast %jit3A_2104 : i32 to vector<16xi32>
    %select_n3A_2106 = arith.select %lt3A_2098, %get3A_2103, %broadcast_in_dim3A_2105 : vector<16xi1>, vector<16xi32>
    %lt3A_2107 = vector.broadcast %add3A_2096 : i32 to vector<16xi32>
    %lt3A_2108 = arith.cmpi slt, %lt3A_2107, %sub3A_14 : vector<16xi32>
    %get3A_2109 = arith.constant 3 : i32
    %get3A_2110 = arith.index_cast %get3A_2109 : i32 to index
    %get3A_2111 = arith.constant 0 : index
    %get3A_2112 = tpu.vector_load %arg13[%get3A_2110, %get3A_2111] {strides = array<i32>} : memref<4x128xi32, #tpu.memory_space<vmem>>, vector<1x16xi32>,
    %get3A_2113 = vector.shape_cast %get3A_2112 : vector<1x16xi32> to vector<16xi32>
    %jit3A_2114 = arith.constant 0 : i32
    %broadcast_in_dim3A_2115 = vector.broadcast %jit3A_2114 : i32 to vector<16xi32>
    %select_n3A_2116 = arith.select %lt3A_2108, %get3A_2113, %broadcast_in_dim3A_2115 : vector<16xi1>, vector<16xi32>
    %mul3A_2117 = arith.constant 512 : i32
    %mul3A_2118 = vector.broadcast %mul3A_2117 : i32 to vector<16xi32>
    %mul3A_2119 = arith.muli %select_n3A_2106, %mul3A_2118 : vector<16xi32>
    %add3A_2120 = arith.addi %mul3A_2119, %select_n3A_2116 : vector<16xi32>
    %swap3A_2121 = arith.constant 3 : i32
    %swap3A_2122 = arith.index_cast %swap3A_2121 : i32 to index
    %swap3A_2123 = arith.constant 0 : index
    %swap3A_2124 = tpu.vector_load %arg14[%swap3A_2122, %swap3A_2123] {strides = array<i32>} : memref<4x128xi32, #tpu.memory_space<vmem>>, vector<1x16xi32>,
    %swap3A_2125 = vector.shape_cast %swap3A_2124 : vector<1x16xi32> to vector<16xi32>
    %swap3A_2126 = vector.shape_cast %add3A_2120 : vector<16xi32> to vector<1x16xi32>
    tpu.vector_store %arg14[%swap3A_2122, %swap3A_2123], %swap3A_2126 {strides = array<i32>} : memref<4x128xi32, #tpu.memory_space<vmem>>, vector<1x16xi32>,
    %add3A_2127 = arith.constant 24 : i32
    %add3A_2128 = arith.addi %mul3A_2, %add3A_2127 : i32
    %add3A_2129 = arith.constant 1 : i32
    %add3A_2130 = arith.addi %add3A_2128, %add3A_2129 : i32
    %lt3A_2131 = vector.broadcast %add3A_2130 : i32 to vector<16xi32>
    %lt3A_2132 = arith.cmpi slt, %lt3A_2131, %sub3A : vector<16xi32>
    %get3A_2133 = arith.constant 3 : i32
    %get3A_2134 = arith.index_cast %get3A_2133 : i32 to index
    %get3A_2135 = arith.constant 16 : index
    %get3A_2136 = tpu.vector_load %arg12[%get3A_2134, %get3A_2135] {strides = array<i32>} : memref<4x128xi32, #tpu.memory_space<vmem>>, vector<1x16xi32>,
    %get3A_2137 = vector.shape_cast %get3A_2136 : vector<1x16xi32> to vector<16xi32>
    %jit3A_2138 = arith.constant 0 : i32
    %broadcast_in_dim3A_2139 = vector.broadcast %jit3A_2138 : i32 to vector<16xi32>
    %select_n3A_2140 = arith.select %lt3A_2132, %get3A_2137, %broadcast_in_dim3A_2139 : vector<16xi1>, vector<16xi32>
    %lt3A_2141 = vector.broadcast %add3A_2130 : i32 to vector<16xi32>
    %lt3A_2142 = arith.cmpi slt, %lt3A_2141, %sub3A_14 : vector<16xi32>
    %get3A_2143 = arith.constant 3 : i32
    %get3A_2144 = arith.index_cast %get3A_2143 : i32 to index
    %get3A_2145 = arith.constant 16 : index
    %get3A_2146 = tpu.vector_load %arg13[%get3A_2144, %get3A_2145] {strides = array<i32>} : memref<4x128xi32, #tpu.memory_space<vmem>>, vector<1x16xi32>,
    %get3A_2147 = vector.shape_cast %get3A_2146 : vector<1x16xi32> to vector<16xi32>
    %jit3A_2148 = arith.constant 0 : i32
    %broadcast_in_dim3A_2149 = vector.broadcast %jit3A_2148 : i32 to vector<16xi32>
    %select_n3A_2150 = arith.select %lt3A_2142, %get3A_2147, %broadcast_in_dim3A_2149 : vector<16xi1>, vector<16xi32>
    %mul3A_2151 = arith.constant 512 : i32
    %mul3A_2152 = vector.broadcast %mul3A_2151 : i32 to vector<16xi32>
    %mul3A_2153 = arith.muli %select_n3A_2140, %mul3A_2152 : vector<16xi32>
    %add3A_2154 = arith.addi %mul3A_2153, %select_n3A_2150 : vector<16xi32>
    %swap3A_2155 = arith.constant 3 : i32
    %swap3A_2156 = arith.index_cast %swap3A_2155 : i32 to index
    %swap3A_2157 = arith.constant 16 : index
    %swap3A_2158 = tpu.vector_load %arg14[%swap3A_2156, %swap3A_2157] {strides = array<i32>} : memref<4x128xi32, #tpu.memory_space<vmem>>, vector<1x16xi32>,
    %swap3A_2159 = vector.shape_cast %swap3A_2158 : vector<1x16xi32> to vector<16xi32>
    %swap3A_2160 = vector.shape_cast %add3A_2154 : vector<16xi32> to vector<1x16xi32>
    tpu.vector_store %arg14[%swap3A_2156, %swap3A_2157], %swap3A_2160 {strides = array<i32>} : memref<4x128xi32, #tpu.memory_space<vmem>>, vector<1x16xi32>,
    %add3A_2161 = arith.constant 24 : i32
    %add3A_2162 = arith.addi %mul3A_2, %add3A_2161 : i32
    %add3A_2163 = arith.constant 2 : i32
    %add3A_2164 = arith.addi %add3A_2162, %add3A_2163 : i32
    %lt3A_2165 = vector.broadcast %add3A_2164 : i32 to vector<16xi32>
    %lt3A_2166 = arith.cmpi slt, %lt3A_2165, %sub3A : vector<16xi32>
    %get3A_2167 = arith.constant 3 : i32
    %get3A_2168 = arith.index_cast %get3A_2167 : i32 to index
    %get3A_2169 = arith.constant 32 : index
    %get3A_2170 = tpu.vector_load %arg12[%get3A_2168, %get3A_2169] {strides = array<i32>} : memref<4x128xi32, #tpu.memory_space<vmem>>, vector<1x16xi32>,
    %get3A_2171 = vector.shape_cast %get3A_2170 : vector<1x16xi32> to vector<16xi32>
    %jit3A_2172 = arith.constant 0 : i32
    %broadcast_in_dim3A_2173 = vector.broadcast %jit3A_2172 : i32 to vector<16xi32>
    %select_n3A_2174 = arith.select %lt3A_2166, %get3A_2171, %broadcast_in_dim3A_2173 : vector<16xi1>, vector<16xi32>
    %lt3A_2175 = vector.broadcast %add3A_2164 : i32 to vector<16xi32>
    %lt3A_2176 = arith.cmpi slt, %lt3A_2175, %sub3A_14 : vector<16xi32>
    %get3A_2177 = arith.constant 3 : i32
    %get3A_2178 = arith.index_cast %get3A_2177 : i32 to index
    %get3A_2179 = arith.constant 32 : index
    %get3A_2180 = tpu.vector_load %arg13[%get3A_2178, %get3A_2179] {strides = array<i32>} : memref<4x128xi32, #tpu.memory_space<vmem>>, vector<1x16xi32>,
    %get3A_2181 = vector.shape_cast %get3A_2180 : vector<1x16xi32> to vector<16xi32>
    %jit3A_2182 = arith.constant 0 : i32
    %broadcast_in_dim3A_2183 = vector.broadcast %jit3A_2182 : i32 to vector<16xi32>
    %select_n3A_2184 = arith.select %lt3A_2176, %get3A_2181, %broadcast_in_dim3A_2183 : vector<16xi1>, vector<16xi32>
    %mul3A_2185 = arith.constant 512 : i32
    %mul3A_2186 = vector.broadcast %mul3A_2185 : i32 to vector<16xi32>
    %mul3A_2187 = arith.muli %select_n3A_2174, %mul3A_2186 : vector<16xi32>
    %add3A_2188 = arith.addi %mul3A_2187, %select_n3A_2184 : vector<16xi32>
    %swap3A_2189 = arith.constant 3 : i32
    %swap3A_2190 = arith.index_cast %swap3A_2189 : i32 to index
    %swap3A_2191 = arith.constant 32 : index
    %swap3A_2192 = tpu.vector_load %arg14[%swap3A_2190, %swap3A_2191] {strides = array<i32>} : memref<4x128xi32, #tpu.memory_space<vmem>>, vector<1x16xi32>,
    %swap3A_2193 = vector.shape_cast %swap3A_2192 : vector<1x16xi32> to vector<16xi32>
    %swap3A_2194 = vector.shape_cast %add3A_2188 : vector<16xi32> to vector<1x16xi32>
    tpu.vector_store %arg14[%swap3A_2190, %swap3A_2191], %swap3A_2194 {strides = array<i32>} : memref<4x128xi32, #tpu.memory_space<vmem>>, vector<1x16xi32>,
    %add3A_2195 = arith.constant 24 : i32
    %add3A_2196 = arith.addi %mul3A_2, %add3A_2195 : i32
    %add3A_2197 = arith.constant 3 : i32
    %add3A_2198 = arith.addi %add3A_2196, %add3A_2197 : i32
    %lt3A_2199 = vector.broadcast %add3A_2198 : i32 to vector<16xi32>
    %lt3A_2200 = arith.cmpi slt, %lt3A_2199, %sub3A : vector<16xi32>
    %get3A_2201 = arith.constant 3 : i32
    %get3A_2202 = arith.index_cast %get3A_2201 : i32 to index
    %get3A_2203 = arith.constant 48 : index
    %get3A_2204 = tpu.vector_load %arg12[%get3A_2202, %get3A_2203] {strides = array<i32>} : memref<4x128xi32, #tpu.memory_space<vmem>>, vector<1x16xi32>,
    %get3A_2205 = vector.shape_cast %get3A_2204 : vector<1x16xi32> to vector<16xi32>
    %jit3A_2206 = arith.constant 0 : i32
    %broadcast_in_dim3A_2207 = vector.broadcast %jit3A_2206 : i32 to vector<16xi32>
    %select_n3A_2208 = arith.select %lt3A_2200, %get3A_2205, %broadcast_in_dim3A_2207 : vector<16xi1>, vector<16xi32>
    %lt3A_2209 = vector.broadcast %add3A_2198 : i32 to vector<16xi32>
    %lt3A_2210 = arith.cmpi slt, %lt3A_2209, %sub3A_14 : vector<16xi32>
    %get3A_2211 = arith.constant 3 : i32
    %get3A_2212 = arith.index_cast %get3A_2211 : i32 to index
    %get3A_2213 = arith.constant 48 : index
    %get3A_2214 = tpu.vector_load %arg13[%get3A_2212, %get3A_2213] {strides = array<i32>} : memref<4x128xi32, #tpu.memory_space<vmem>>, vector<1x16xi32>,
    %get3A_2215 = vector.shape_cast %get3A_2214 : vector<1x16xi32> to vector<16xi32>
    %jit3A_2216 = arith.constant 0 : i32
    %broadcast_in_dim3A_2217 = vector.broadcast %jit3A_2216 : i32 to vector<16xi32>
    %select_n3A_2218 = arith.select %lt3A_2210, %get3A_2215, %broadcast_in_dim3A_2217 : vector<16xi1>, vector<16xi32>
    %mul3A_2219 = arith.constant 512 : i32
    %mul3A_2220 = vector.broadcast %mul3A_2219 : i32 to vector<16xi32>
    %mul3A_2221 = arith.muli %select_n3A_2208, %mul3A_2220 : vector<16xi32>
    %add3A_2222 = arith.addi %mul3A_2221, %select_n3A_2218 : vector<16xi32>
    %swap3A_2223 = arith.constant 3 : i32
    %swap3A_2224 = arith.index_cast %swap3A_2223 : i32 to index
    %swap3A_2225 = arith.constant 48 : index
    %swap3A_2226 = tpu.vector_load %arg14[%swap3A_2224, %swap3A_2225] {strides = array<i32>} : memref<4x128xi32, #tpu.memory_space<vmem>>, vector<1x16xi32>,
    %swap3A_2227 = vector.shape_cast %swap3A_2226 : vector<1x16xi32> to vector<16xi32>
    %swap3A_2228 = vector.shape_cast %add3A_2222 : vector<16xi32> to vector<1x16xi32>
    tpu.vector_store %arg14[%swap3A_2224, %swap3A_2225], %swap3A_2228 {strides = array<i32>} : memref<4x128xi32, #tpu.memory_space<vmem>>, vector<1x16xi32>,
    %add3A_2229 = arith.constant 24 : i32
    %add3A_2230 = arith.addi %mul3A_2, %add3A_2229 : i32
    %add3A_2231 = arith.constant 4 : i32
    %add3A_2232 = arith.addi %add3A_2230, %add3A_2231 : i32
    %lt3A_2233 = vector.broadcast %add3A_2232 : i32 to vector<16xi32>
    %lt3A_2234 = arith.cmpi slt, %lt3A_2233, %sub3A : vector<16xi32>
    %get3A_2235 = arith.constant 3 : i32
    %get3A_2236 = arith.index_cast %get3A_2235 : i32 to index
    %get3A_2237 = arith.constant 64 : index
    %get3A_2238 = tpu.vector_load %arg12[%get3A_2236, %get3A_2237] {strides = array<i32>} : memref<4x128xi32, #tpu.memory_space<vmem>>, vector<1x16xi32>,
    %get3A_2239 = vector.shape_cast %get3A_2238 : vector<1x16xi32> to vector<16xi32>
    %jit3A_2240 = arith.constant 0 : i32
    %broadcast_in_dim3A_2241 = vector.broadcast %jit3A_2240 : i32 to vector<16xi32>
    %select_n3A_2242 = arith.select %lt3A_2234, %get3A_2239, %broadcast_in_dim3A_2241 : vector<16xi1>, vector<16xi32>
    %lt3A_2243 = vector.broadcast %add3A_2232 : i32 to vector<16xi32>
    %lt3A_2244 = arith.cmpi slt, %lt3A_2243, %sub3A_14 : vector<16xi32>
    %get3A_2245 = arith.constant 3 : i32
    %get3A_2246 = arith.index_cast %get3A_2245 : i32 to index
    %get3A_2247 = arith.constant 64 : index
    %get3A_2248 = tpu.vector_load %arg13[%get3A_2246, %get3A_2247] {strides = array<i32>} : memref<4x128xi32, #tpu.memory_space<vmem>>, vector<1x16xi32>,
    %get3A_2249 = vector.shape_cast %get3A_2248 : vector<1x16xi32> to vector<16xi32>
    %jit3A_2250 = arith.constant 0 : i32
    %broadcast_in_dim3A_2251 = vector.broadcast %jit3A_2250 : i32 to vector<16xi32>
    %select_n3A_2252 = arith.select %lt3A_2244, %get3A_2249, %broadcast_in_dim3A_2251 : vector<16xi1>, vector<16xi32>
    %mul3A_2253 = arith.constant 512 : i32
    %mul3A_2254 = vector.broadcast %mul3A_2253 : i32 to vector<16xi32>
    %mul3A_2255 = arith.muli %select_n3A_2242, %mul3A_2254 : vector<16xi32>
    %add3A_2256 = arith.addi %mul3A_2255, %select_n3A_2252 : vector<16xi32>
    %swap3A_2257 = arith.constant 3 : i32
    %swap3A_2258 = arith.index_cast %swap3A_2257 : i32 to index
    %swap3A_2259 = arith.constant 64 : index
    %swap3A_2260 = tpu.vector_load %arg14[%swap3A_2258, %swap3A_2259] {strides = array<i32>} : memref<4x128xi32, #tpu.memory_space<vmem>>, vector<1x16xi32>,
    %swap3A_2261 = vector.shape_cast %swap3A_2260 : vector<1x16xi32> to vector<16xi32>
    %swap3A_2262 = vector.shape_cast %add3A_2256 : vector<16xi32> to vector<1x16xi32>
    tpu.vector_store %arg14[%swap3A_2258, %swap3A_2259], %swap3A_2262 {strides = array<i32>} : memref<4x128xi32, #tpu.memory_space<vmem>>, vector<1x16xi32>,
    %add3A_2263 = arith.constant 24 : i32
    %add3A_2264 = arith.addi %mul3A_2, %add3A_2263 : i32
    %add3A_2265 = arith.constant 5 : i32
    %add3A_2266 = arith.addi %add3A_2264, %add3A_2265 : i32
    %lt3A_2267 = vector.broadcast %add3A_2266 : i32 to vector<16xi32>
    %lt3A_2268 = arith.cmpi slt, %lt3A_2267, %sub3A : vector<16xi32>
    %get3A_2269 = arith.constant 3 : i32
    %get3A_2270 = arith.index_cast %get3A_2269 : i32 to index
    %get3A_2271 = arith.constant 80 : index
    %get3A_2272 = tpu.vector_load %arg12[%get3A_2270, %get3A_2271] {strides = array<i32>} : memref<4x128xi32, #tpu.memory_space<vmem>>, vector<1x16xi32>,
    %get3A_2273 = vector.shape_cast %get3A_2272 : vector<1x16xi32> to vector<16xi32>
    %jit3A_2274 = arith.constant 0 : i32
    %broadcast_in_dim3A_2275 = vector.broadcast %jit3A_2274 : i32 to vector<16xi32>
    %select_n3A_2276 = arith.select %lt3A_2268, %get3A_2273, %broadcast_in_dim3A_2275 : vector<16xi1>, vector<16xi32>
    %lt3A_2277 = vector.broadcast %add3A_2266 : i32 to vector<16xi32>
    %lt3A_2278 = arith.cmpi slt, %lt3A_2277, %sub3A_14 : vector<16xi32>
    %get3A_2279 = arith.constant 3 : i32
    %get3A_2280 = arith.index_cast %get3A_2279 : i32 to index
    %get3A_2281 = arith.constant 80 : index
    %get3A_2282 = tpu.vector_load %arg13[%get3A_2280, %get3A_2281] {strides = array<i32>} : memref<4x128xi32, #tpu.memory_space<vmem>>, vector<1x16xi32>,
    %get3A_2283 = vector.shape_cast %get3A_2282 : vector<1x16xi32> to vector<16xi32>
    %jit3A_2284 = arith.constant 0 : i32
    %broadcast_in_dim3A_2285 = vector.broadcast %jit3A_2284 : i32 to vector<16xi32>
    %select_n3A_2286 = arith.select %lt3A_2278, %get3A_2283, %broadcast_in_dim3A_2285 : vector<16xi1>, vector<16xi32>
    %mul3A_2287 = arith.constant 512 : i32
    %mul3A_2288 = vector.broadcast %mul3A_2287 : i32 to vector<16xi32>
    %mul3A_2289 = arith.muli %select_n3A_2276, %mul3A_2288 : vector<16xi32>
    %add3A_2290 = arith.addi %mul3A_2289, %select_n3A_2286 : vector<16xi32>
    %swap3A_2291 = arith.constant 3 : i32
    %swap3A_2292 = arith.index_cast %swap3A_2291 : i32 to index
    %swap3A_2293 = arith.constant 80 : index
    %swap3A_2294 = tpu.vector_load %arg14[%swap3A_2292, %swap3A_2293] {strides = array<i32>} : memref<4x128xi32, #tpu.memory_space<vmem>>, vector<1x16xi32>,
    %swap3A_2295 = vector.shape_cast %swap3A_2294 : vector<1x16xi32> to vector<16xi32>
    %swap3A_2296 = vector.shape_cast %add3A_2290 : vector<16xi32> to vector<1x16xi32>
    tpu.vector_store %arg14[%swap3A_2292, %swap3A_2293], %swap3A_2296 {strides = array<i32>} : memref<4x128xi32, #tpu.memory_space<vmem>>, vector<1x16xi32>,
    %add3A_2297 = arith.constant 24 : i32
    %add3A_2298 = arith.addi %mul3A_2, %add3A_2297 : i32
    %add3A_2299 = arith.constant 6 : i32
    %add3A_2300 = arith.addi %add3A_2298, %add3A_2299 : i32
    %lt3A_2301 = vector.broadcast %add3A_2300 : i32 to vector<16xi32>
    %lt3A_2302 = arith.cmpi slt, %lt3A_2301, %sub3A : vector<16xi32>
    %get3A_2303 = arith.constant 3 : i32
    %get3A_2304 = arith.index_cast %get3A_2303 : i32 to index
    %get3A_2305 = arith.constant 96 : index
    %get3A_2306 = tpu.vector_load %arg12[%get3A_2304, %get3A_2305] {strides = array<i32>} : memref<4x128xi32, #tpu.memory_space<vmem>>, vector<1x16xi32>,
    %get3A_2307 = vector.shape_cast %get3A_2306 : vector<1x16xi32> to vector<16xi32>
    %jit3A_2308 = arith.constant 0 : i32
    %broadcast_in_dim3A_2309 = vector.broadcast %jit3A_2308 : i32 to vector<16xi32>
    %select_n3A_2310 = arith.select %lt3A_2302, %get3A_2307, %broadcast_in_dim3A_2309 : vector<16xi1>, vector<16xi32>
    %lt3A_2311 = vector.broadcast %add3A_2300 : i32 to vector<16xi32>
    %lt3A_2312 = arith.cmpi slt, %lt3A_2311, %sub3A_14 : vector<16xi32>
    %get3A_2313 = arith.constant 3 : i32
    %get3A_2314 = arith.index_cast %get3A_2313 : i32 to index
    %get3A_2315 = arith.constant 96 : index
    %get3A_2316 = tpu.vector_load %arg13[%get3A_2314, %get3A_2315] {strides = array<i32>} : memref<4x128xi32, #tpu.memory_space<vmem>>, vector<1x16xi32>,
    %get3A_2317 = vector.shape_cast %get3A_2316 : vector<1x16xi32> to vector<16xi32>
    %jit3A_2318 = arith.constant 0 : i32
    %broadcast_in_dim3A_2319 = vector.broadcast %jit3A_2318 : i32 to vector<16xi32>
    %select_n3A_2320 = arith.select %lt3A_2312, %get3A_2317, %broadcast_in_dim3A_2319 : vector<16xi1>, vector<16xi32>
    %mul3A_2321 = arith.constant 512 : i32
    %mul3A_2322 = vector.broadcast %mul3A_2321 : i32 to vector<16xi32>
    %mul3A_2323 = arith.muli %select_n3A_2310, %mul3A_2322 : vector<16xi32>
    %add3A_2324 = arith.addi %mul3A_2323, %select_n3A_2320 : vector<16xi32>
    %swap3A_2325 = arith.constant 3 : i32
    %swap3A_2326 = arith.index_cast %swap3A_2325 : i32 to index
    %swap3A_2327 = arith.constant 96 : index
    %swap3A_2328 = tpu.vector_load %arg14[%swap3A_2326, %swap3A_2327] {strides = array<i32>} : memref<4x128xi32, #tpu.memory_space<vmem>>, vector<1x16xi32>,
    %swap3A_2329 = vector.shape_cast %swap3A_2328 : vector<1x16xi32> to vector<16xi32>
    %swap3A_2330 = vector.shape_cast %add3A_2324 : vector<16xi32> to vector<1x16xi32>
    tpu.vector_store %arg14[%swap3A_2326, %swap3A_2327], %swap3A_2330 {strides = array<i32>} : memref<4x128xi32, #tpu.memory_space<vmem>>, vector<1x16xi32>,
    %add3A_2331 = arith.constant 24 : i32
    %add3A_2332 = arith.addi %mul3A_2, %add3A_2331 : i32
    %add3A_2333 = arith.constant 7 : i32
    %add3A_2334 = arith.addi %add3A_2332, %add3A_2333 : i32
    %lt3A_2335 = vector.broadcast %add3A_2334 : i32 to vector<16xi32>
    %lt3A_2336 = arith.cmpi slt, %lt3A_2335, %sub3A : vector<16xi32>
    %get3A_2337 = arith.constant 3 : i32
    %get3A_2338 = arith.index_cast %get3A_2337 : i32 to index
    %get3A_2339 = arith.constant 112 : index
    %get3A_2340 = tpu.vector_load %arg12[%get3A_2338, %get3A_2339] {strides = array<i32>} : memref<4x128xi32, #tpu.memory_space<vmem>>, vector<1x16xi32>,
    %get3A_2341 = vector.shape_cast %get3A_2340 : vector<1x16xi32> to vector<16xi32>
    %jit3A_2342 = arith.constant 0 : i32
    %broadcast_in_dim3A_2343 = vector.broadcast %jit3A_2342 : i32 to vector<16xi32>
    %select_n3A_2344 = arith.select %lt3A_2336, %get3A_2341, %broadcast_in_dim3A_2343 : vector<16xi1>, vector<16xi32>
    %lt3A_2345 = vector.broadcast %add3A_2334 : i32 to vector<16xi32>
    %lt3A_2346 = arith.cmpi slt, %lt3A_2345, %sub3A_14 : vector<16xi32>
    %get3A_2347 = arith.constant 3 : i32
    %get3A_2348 = arith.index_cast %get3A_2347 : i32 to index
    %get3A_2349 = arith.constant 112 : index
    %get3A_2350 = tpu.vector_load %arg13[%get3A_2348, %get3A_2349] {strides = array<i32>} : memref<4x128xi32, #tpu.memory_space<vmem>>, vector<1x16xi32>,
    %get3A_2351 = vector.shape_cast %get3A_2350 : vector<1x16xi32> to vector<16xi32>
    %jit3A_2352 = arith.constant 0 : i32
    %broadcast_in_dim3A_2353 = vector.broadcast %jit3A_2352 : i32 to vector<16xi32>
    %select_n3A_2354 = arith.select %lt3A_2346, %get3A_2351, %broadcast_in_dim3A_2353 : vector<16xi1>, vector<16xi32>
    %mul3A_2355 = arith.constant 512 : i32
    %mul3A_2356 = vector.broadcast %mul3A_2355 : i32 to vector<16xi32>
    %mul3A_2357 = arith.muli %select_n3A_2344, %mul3A_2356 : vector<16xi32>
    %add3A_2358 = arith.addi %mul3A_2357, %select_n3A_2354 : vector<16xi32>
    %swap3A_2359 = arith.constant 3 : i32
    %swap3A_2360 = arith.index_cast %swap3A_2359 : i32 to index
    %swap3A_2361 = arith.constant 112 : index
    %swap3A_2362 = tpu.vector_load %arg14[%swap3A_2360, %swap3A_2361] {strides = array<i32>} : memref<4x128xi32, #tpu.memory_space<vmem>>, vector<1x16xi32>,
    %swap3A_2363 = vector.shape_cast %swap3A_2362 : vector<1x16xi32> to vector<16xi32>
    %swap3A_2364 = vector.shape_cast %add3A_2358 : vector<16xi32> to vector<1x16xi32>
    tpu.vector_store %arg14[%swap3A_2360, %swap3A_2361], %swap3A_2364 {strides = array<i32>} : memref<4x128xi32, #tpu.memory_space<vmem>>, vector<1x16xi32>,
    %dma_start3A_2365 = arith.constant 3 : i32
    %dma_start3A_2366 = arith.constant 3 : i32
    %dma_start3A_2367 = arith.constant 3 : i32
    %dma_start3A_2368 = arith.constant 0 : i32
    %dma_start3A_2369 = tpu.memref_slice %arg15[%dma_start3A_2366, %dma_start3A_2368] : memref<4x128xf32, #tpu.memory_space<vmem>> -> memref<1x128xf32, #tpu.memory_space<vmem>>
    %dma_start3A_2370 = tpu.memref_squeeze %dma_start3A_2369 : memref<1x128xf32, #tpu.memory_space<vmem>> -> memref<128xf32, #tpu.memory_space<vmem>>
    %dma_start3A_2371 = arith.constant 0 : i32
    %dma_start3A_2372 = tpu.memref_slice %arg14[%dma_start3A_2365, %dma_start3A_2371] : memref<4x128xi32, #tpu.memory_space<vmem>> -> memref<1x128xi32, #tpu.memory_space<vmem>>
    %dma_start3A_2373 = tpu.memref_squeeze %dma_start3A_2372 : memref<1x128xi32, #tpu.memory_space<vmem>> -> memref<128xi32, #tpu.memory_space<vmem>>
    %dma_start3A_2374 = arith.constant 0 : i32
    %dma_start3A_2375 = tpu.memref_slice %arg6[%dma_start3A_2374] : memref<262144xf32, #tpu.memory_space<hbm>> -> memref<262144xf32, #tpu.memory_space<hbm>>
    %dma_start3A_2376 = tpu.memref_slice %arg19[%dma_start3A_2367] : memref<4x!tpu.dma_semaphore, #tpu.memory_space<semaphore_mem>> -> memref<1x!tpu.dma_semaphore, #tpu.memory_space<semaphore_mem>>
    %dma_start3A_2377 = tpu.memref_squeeze %dma_start3A_2376 : memref<1x!tpu.dma_semaphore, #tpu.memory_space<semaphore_mem>> -> memref<!tpu.dma_semaphore, #tpu.memory_space<semaphore_mem>>
    tpu.enqueue_indirect_dma source(%dma_start3A_2375 : memref<262144xf32, #tpu.memory_space<hbm>>) target(%dma_start3A_2370 : memref<128xf32, #tpu.memory_space<vmem>>) offsets(%dma_start3A_2373 : memref<128xi32, #tpu.memory_space<vmem>>) semaphore(%dma_start3A_2377 : memref<!tpu.dma_semaphore, #tpu.memory_space<semaphore_mem>>)
    %broadcast_in_dim3A_2378 = arith.constant 0.000000e+00 : f32
    %broadcast_in_dim3A_2379 = vector.broadcast %broadcast_in_dim3A_2378 : f32 to vector<16xf32>
    %dma_wait3A_2380 = arith.constant 0 : i32
    %dma_wait3A_2381 = arith.constant 0 : i32
    %dma_wait3A_2382 = arith.constant 0 : i32
    %dma_wait3A_2383 = arith.constant 0 : i32
    %dma_wait3A_2384 = tpu.memref_slice %arg15[%dma_wait3A_2381, %dma_wait3A_2383] : memref<4x128xf32, #tpu.memory_space<vmem>> -> memref<1x128xf32, #tpu.memory_space<vmem>>
    %dma_wait3A_2385 = tpu.memref_squeeze %dma_wait3A_2384 : memref<1x128xf32, #tpu.memory_space<vmem>> -> memref<128xf32, #tpu.memory_space<vmem>>
    %dma_wait3A_2386 = arith.constant 0 : i32
    %dma_wait3A_2387 = tpu.memref_slice %arg14[%dma_wait3A_2380, %dma_wait3A_2386] : memref<4x128xi32, #tpu.memory_space<vmem>> -> memref<1x128xi32, #tpu.memory_space<vmem>>
    %dma_wait3A_2388 = tpu.memref_squeeze %dma_wait3A_2387 : memref<1x128xi32, #tpu.memory_space<vmem>> -> memref<128xi32, #tpu.memory_space<vmem>>
    %dma_wait3A_2389 = arith.constant 0 : i32
    %dma_wait3A_2390 = tpu.memref_slice %arg6[%dma_wait3A_2389] : memref<262144xf32, #tpu.memory_space<hbm>> -> memref<262144xf32, #tpu.memory_space<hbm>>
    %dma_wait3A_2391 = tpu.memref_slice %arg19[%dma_wait3A_2382] : memref<4x!tpu.dma_semaphore, #tpu.memory_space<semaphore_mem>> -> memref<1x!tpu.dma_semaphore, #tpu.memory_space<semaphore_mem>>
    %dma_wait3A_2392 = tpu.memref_squeeze %dma_wait3A_2391 : memref<1x!tpu.dma_semaphore, #tpu.memory_space<semaphore_mem>> -> memref<!tpu.dma_semaphore, #tpu.memory_space<semaphore_mem>>
    tpu.wait_indirect_dma semaphore(%dma_wait3A_2392 : memref<!tpu.dma_semaphore, #tpu.memory_space<semaphore_mem>>) src(%dma_wait3A_2390 : memref<262144xf32, #tpu.memory_space<hbm>>) dst(%dma_wait3A_2385 : memref<128xf32, #tpu.memory_space<vmem>>)
    %get3A_2393 = arith.constant 0 : i32
    %get3A_2394 = arith.index_cast %get3A_2393 : i32 to index
    %get3A_2395 = arith.constant 0 : index
    %get3A_2396 = tpu.vector_load %arg15[%get3A_2394, %get3A_2395] {strides = array<i32>} : memref<4x128xf32, #tpu.memory_space<vmem>>, vector<1x16xf32>,
    %get3A_2397 = vector.shape_cast %get3A_2396 : vector<1x16xf32> to vector<16xf32>
    %add3A_2398 = arith.addf %broadcast_in_dim3A_2379, %get3A_2397 : vector<16xf32>
    %get3A_2399 = arith.constant 0 : i32
    %get3A_2400 = arith.index_cast %get3A_2399 : i32 to index
    %get3A_2401 = arith.constant 16 : index
    %get3A_2402 = tpu.vector_load %arg15[%get3A_2400, %get3A_2401] {strides = array<i32>} : memref<4x128xf32, #tpu.memory_space<vmem>>, vector<1x16xf32>,
    %get3A_2403 = vector.shape_cast %get3A_2402 : vector<1x16xf32> to vector<16xf32>
    %add3A_2404 = arith.addf %add3A_2398, %get3A_2403 : vector<16xf32>
    %get3A_2405 = arith.constant 0 : i32
    %get3A_2406 = arith.index_cast %get3A_2405 : i32 to index
    %get3A_2407 = arith.constant 32 : index
    %get3A_2408 = tpu.vector_load %arg15[%get3A_2406, %get3A_2407] {strides = array<i32>} : memref<4x128xf32, #tpu.memory_space<vmem>>, vector<1x16xf32>,
    %get3A_2409 = vector.shape_cast %get3A_2408 : vector<1x16xf32> to vector<16xf32>
    %add3A_2410 = arith.addf %add3A_2404, %get3A_2409 : vector<16xf32>
    %get3A_2411 = arith.constant 0 : i32
    %get3A_2412 = arith.index_cast %get3A_2411 : i32 to index
    %get3A_2413 = arith.constant 48 : index
    %get3A_2414 = tpu.vector_load %arg15[%get3A_2412, %get3A_2413] {strides = array<i32>} : memref<4x128xf32, #tpu.memory_space<vmem>>, vector<1x16xf32>,
    %get3A_2415 = vector.shape_cast %get3A_2414 : vector<1x16xf32> to vector<16xf32>
    %add3A_2416 = arith.addf %add3A_2410, %get3A_2415 : vector<16xf32>
    %get3A_2417 = arith.constant 0 : i32
    %get3A_2418 = arith.index_cast %get3A_2417 : i32 to index
    %get3A_2419 = arith.constant 64 : index
    %get3A_2420 = tpu.vector_load %arg15[%get3A_2418, %get3A_2419] {strides = array<i32>} : memref<4x128xf32, #tpu.memory_space<vmem>>, vector<1x16xf32>,
    %get3A_2421 = vector.shape_cast %get3A_2420 : vector<1x16xf32> to vector<16xf32>
    %add3A_2422 = arith.addf %add3A_2416, %get3A_2421 : vector<16xf32>
    %get3A_2423 = arith.constant 0 : i32
    %get3A_2424 = arith.index_cast %get3A_2423 : i32 to index
    %get3A_2425 = arith.constant 80 : index
    %get3A_2426 = tpu.vector_load %arg15[%get3A_2424, %get3A_2425] {strides = array<i32>} : memref<4x128xf32, #tpu.memory_space<vmem>>, vector<1x16xf32>,
    %get3A_2427 = vector.shape_cast %get3A_2426 : vector<1x16xf32> to vector<16xf32>
    %add3A_2428 = arith.addf %add3A_2422, %get3A_2427 : vector<16xf32>
    %get3A_2429 = arith.constant 0 : i32
    %get3A_2430 = arith.index_cast %get3A_2429 : i32 to index
    %get3A_2431 = arith.constant 96 : index
    %get3A_2432 = tpu.vector_load %arg15[%get3A_2430, %get3A_2431] {strides = array<i32>} : memref<4x128xf32, #tpu.memory_space<vmem>>, vector<1x16xf32>,
    %get3A_2433 = vector.shape_cast %get3A_2432 : vector<1x16xf32> to vector<16xf32>
    %add3A_2434 = arith.addf %add3A_2428, %get3A_2433 : vector<16xf32>
    %get3A_2435 = arith.constant 0 : i32
    %get3A_2436 = arith.index_cast %get3A_2435 : i32 to index
    %get3A_2437 = arith.constant 112 : index
    %get3A_2438 = tpu.vector_load %arg15[%get3A_2436, %get3A_2437] {strides = array<i32>} : memref<4x128xf32, #tpu.memory_space<vmem>>, vector<1x16xf32>,
    %get3A_2439 = vector.shape_cast %get3A_2438 : vector<1x16xf32> to vector<16xf32>
    %add3A_2440 = arith.addf %add3A_2434, %get3A_2439 : vector<16xf32>
    %dma_wait3A_2441 = arith.constant 1 : i32
    %dma_wait3A_2442 = arith.constant 1 : i32
    %dma_wait3A_2443 = arith.constant 1 : i32
    %dma_wait3A_2444 = arith.constant 0 : i32
    %dma_wait3A_2445 = tpu.memref_slice %arg15[%dma_wait3A_2442, %dma_wait3A_2444] : memref<4x128xf32, #tpu.memory_space<vmem>> -> memref<1x128xf32, #tpu.memory_space<vmem>>
    %dma_wait3A_2446 = tpu.memref_squeeze %dma_wait3A_2445 : memref<1x128xf32, #tpu.memory_space<vmem>> -> memref<128xf32, #tpu.memory_space<vmem>>
    %dma_wait3A_2447 = arith.constant 0 : i32
    %dma_wait3A_2448 = tpu.memref_slice %arg14[%dma_wait3A_2441, %dma_wait3A_2447] : memref<4x128xi32, #tpu.memory_space<vmem>> -> memref<1x128xi32, #tpu.memory_space<vmem>>
    %dma_wait3A_2449 = tpu.memref_squeeze %dma_wait3A_2448 : memref<1x128xi32, #tpu.memory_space<vmem>> -> memref<128xi32, #tpu.memory_space<vmem>>
    %dma_wait3A_2450 = arith.constant 0 : i32
    %dma_wait3A_2451 = tpu.memref_slice %arg6[%dma_wait3A_2450] : memref<262144xf32, #tpu.memory_space<hbm>> -> memref<262144xf32, #tpu.memory_space<hbm>>
    %dma_wait3A_2452 = tpu.memref_slice %arg19[%dma_wait3A_2443] : memref<4x!tpu.dma_semaphore, #tpu.memory_space<semaphore_mem>> -> memref<1x!tpu.dma_semaphore, #tpu.memory_space<semaphore_mem>>
    %dma_wait3A_2453 = tpu.memref_squeeze %dma_wait3A_2452 : memref<1x!tpu.dma_semaphore, #tpu.memory_space<semaphore_mem>> -> memref<!tpu.dma_semaphore, #tpu.memory_space<semaphore_mem>>
    tpu.wait_indirect_dma semaphore(%dma_wait3A_2453 : memref<!tpu.dma_semaphore, #tpu.memory_space<semaphore_mem>>) src(%dma_wait3A_2451 : memref<262144xf32, #tpu.memory_space<hbm>>) dst(%dma_wait3A_2446 : memref<128xf32, #tpu.memory_space<vmem>>)
    %get3A_2454 = arith.constant 1 : i32
    %get3A_2455 = arith.index_cast %get3A_2454 : i32 to index
    %get3A_2456 = arith.constant 0 : index
    %get3A_2457 = tpu.vector_load %arg15[%get3A_2455, %get3A_2456] {strides = array<i32>} : memref<4x128xf32, #tpu.memory_space<vmem>>, vector<1x16xf32>,
    %get3A_2458 = vector.shape_cast %get3A_2457 : vector<1x16xf32> to vector<16xf32>
    %add3A_2459 = arith.addf %add3A_2440, %get3A_2458 : vector<16xf32>
    %get3A_2460 = arith.constant 1 : i32
    %get3A_2461 = arith.index_cast %get3A_2460 : i32 to index
    %get3A_2462 = arith.constant 16 : index
    %get3A_2463 = tpu.vector_load %arg15[%get3A_2461, %get3A_2462] {strides = array<i32>} : memref<4x128xf32, #tpu.memory_space<vmem>>, vector<1x16xf32>,
    %get3A_2464 = vector.shape_cast %get3A_2463 : vector<1x16xf32> to vector<16xf32>
    %add3A_2465 = arith.addf %add3A_2459, %get3A_2464 : vector<16xf32>
    %get3A_2466 = arith.constant 1 : i32
    %get3A_2467 = arith.index_cast %get3A_2466 : i32 to index
    %get3A_2468 = arith.constant 32 : index
    %get3A_2469 = tpu.vector_load %arg15[%get3A_2467, %get3A_2468] {strides = array<i32>} : memref<4x128xf32, #tpu.memory_space<vmem>>, vector<1x16xf32>,
    %get3A_2470 = vector.shape_cast %get3A_2469 : vector<1x16xf32> to vector<16xf32>
    %add3A_2471 = arith.addf %add3A_2465, %get3A_2470 : vector<16xf32>
    %get3A_2472 = arith.constant 1 : i32
    %get3A_2473 = arith.index_cast %get3A_2472 : i32 to index
    %get3A_2474 = arith.constant 48 : index
    %get3A_2475 = tpu.vector_load %arg15[%get3A_2473, %get3A_2474] {strides = array<i32>} : memref<4x128xf32, #tpu.memory_space<vmem>>, vector<1x16xf32>,
    %get3A_2476 = vector.shape_cast %get3A_2475 : vector<1x16xf32> to vector<16xf32>
    %add3A_2477 = arith.addf %add3A_2471, %get3A_2476 : vector<16xf32>
    %get3A_2478 = arith.constant 1 : i32
    %get3A_2479 = arith.index_cast %get3A_2478 : i32 to index
    %get3A_2480 = arith.constant 64 : index
    %get3A_2481 = tpu.vector_load %arg15[%get3A_2479, %get3A_2480] {strides = array<i32>} : memref<4x128xf32, #tpu.memory_space<vmem>>, vector<1x16xf32>,
    %get3A_2482 = vector.shape_cast %get3A_2481 : vector<1x16xf32> to vector<16xf32>
    %add3A_2483 = arith.addf %add3A_2477, %get3A_2482 : vector<16xf32>
    %get3A_2484 = arith.constant 1 : i32
    %get3A_2485 = arith.index_cast %get3A_2484 : i32 to index
    %get3A_2486 = arith.constant 80 : index
    %get3A_2487 = tpu.vector_load %arg15[%get3A_2485, %get3A_2486] {strides = array<i32>} : memref<4x128xf32, #tpu.memory_space<vmem>>, vector<1x16xf32>,
    %get3A_2488 = vector.shape_cast %get3A_2487 : vector<1x16xf32> to vector<16xf32>
    %add3A_2489 = arith.addf %add3A_2483, %get3A_2488 : vector<16xf32>
    %get3A_2490 = arith.constant 1 : i32
    %get3A_2491 = arith.index_cast %get3A_2490 : i32 to index
    %get3A_2492 = arith.constant 96 : index
    %get3A_2493 = tpu.vector_load %arg15[%get3A_2491, %get3A_2492] {strides = array<i32>} : memref<4x128xf32, #tpu.memory_space<vmem>>, vector<1x16xf32>,
    %get3A_2494 = vector.shape_cast %get3A_2493 : vector<1x16xf32> to vector<16xf32>
    %add3A_2495 = arith.addf %add3A_2489, %get3A_2494 : vector<16xf32>
    %get3A_2496 = arith.constant 1 : i32
    %get3A_2497 = arith.index_cast %get3A_2496 : i32 to index
    %get3A_2498 = arith.constant 112 : index
    %get3A_2499 = tpu.vector_load %arg15[%get3A_2497, %get3A_2498] {strides = array<i32>} : memref<4x128xf32, #tpu.memory_space<vmem>>, vector<1x16xf32>,
    %get3A_2500 = vector.shape_cast %get3A_2499 : vector<1x16xf32> to vector<16xf32>
    %add3A_2501 = arith.addf %add3A_2495, %get3A_2500 : vector<16xf32>
    %dma_wait3A_2502 = arith.constant 2 : i32
    %dma_wait3A_2503 = arith.constant 2 : i32
    %dma_wait3A_2504 = arith.constant 2 : i32
    %dma_wait3A_2505 = arith.constant 0 : i32
    %dma_wait3A_2506 = tpu.memref_slice %arg15[%dma_wait3A_2503, %dma_wait3A_2505] : memref<4x128xf32, #tpu.memory_space<vmem>> -> memref<1x128xf32, #tpu.memory_space<vmem>>
    %dma_wait3A_2507 = tpu.memref_squeeze %dma_wait3A_2506 : memref<1x128xf32, #tpu.memory_space<vmem>> -> memref<128xf32, #tpu.memory_space<vmem>>
    %dma_wait3A_2508 = arith.constant 0 : i32
    %dma_wait3A_2509 = tpu.memref_slice %arg14[%dma_wait3A_2502, %dma_wait3A_2508] : memref<4x128xi32, #tpu.memory_space<vmem>> -> memref<1x128xi32, #tpu.memory_space<vmem>>
    %dma_wait3A_2510 = tpu.memref_squeeze %dma_wait3A_2509 : memref<1x128xi32, #tpu.memory_space<vmem>> -> memref<128xi32, #tpu.memory_space<vmem>>
    %dma_wait3A_2511 = arith.constant 0 : i32
    %dma_wait3A_2512 = tpu.memref_slice %arg6[%dma_wait3A_2511] : memref<262144xf32, #tpu.memory_space<hbm>> -> memref<262144xf32, #tpu.memory_space<hbm>>
    %dma_wait3A_2513 = tpu.memref_slice %arg19[%dma_wait3A_2504] : memref<4x!tpu.dma_semaphore, #tpu.memory_space<semaphore_mem>> -> memref<1x!tpu.dma_semaphore, #tpu.memory_space<semaphore_mem>>
    %dma_wait3A_2514 = tpu.memref_squeeze %dma_wait3A_2513 : memref<1x!tpu.dma_semaphore, #tpu.memory_space<semaphore_mem>> -> memref<!tpu.dma_semaphore, #tpu.memory_space<semaphore_mem>>
    tpu.wait_indirect_dma semaphore(%dma_wait3A_2514 : memref<!tpu.dma_semaphore, #tpu.memory_space<semaphore_mem>>) src(%dma_wait3A_2512 : memref<262144xf32, #tpu.memory_space<hbm>>) dst(%dma_wait3A_2507 : memref<128xf32, #tpu.memory_space<vmem>>)
    %get3A_2515 = arith.constant 2 : i32
    %get3A_2516 = arith.index_cast %get3A_2515 : i32 to index
    %get3A_2517 = arith.constant 0 : index
    %get3A_2518 = tpu.vector_load %arg15[%get3A_2516, %get3A_2517] {strides = array<i32>} : memref<4x128xf32, #tpu.memory_space<vmem>>, vector<1x16xf32>,
    %get3A_2519 = vector.shape_cast %get3A_2518 : vector<1x16xf32> to vector<16xf32>
    %add3A_2520 = arith.addf %add3A_2501, %get3A_2519 : vector<16xf32>
    %get3A_2521 = arith.constant 2 : i32
    %get3A_2522 = arith.index_cast %get3A_2521 : i32 to index
    %get3A_2523 = arith.constant 16 : index
    %get3A_2524 = tpu.vector_load %arg15[%get3A_2522, %get3A_2523] {strides = array<i32>} : memref<4x128xf32, #tpu.memory_space<vmem>>, vector<1x16xf32>,
    %get3A_2525 = vector.shape_cast %get3A_2524 : vector<1x16xf32> to vector<16xf32>
    %add3A_2526 = arith.addf %add3A_2520, %get3A_2525 : vector<16xf32>
    %get3A_2527 = arith.constant 2 : i32
    %get3A_2528 = arith.index_cast %get3A_2527 : i32 to index
    %get3A_2529 = arith.constant 32 : index
    %get3A_2530 = tpu.vector_load %arg15[%get3A_2528, %get3A_2529] {strides = array<i32>} : memref<4x128xf32, #tpu.memory_space<vmem>>, vector<1x16xf32>,
    %get3A_2531 = vector.shape_cast %get3A_2530 : vector<1x16xf32> to vector<16xf32>
    %add3A_2532 = arith.addf %add3A_2526, %get3A_2531 : vector<16xf32>
    %get3A_2533 = arith.constant 2 : i32
    %get3A_2534 = arith.index_cast %get3A_2533 : i32 to index
    %get3A_2535 = arith.constant 48 : index
    %get3A_2536 = tpu.vector_load %arg15[%get3A_2534, %get3A_2535] {strides = array<i32>} : memref<4x128xf32, #tpu.memory_space<vmem>>, vector<1x16xf32>,
    %get3A_2537 = vector.shape_cast %get3A_2536 : vector<1x16xf32> to vector<16xf32>
    %add3A_2538 = arith.addf %add3A_2532, %get3A_2537 : vector<16xf32>
    %get3A_2539 = arith.constant 2 : i32
    %get3A_2540 = arith.index_cast %get3A_2539 : i32 to index
    %get3A_2541 = arith.constant 64 : index
    %get3A_2542 = tpu.vector_load %arg15[%get3A_2540, %get3A_2541] {strides = array<i32>} : memref<4x128xf32, #tpu.memory_space<vmem>>, vector<1x16xf32>,
    %get3A_2543 = vector.shape_cast %get3A_2542 : vector<1x16xf32> to vector<16xf32>
    %add3A_2544 = arith.addf %add3A_2538, %get3A_2543 : vector<16xf32>
    %get3A_2545 = arith.constant 2 : i32
    %get3A_2546 = arith.index_cast %get3A_2545 : i32 to index
    %get3A_2547 = arith.constant 80 : index
    %get3A_2548 = tpu.vector_load %arg15[%get3A_2546, %get3A_2547] {strides = array<i32>} : memref<4x128xf32, #tpu.memory_space<vmem>>, vector<1x16xf32>,
    %get3A_2549 = vector.shape_cast %get3A_2548 : vector<1x16xf32> to vector<16xf32>
    %add3A_2550 = arith.addf %add3A_2544, %get3A_2549 : vector<16xf32>
    %get3A_2551 = arith.constant 2 : i32
    %get3A_2552 = arith.index_cast %get3A_2551 : i32 to index
    %get3A_2553 = arith.constant 96 : index
    %get3A_2554 = tpu.vector_load %arg15[%get3A_2552, %get3A_2553] {strides = array<i32>} : memref<4x128xf32, #tpu.memory_space<vmem>>, vector<1x16xf32>,
    %get3A_2555 = vector.shape_cast %get3A_2554 : vector<1x16xf32> to vector<16xf32>
    %add3A_2556 = arith.addf %add3A_2550, %get3A_2555 : vector<16xf32>
    %get3A_2557 = arith.constant 2 : i32
    %get3A_2558 = arith.index_cast %get3A_2557 : i32 to index
    %get3A_2559 = arith.constant 112 : index
    %get3A_2560 = tpu.vector_load %arg15[%get3A_2558, %get3A_2559] {strides = array<i32>} : memref<4x128xf32, #tpu.memory_space<vmem>>, vector<1x16xf32>,
    %get3A_2561 = vector.shape_cast %get3A_2560 : vector<1x16xf32> to vector<16xf32>
    %add3A_2562 = arith.addf %add3A_2556, %get3A_2561 : vector<16xf32>
    %dma_wait3A_2563 = arith.constant 3 : i32
    %dma_wait3A_2564 = arith.constant 3 : i32
    %dma_wait3A_2565 = arith.constant 3 : i32
    %dma_wait3A_2566 = arith.constant 0 : i32
    %dma_wait3A_2567 = tpu.memref_slice %arg15[%dma_wait3A_2564, %dma_wait3A_2566] : memref<4x128xf32, #tpu.memory_space<vmem>> -> memref<1x128xf32, #tpu.memory_space<vmem>>
    %dma_wait3A_2568 = tpu.memref_squeeze %dma_wait3A_2567 : memref<1x128xf32, #tpu.memory_space<vmem>> -> memref<128xf32, #tpu.memory_space<vmem>>
    %dma_wait3A_2569 = arith.constant 0 : i32
    %dma_wait3A_2570 = tpu.memref_slice %arg14[%dma_wait3A_2563, %dma_wait3A_2569] : memref<4x128xi32, #tpu.memory_space<vmem>> -> memref<1x128xi32, #tpu.memory_space<vmem>>
    %dma_wait3A_2571 = tpu.memref_squeeze %dma_wait3A_2570 : memref<1x128xi32, #tpu.memory_space<vmem>> -> memref<128xi32, #tpu.memory_space<vmem>>
    %dma_wait3A_2572 = arith.constant 0 : i32
    %dma_wait3A_2573 = tpu.memref_slice %arg6[%dma_wait3A_2572] : memref<262144xf32, #tpu.memory_space<hbm>> -> memref<262144xf32, #tpu.memory_space<hbm>>
    %dma_wait3A_2574 = tpu.memref_slice %arg19[%dma_wait3A_2565] : memref<4x!tpu.dma_semaphore, #tpu.memory_space<semaphore_mem>> -> memref<1x!tpu.dma_semaphore, #tpu.memory_space<semaphore_mem>>
    %dma_wait3A_2575 = tpu.memref_squeeze %dma_wait3A_2574 : memref<1x!tpu.dma_semaphore, #tpu.memory_space<semaphore_mem>> -> memref<!tpu.dma_semaphore, #tpu.memory_space<semaphore_mem>>
    tpu.wait_indirect_dma semaphore(%dma_wait3A_2575 : memref<!tpu.dma_semaphore, #tpu.memory_space<semaphore_mem>>) src(%dma_wait3A_2573 : memref<262144xf32, #tpu.memory_space<hbm>>) dst(%dma_wait3A_2568 : memref<128xf32, #tpu.memory_space<vmem>>)
    %get3A_2576 = arith.constant 3 : i32
    %get3A_2577 = arith.index_cast %get3A_2576 : i32 to index
    %get3A_2578 = arith.constant 0 : index
    %get3A_2579 = tpu.vector_load %arg15[%get3A_2577, %get3A_2578] {strides = array<i32>} : memref<4x128xf32, #tpu.memory_space<vmem>>, vector<1x16xf32>,
    %get3A_2580 = vector.shape_cast %get3A_2579 : vector<1x16xf32> to vector<16xf32>
    %add3A_2581 = arith.addf %add3A_2562, %get3A_2580 : vector<16xf32>
    %get3A_2582 = arith.constant 3 : i32
    %get3A_2583 = arith.index_cast %get3A_2582 : i32 to index
    %get3A_2584 = arith.constant 16 : index
    %get3A_2585 = tpu.vector_load %arg15[%get3A_2583, %get3A_2584] {strides = array<i32>} : memref<4x128xf32, #tpu.memory_space<vmem>>, vector<1x16xf32>,
    %get3A_2586 = vector.shape_cast %get3A_2585 : vector<1x16xf32> to vector<16xf32>
    %add3A_2587 = arith.addf %add3A_2581, %get3A_2586 : vector<16xf32>
    %get3A_2588 = arith.constant 3 : i32
    %get3A_2589 = arith.index_cast %get3A_2588 : i32 to index
    %get3A_2590 = arith.constant 32 : index
    %get3A_2591 = tpu.vector_load %arg15[%get3A_2589, %get3A_2590] {strides = array<i32>} : memref<4x128xf32, #tpu.memory_space<vmem>>, vector<1x16xf32>,
    %get3A_2592 = vector.shape_cast %get3A_2591 : vector<1x16xf32> to vector<16xf32>
    %add3A_2593 = arith.addf %add3A_2587, %get3A_2592 : vector<16xf32>
    %get3A_2594 = arith.constant 3 : i32
    %get3A_2595 = arith.index_cast %get3A_2594 : i32 to index
    %get3A_2596 = arith.constant 48 : index
    %get3A_2597 = tpu.vector_load %arg15[%get3A_2595, %get3A_2596] {strides = array<i32>} : memref<4x128xf32, #tpu.memory_space<vmem>>, vector<1x16xf32>,
    %get3A_2598 = vector.shape_cast %get3A_2597 : vector<1x16xf32> to vector<16xf32>
    %add3A_2599 = arith.addf %add3A_2593, %get3A_2598 : vector<16xf32>
    %get3A_2600 = arith.constant 3 : i32
    %get3A_2601 = arith.index_cast %get3A_2600 : i32 to index
    %get3A_2602 = arith.constant 64 : index
    %get3A_2603 = tpu.vector_load %arg15[%get3A_2601, %get3A_2602] {strides = array<i32>} : memref<4x128xf32, #tpu.memory_space<vmem>>, vector<1x16xf32>,
    %get3A_2604 = vector.shape_cast %get3A_2603 : vector<1x16xf32> to vector<16xf32>
    %add3A_2605 = arith.addf %add3A_2599, %get3A_2604 : vector<16xf32>
    %get3A_2606 = arith.constant 3 : i32
    %get3A_2607 = arith.index_cast %get3A_2606 : i32 to index
    %get3A_2608 = arith.constant 80 : index
    %get3A_2609 = tpu.vector_load %arg15[%get3A_2607, %get3A_2608] {strides = array<i32>} : memref<4x128xf32, #tpu.memory_space<vmem>>, vector<1x16xf32>,
    %get3A_2610 = vector.shape_cast %get3A_2609 : vector<1x16xf32> to vector<16xf32>
    %add3A_2611 = arith.addf %add3A_2605, %get3A_2610 : vector<16xf32>
    %get3A_2612 = arith.constant 3 : i32
    %get3A_2613 = arith.index_cast %get3A_2612 : i32 to index
    %get3A_2614 = arith.constant 96 : index
    %get3A_2615 = tpu.vector_load %arg15[%get3A_2613, %get3A_2614] {strides = array<i32>} : memref<4x128xf32, #tpu.memory_space<vmem>>, vector<1x16xf32>,
    %get3A_2616 = vector.shape_cast %get3A_2615 : vector<1x16xf32> to vector<16xf32>
    %add3A_2617 = arith.addf %add3A_2611, %get3A_2616 : vector<16xf32>
    %get3A_2618 = arith.constant 3 : i32
    %get3A_2619 = arith.index_cast %get3A_2618 : i32 to index
    %get3A_2620 = arith.constant 112 : index
    %get3A_2621 = tpu.vector_load %arg15[%get3A_2619, %get3A_2620] {strides = array<i32>} : memref<4x128xf32, #tpu.memory_space<vmem>>, vector<1x16xf32>,
    %get3A_2622 = vector.shape_cast %get3A_2621 : vector<1x16xf32> to vector<16xf32>
    %add3A_2623 = arith.addf %add3A_2617, %get3A_2622 : vector<16xf32>
    %swap3A_2624 = arith.constant 0 : index
    %swap3A_2625 = tpu.vector_load %arg16[%swap3A_2624] {strides = array<i32>} : memref<16xf32, #tpu.memory_space<vmem>>, vector<16xf32>,
    %swap3A_2626 = vector.shape_cast %swap3A_2625 : vector<16xf32> to vector<16xf32>
    %swap3A_2627 = vector.shape_cast %add3A_2623 : vector<16xf32> to vector<16xf32>
    tpu.vector_store %arg16[%swap3A_2624], %swap3A_2627 {strides = array<i32>} : memref<16xf32, #tpu.memory_space<vmem>>, vector<16xf32>,
    "tpu.region"() ({
      %run_scoped3A = tpu.sem_alloc : memref<!tpu.dma_semaphore, #tpu.memory_space<semaphore_mem>>
      %dma_start3A_2628 = arith.constant 0 : i32
      %dma_start3A_2629 = tpu.memref_slice %arg7[%add3A, %dma_start3A_2628] : memref<16x16xf32, #tpu.memory_space<hbm>> -> memref<1x16xf32, #tpu.memory_space<hbm>>
      %dma_start3A_2630 = tpu.memref_squeeze %dma_start3A_2629 : memref<1x16xf32, #tpu.memory_space<hbm>> -> memref<16xf32, #tpu.memory_space<hbm>>
      %dma_start3A_2631 = arith.constant 0 : i32
      %dma_start3A_2632 = tpu.memref_slice %arg7[%add3A, %dma_start3A_2631] : memref<16x16xf32, #tpu.memory_space<hbm>> -> memref<1x16xf32, #tpu.memory_space<hbm>>
      %dma_start3A_2633 = tpu.memref_squeeze %dma_start3A_2632 : memref<1x16xf32, #tpu.memory_space<hbm>> -> memref<16xf32, #tpu.memory_space<hbm>>
      tpu.enqueue_dma source(%arg16 : memref<16xf32, #tpu.memory_space<vmem>>) target(%dma_start3A_2633 : memref<16xf32, #tpu.memory_space<hbm>>) target_semaphore(%run_scoped3A : memref<!tpu.dma_semaphore, #tpu.memory_space<semaphore_mem>>)
      %dma_wait3A_2634 = arith.constant 0 : i32
      %dma_wait3A_2635 = tpu.memref_slice %arg7[%add3A, %dma_wait3A_2634] : memref<16x16xf32, #tpu.memory_space<hbm>> -> memref<1x16xf32, #tpu.memory_space<hbm>>
      %dma_wait3A_2636 = tpu.memref_squeeze %dma_wait3A_2635 : memref<1x16xf32, #tpu.memory_space<hbm>> -> memref<16xf32, #tpu.memory_space<hbm>>
      %dma_wait3A_2637 = arith.constant 0 : i32
      %dma_wait3A_2638 = tpu.memref_slice %arg7[%add3A, %dma_wait3A_2637] : memref<16x16xf32, #tpu.memory_space<hbm>> -> memref<1x16xf32, #tpu.memory_space<hbm>>
      %dma_wait3A_2639 = tpu.memref_squeeze %dma_wait3A_2638 : memref<1x16xf32, #tpu.memory_space<hbm>> -> memref<16xf32, #tpu.memory_space<hbm>>
      tpu.wait_dma2 semaphore(%run_scoped3A : memref<!tpu.dma_semaphore, #tpu.memory_space<semaphore_mem>>) src(%arg16 : memref<16xf32, #tpu.memory_space<vmem>>) dst(%dma_wait3A_2639 : memref<16xf32, #tpu.memory_space<hbm>>)
      tpu.yield
    }) : () -> ()
    return
  }
}

module attributes {stable_mosaic.version = 14 : i64} {
  func.func @_pair_table_body(%arg0: memref<500x512xf32, #tpu.memory_space<vmem>>, %arg1: memref<500x512xf32, #tpu.memory_space<vmem>>, %arg2: memref<512x512xf32, #tpu.memory_space<vmem>>, %arg3: memref<512x512xf32, #tpu.memory_space<vmem>>) attributes {dimension_semantics = [], scalar_prefetch = 0 : i64, scratch_operands = 0 : i64, tpu.core_type = #tpu.core_type<tc>} {
    %broadcast_in_dim3A = arith.constant 0.000000e+00 : f32
    %broadcast_in_dim3A_0 = vector.broadcast %broadcast_in_dim3A : f32 to vector<12x512xf32>
    %get3A = arith.constant 0 : index
    %get3A_1 = arith.constant 0 : index
    %get3A_2 = vector.load %arg0[%get3A, %get3A_1] : memref<500x512xf32, #tpu.memory_space<vmem>>, vector<500x512xf32>
    %concatenate3A = tpu.concatenate %get3A_2, %broadcast_in_dim3A_0 in 0 : vector<500x512xf32>, vector<12x512xf32> -> vector<512x512xf32>
    %get3A_3 = arith.constant 0 : index
    %get3A_4 = arith.constant 0 : index
    %get3A_5 = vector.load %arg1[%get3A_3, %get3A_4] : memref<500x512xf32, #tpu.memory_space<vmem>>, vector<500x512xf32>
    %concatenate3A_6 = tpu.concatenate %get3A_5, %broadcast_in_dim3A_0 in 0 : vector<500x512xf32>, vector<12x512xf32> -> vector<512x512xf32>
    %get3A_7 = arith.constant 0 : index
    %get3A_8 = arith.constant 0 : index
    %get3A_9 = vector.load %arg2[%get3A_7, %get3A_8] : memref<512x512xf32, #tpu.memory_space<vmem>>, vector<512x512xf32>
    %dot_general3A = arith.constant dense<0.000000e+00> : vector<512x512xf32>
    %dot_general3A_10 = tpu.matmul %concatenate3A_6, %concatenate3A_6, %dot_general3A {dimension_numbers = #tpu.dot_dimension_numbers<[0], [0], [1], [1], [0, 1, 1, 1], [], []>, transpose_lhs_hint = false} : vector<512x512xf32>, vector<512x512xf32>, vector<512x512xf32> -> vector<512x512xf32>
    %mul3A = arith.constant 2.43664715E-7 : f32
    %mul3A_11 = vector.broadcast %mul3A : f32 to vector<512x512xf32>
    %mul3A_12 = arith.mulf %dot_general3A_10, %mul3A_11 : vector<512x512xf32>
    %dot_general3A_13 = arith.constant dense<0.000000e+00> : vector<512x512xf32>
    %dot_general3A_14 = tpu.matmul %get3A_9, %get3A_9, %dot_general3A_13 {dimension_numbers = #tpu.dot_dimension_numbers<[0], [0], [1], [1], [0, 1, 1, 1], [], []>, transpose_lhs_hint = false} : vector<512x512xf32>, vector<512x512xf32>, vector<512x512xf32> -> vector<512x512xf32>
    %mul3A_15 = arith.constant 2.37953827E-7 : f32
    %mul3A_16 = vector.broadcast %mul3A_15 : f32 to vector<512x512xf32>
    %mul3A_17 = arith.mulf %dot_general3A_14, %mul3A_16 : vector<512x512xf32>
    %add3A = arith.addf %mul3A_12, %mul3A_17 : vector<512x512xf32>
    %dot_general3A_18 = arith.constant dense<0.000000e+00> : vector<512x512xf32>
    %dot_general3A_19 = tpu.matmul %concatenate3A, %add3A, %dot_general3A_18 {dimension_numbers = #tpu.dot_dimension_numbers<[1], [0], [0], [1], [0, 0, 1, 1], [], []>, transpose_lhs_hint = false} : vector<512x512xf32>, vector<512x512xf32>, vector<512x512xf32> -> vector<512x512xf32>
    %dot_general3A_20 = arith.constant dense<0.000000e+00> : vector<512x512xf32>
    %dot_general3A_21 = tpu.matmul %dot_general3A_19, %concatenate3A, %dot_general3A_20 {dimension_numbers = #tpu.dot_dimension_numbers<[1], [1], [0], [0], [0, 0, 1, 0], [], []>, transpose_lhs_hint = false} : vector<512x512xf32>, vector<512x512xf32>, vector<512x512xf32> -> vector<512x512xf32>
    %iota3A = tpu.iota {dimensions = array<i32: 0>} : vector<512x512xi32>
    %iota3A_22 = tpu.iota {dimensions = array<i32: 1>} : vector<512x512xi32>
    %eq3A = arith.cmpi eq, %iota3A, %iota3A_22 : vector<512x512xi32>
    %jit3A = arith.constant 0.000000e+00 : f32
    %broadcast_in_dim3A_23 = vector.broadcast %jit3A : f32 to vector<512x512xf32>
    %select_n3A = arith.select %eq3A, %dot_general3A_21, %broadcast_in_dim3A_23 : vector<512x512xi1>, vector<512x512xf32>
    %reduce_sum3A = arith.constant dense<0.000000e+00> : vector<512xf32>
    %reduce_sum3A_24 = vector.multi_reduction <add>, %select_n3A, %reduce_sum3A [1] : vector<512x512xf32> to vector<512xf32>
    %broadcast_in_dim3A_25 = vector.shape_cast %reduce_sum3A_24 : vector<512xf32> to vector<512x1xf32>
    %reduce_sum3A_26 = arith.constant dense<0.000000e+00> : vector<512xf32>
    %reduce_sum3A_27 = vector.multi_reduction <add>, %select_n3A, %reduce_sum3A_26 [0] : vector<512x512xf32> to vector<512xf32>
    %broadcast_in_dim3A_28 = vector.shape_cast %reduce_sum3A_27 : vector<512xf32> to vector<1x512xf32>
    %add3A_29 = vector.broadcast %broadcast_in_dim3A_25 : vector<512x1xf32> to vector<512x512xf32>
    %add3A_30 = vector.broadcast %broadcast_in_dim3A_28 : vector<1x512xf32> to vector<512x512xf32>
    %add3A_31 = arith.addf %add3A_29, %add3A_30 : vector<512x512xf32>
    %mul3A_32 = arith.constant 2.000000e+00 : f32
    %mul3A_33 = vector.broadcast %mul3A_32 : f32 to vector<512x512xf32>
    %mul3A_34 = arith.mulf %mul3A_33, %dot_general3A_21 : vector<512x512xf32>
    %sub3A = arith.subf %add3A_31, %mul3A_34 : vector<512x512xf32>
    %swap3A = arith.constant 0 : index
    %swap3A_35 = arith.constant 0 : index
    %swap3A_36 = vector.load %arg3[%swap3A, %swap3A_35] : memref<512x512xf32, #tpu.memory_space<vmem>>, vector<512x512xf32>
    tpu.vector_store %arg3[%swap3A, %swap3A_35], %sub3A {strides = array<i32>} : memref<512x512xf32, #tpu.memory_space<vmem>>, vector<512x512xf32>,
    return
  }
}

</mosaic_0001>

<sc_bundles>
// kernel: kernel.4.cloned.1.call-start
scs
__scs_entry_jumppad:
0x0: {  	(pc) =	sbr.rel $0x88, $3  }
0x1: {  	(tag) =	ssettag $0x0;
	lr =	simm.s32 $0x1  }
0x2: {  	[smem:$0x3F9A] =	sst lr;
	_ =	strace $0xD0000000  }
0x3: {  	_ = 	snop  }
0x4: {  	_ = 	snop  }
0x5: {  	_ = 	snop  }
0x6: {  	_ = 	snop  }
0x7: {  	_ = 	snop  }
__scs_overlays_trampoline_lowered:
0x8: {  	[smem:$0x3FA9] =	sst s0  }
0x9: {  	[smem:$0x3FAA] =	sst s1  }
0xa: {  	[smem:$0x3FAB] =	sst s2  }
0xb: {  	[smem:$0x3FAC] =	sst s3  }
0xc: {  	[smem:$0x3FAD] =	sst s4  }
0xd: {  	[smem:$0x3FAE] =	sst s5  }
0xe: {  	[smem:$0x3FAF] =	sst s6  }
0xf: {  	[smem:$0x3FB0] =	sst s7  }
0x10: {  	[smem:$0x3FB1] =	sst s8  }
0x11: {  	[smem:$0x3FB2] =	sst s9;
	s0 =	simm.s32 @!p0 $0x0  }
0x12: {  	s1 =	sld [smem:$0x3F98];
	s0 =	simm.s32 @p0 $0x1  }
0x13: {  	[smem:$0x3FB3] =	sst s0;
	s0 =	simm.s32 @!p1 $0x0  }
0x14: {  	s2 =	sld [smem:$0x3F97];
	s0 =	simm.s32 @p1 $0x1  }
0x15: {  	[smem:$0x3FB4] =	sst s0;
	s0 =	simm.s32 @!p2 $0x0  }
0x16: {  	s3 =	sld [smem:$0x3FDB];
	s0 =	simm.s32 @p2 $0x1  }
0x17: {  	s4 =	simm.s32 $0x1BF5;
	[smem:$0x3FB6] =	sst s0  }
0x18: {  	s0 =	sld [smem:$0x3F99];
	_ =	swait.ge [sflag:s4], $0x0  }
0x19: {  	s7 =	sld [smem:$0x3F9A]  }
0x1a: {  	s8 =	sadd.s32 $0xFFFFE003, lr  }
0x1b: {  	s9 =	sadd.s32 $0xFFFFFEF7, lr;
	s5 =	simm.s32 $0xFFFFFFFF;
	p2 =	slt.u32 s8, $0xFFFFF086  }
0x1c: {  	p1 =	slt.u32 s9, $0xF7A;
	s5 =	simm.s32 @!p2 $0x0  }
0x1d: {  	s5 =	simm.s32 @p1 $0x1;
	p0 =	seq.s32 s7, s2  }
0x1e: {  	s7 =	smul.u32 @!p0 $0xF7A, s2;
	p2 =	seq.s32 @!p0 s5, $0x0  }
0x1f: {  	s9 =	smul.u32 $0xF7A, s1;
	s8 =	simm.s32 @!p0 $0x1BF5;
	p2 =	por !p2, p0  }
0x20: {  	[sflag:s8] =	ssyncset.s32 @!p0 $0xFFFFF086;
	s6 =	sadd.s32 @!p0 s3, s7;
	s7 =	simm.s32 @!p0 $0x108  }
0x21: {  	s3 =	sadd.s32 s3, s9;
	s6 =	sadd.s32 @!p0 $0x88, s6;
	s7 =	simm.s32 @p2 $0x1082  }
0x22: {  	[simem:s7], [sflag:s8] =	dma.local @!p0 [hbm:s6], $0xF7A  }
0x23: {  	s9 =	sor.u32 $0xD0000000, s2;
	s6 =	simm.s32 $0x108;
	_ =	swait.ge @!p0 [sflag:s8], $0x0  }
0x24: {  	s3 =	sadd.s32 $0x88, s3;
	s6 =	simm.s32 @!p1 $0x1082;
	[sflag:s4] =	ssyncset.s32 $0xFFFFF086  }
0x25: {  	[simem:s6], [sflag:s4] =	dma.local [hbm:s3], $0xF7A  }
0x26: {  	[smem:$0x3F9A] =	sst s1;
	(tag) =	ssettag s2;
	_ =	strace s9  }
0x27: {  	s1 =	sld [smem:$0x3FAA]  }
0x28: {  	s2 =	sld [smem:$0x3FAB]  }
0x29: {  	s4 =	sld [smem:$0x3FAD]  }
0x2a: {  	p0 =	seq.s32 s5, $0x0;
	s5 =	sld [smem:$0x3FAE]  }
0x2b: {  	s6 =	sld [smem:$0x3FAF]  }
0x2c: {  	s7 =	sld [smem:$0x3FB0]  }
0x2d: {  	s3 =	simm.s32 $0x108;
	s8 =	sld [smem:$0x3FB1]  }
0x2e: {  	s3 =	simm.s32 @!p0 $0x1082;
	s9 =	sld [smem:$0x3FB2]  }
0x2f: {  	lr =	sadd.s32 s0, s3;
	s0 =	sld [smem:$0x3FA9]  }
0x30: {  	s3 =	sld [smem:$0x3FAC]  }
0x31: {  	[smem:$0x3FB5] =	sst s10  }
0x32: {  	s10 =	sld [smem:$0x3FB3];
	_ =	sdelay $0x3  }
0x33: {  	p0 =	seq.s32 s10, $0x1;
	s10 =	sld [smem:$0x3FB5];
	_ =	sdelay $0x3  }
0x34: {  	[smem:$0x3FB5] =	sst s10  }
0x35: {  	s10 =	sld [smem:$0x3FB4];
	_ =	sdelay $0x3  }
0x36: {  	p1 =	seq.s32 s10, $0x1;
	s10 =	sld [smem:$0x3FB5];
	_ =	sdelay $0x3  }
0x37: {  	[smem:$0x3FB5] =	sst s10  }
0x38: {  	s10 =	sld [smem:$0x3FB6]  }
0x39: {  	_ = 	snop;
	(pc) =	sbr.ind lr, $3  }
0x3a: {  	_ = 	snop  }
0x3b: {  	_ = 	snop  }
0x3c: {  	p2 =	seq.s32 s10, $0x1;
	s10 =	sld [smem:$0x3FB5]  }
0x3d: {  	_ =	shalt  }
0x3e: {  	_ =	shalt  }
0x3f: {  	_ =	shalt  }
0x40: {  	_ =	shalt  }
0x41: {  	_ =	shalt  }
0x42: {  	_ =	shalt  }
0x43: {  	_ =	shalt  }
0x44: {  	_ =	shalt  }
0x45: {  	_ =	shalt  }
0x46: {  	_ =	shalt  }
0x47: {  	_ =	shalt  }
0x48: {  	_ =	shalt  }
0x49: {  	_ =	shalt  }
0x4a: {  	_ =	shalt  }
0x4b: {  	_ =	shalt  }
0x4c: {  	_ =	shalt  }
0x4d: {  	_ =	shalt  }
0x4e: {  	_ =	shalt  }
0x4f: {  	_ =	shalt  }
0x50: {  	_ =	shalt  }
0x51: {  	_ =	shalt  }
0x52: {  	_ =	shalt  }
0x53: {  	_ =	shalt  }
0x54: {  	_ =	shalt  }
0x55: {  	_ =	shalt  }
0x56: {  	_ =	shalt  }
0x57: {  	_ =	shalt  }
0x58: {  	_ =	shalt  }
0x59: {  	_ =	shalt  }
0x5a: {  	_ =	shalt  }
0x5b: {  	_ =	shalt  }
0x5c: {  	_ =	shalt  }
0x5d: {  	_ =	shalt  }
0x5e: {  	_ =	shalt  }
0x5f: {  	_ =	shalt  }
0x60: {  	_ =	shalt  }
0x61: {  	_ =	shalt  }
0x62: {  	_ =	shalt  }
0x63: {  	_ =	shalt  }
0x64: {  	_ =	shalt  }
0x65: {  	_ =	shalt  }
0x66: {  	_ =	shalt  }
0x67: {  	_ =	shalt  }
0x68: {  	_ =	shalt  }
0x69: {  	_ =	shalt  }
0x6a: {  	_ =	shalt  }
0x6b: {  	_ =	shalt  }
0x6c: {  	_ =	shalt  }
0x6d: {  	_ =	shalt  }
0x6e: {  	_ =	shalt  }
0x6f: {  	_ =	shalt  }
0x70: {  	_ =	shalt  }
0x71: {  	_ =	shalt  }
0x72: {  	_ =	shalt  }
0x73: {  	_ =	shalt  }
0x74: {  	_ =	shalt  }
0x75: {  	_ =	shalt  }
0x76: {  	_ =	shalt  }
0x77: {  	_ =	shalt  }
0x78: {  	_ =	shalt  }
0x79: {  	_ =	shalt  }
0x7a: {  	_ =	shalt  }
0x7b: {  	_ =	shalt  }
0x7c: {  	_ =	shalt  }
0x7d: {  	_ =	shalt  }
0x7e: {  	_ =	shalt  }
0x7f: {  	_ =	shalt  }
0x80: {  	_ =	shalt  }
0x81: {  	_ =	shalt  }
0x82: {  	_ =	shalt  }
0x83: {  	_ =	shalt  }
0x84: {  	_ =	shalt  }
0x85: {  	_ =	shalt  }
0x86: {  	_ =	shalt  }
0x87: {  	_ =	shalt  }
.Lfunc_end0:
.L_simem_size_0:
called_computation_lowered:
.L_overlay_start_0:
0x88: {  	s0 =	sld [smem:$0x3FD9]  }
0x89: {  	s1 =	sld [smem:$0x3FFE];
	_ =	sdelay $0x3  }
0x8a: {  	s0 =	sadd.s32 s1, s0  }
0x8b: {  	[smem:$0x3FC1] =	sst s0  }
0x8c: {  	_ = 	snop  }
0x8d: {  	s0 =	sld [smem:$0x3FC9]  }
0x8e: {  	s16 =	sld [smem:$0x3FC8]  }
0x8f: {  	s2 =	sld [smem:$0x3FC7]  }
0x90: {  	s3 =	sld [smem:$0x3FC6];
	(tm) =	ssettm $0x1  }
0x91: {  	s4 =	sld [smem:$0x3FFB];
	_ =	sdelay $0x3  }
0x92: {  	_ =	strace s4  }
0x93: {  	s4 =	sld [smem:$0x3FFC];
	_ =	sdelay $0x3  }
0x94: {  	_ =	strace s4  }
0x95: {  	s4 =	sld [smem:$0x3FFD];
	_ =	sdelay $0x3  }
0x96: {  	_ =	strace s4  }
0x97: {  	_ =	strace $0x8FFFFFFF  }
0x98: {  	s17 =	sld [smem:$0x3FDB];
	_ =	sdelay $0x1  }
0x99: {  	s5 =	simm.s32 $_scs_section_size  }
0x9a: {  	s6 =	simm.s32 $_size__tile_overlayer_lowered;
	s7 =	simm.s32 $_tile_overlayer_lowered  }
0x9b: {  	s20 =	simm.s32 $0x1BFF;
	s19 =	sshll.u32 s7, $0x1;
	s4 =	sadd.s32 s5, s17  }
0x9c: {  	s8 =	simm.s32 $0x0;
	s18 =	sshll.u32 s6, $0x1;
	s6 =	sadd.s32 s19, s4  }
0x9d: {  	[timem:s8], [sflag:s20] =	dma.local [hbm:s6], s18  }
0x9e: {  	_ =	swait.ge [sflag:s20], s18  }
0x9f: {  	s5 =	ssub.s32 $0x0, s18;
	[sflag:s20] =	ssyncset.done $0x0  }
0xa0: {  	[sflag:s20] =	ssyncadd.s32 s5;
	_ =	sdelay $0x1  }
0xa1: {  	s21 =	simm.s32 $0x1B8B  }
0xa2: {  	_ =	swait.ge [sflag:s21], $0x1  }
0xa3: {  	[sflag:s21] =	ssyncset.done $0x0  }
0xa4: {  	s23 =	simm.s32 $0x1B8E;
	s22 =	sld [smem:$0x3FFE];
	[sflag:s21] =	ssyncadd.s32 $0xFFFFFFFF  }
0xa5: {  	s24 =	simm.s32 $execute0_lowered;
	[smem:$0x3FD2] =	sst s23  }
0xa6: {  	s6 =	sshll.u32 s24, $0x1;
	_ =	strace $0x80000046;
	[dreg:$0x1] =	wrdreg $0xFFFFFFFF  }
0xa7: {  	s25 =	simm.s32 $_size_execute0_lowered;
	s4 =	sadd.s32 s4, s6;
	[dreg:$0x0] =	wrdreg $0x0  }
0xa8: {  	s6 =	sshll.u32 s25, $0x1;
	[dreg:$0x2] =	wrdreg s4  }
0xa9: {  	[dreg:$0x3] =	wrdreg s6  }
0xaa: {  	[dreg:$0x4] =	wrdreg $0xC0  }
0xab: {  	_ =	task [dreg:s8], $0x5FFFF  }
0xac: {  	[dreg:$0x1] =	wrdreg $0xFFFFFFFF  }
0xad: {  	[dreg:$0x0] =	wrdreg $0x60  }
0xae: {  	[dreg:$0x2] =	wrdreg s0  }
0xaf: {  	[dreg:$0x3] =	wrdreg s2  }
0xb0: {  	[dreg:$0x4] =	wrdreg s16  }
0xb1: {  	[dreg:$0x5] =	wrdreg s3  }
0xb2: {  	[dreg:$0x6] =	wrdreg s22  }
0xb3: {  	[dreg:$0x7] =	wrdreg $0x9  }
0xb4: {  	_ =	task.clear_ibuf [dreg:s8], $0x8FFFF;
	_ =	strace $0x90000046  }
0xb5: {  	s26 =	simm.s32 $0x9;
	_ =	strace $0x80000048  }
0xb6: {  	_ =	swait.ge [sflag:s26], $0x1  }
0xb7: {  	[sflag:s26] =	ssyncadd.s32 $0xFFFFFFFF  }
0xb8: {  	_ =	strace $0x90000048  }
0xb9: {  	_ =	sfence  }
0xba: {  	s28 =	sld [smem:$0x0];
	_ =	sdelay $0x1  }
0xbb: {  	s29 =	srdreg.scid  }
0xbc: {  	s30 =	sshll.u32 s29, $0xD;
	s31 =	sshrl.u32 s29, $0x2  }
0xbd: {  	s1 =	sand.u32 $0x1, s29;
	s2 =	sand.u32 $0x4000, s30;
	s0 =	sadd.s32 s31, s28  }
0xbe: {  	s1 =	sor.u32 s2, s1;
	s0 =	sshll.u32 s0, $0x11  }
0xbf: {  	s0 =	sor.u32 s0, s1  }
0xc0: {  	s0 =	sadd.s32 $0x8F2B, s0  }
0xc1: {  	[sflag:s0] =	ssyncadd.remote.s32 $0x1  }
0xc2: {  	_ =	sfence.sel $0xFFFF  }
0xc3: {  	[dreg:$0x0] =	wrdreg $0xFFFFFFFF;
	(pc) =	sbr.abs _section_cstart, $3  }
0xc4: {  	[dreg:$0x1] =	wrdreg $0xFFFFFFFF  }
0xc5: {  	_ =	task.clear_ibuf [dreg:s8], $0x2FFFF;
	_ =	strace $0x9FFFFFFF  }
0xc6: {  	(tm) =	ssettm $0x7FFFFFFF  }
0xc7: {  	_ =	shalt  }
tec
execute0_lowered:
.L_overlay_start_1:
0x0: {  	(tag) =	ssettag $0x1  }
0x1: {  	s12 =	rddreg [dreg:$0x0]  }
0x2: {  	s11 =	rddreg [dreg:$0x1]  }
0x3: {  	s0 =	rddreg [dreg:$0x2];
	s2 =	simm.s32 $0x0  }
0x4: {  	[smem:$0x7FF] =	sst s2  }
0x5: {  	s1 =	rddreg [dreg:$0x3];
	_ =	strace $0x80000047  }
0x6: {  	[tilespmem:s2], [sflag:$0x1] =	stream.linear.gather [hbm4b:s0+s2], $0x80, $0x38;
	[tilespmem:$0xD80] =	vst v63  }
0x7: {  	s5 =	simm.s32 $0x80;
	s20 =	simm.s32 $0x1  }
0x8: {  	[tilespmem:s5], [sflag:$0x1] =	stream.linear.gather [hbm4b:s1+s2], $0x80, $0x38;
	[tilespmem:$0xD80] =	vst v63  }
0x9: {  	_ =	swait.ge [sflag:s20], $0x80  }
0xa: {  	[sflag:s20] =	ssyncset.done $0x0  }
0xb: {  	[sflag:s20] =	ssyncadd.s32 $0xFFFFFF80  }
0xc: {  	_ =	swait.ge [sflag:s20], $0x80  }
0xd: {  	[sflag:s20] =	ssyncset.done $0x0  }
0xe: {  	[sflag:s20] =	ssyncadd.s32 $0xFFFFFF80  }
0xf: {  	v0 =	vld [tilespmem:$0x0]  }
0x10: {  	v1 =	vld [tilespmem:$0x80];
	_ =	sdelay $0x1  }
0x11: {  	s21 =	stileid.u32  }
0x12: {  	s13 =	sshll.u32 s21, $0x5  }
0x13: {  	s14 =	sor.u32 $0x1, s13;
	v2 =	vadd.s32 s13, v0  }
0x14: {  	s17 =	sor.u32 $0x2, s13;
	s19 =	sor.u32 $0x3, s13;
	v3 =	vadd.s32 s13, v1;
	v4 =	vadd.s32 s14, v0;
	v5 =	vadd.s32 s14, v1  }
0x15: {  	s23 =	sor.u32 $0x4, s13;
	v6 =	vadd.s32 s17, v0;
	v7 =	vadd.s32 s17, v1;
	v8 =	vadd.s32 s19, v0  }
0x16: {  	s25 =	sor.u32 $0x5, s13;
	s29 =	sor.u32 $0x6, s13;
	v9 =	vadd.s32 s19, v1;
	v10 =	vadd.s32 s23, v0;
	v11 =	vadd.s32 s23, v1  }
0x17: {  	s7 =	sor.u32 $0x7, s13;
	v39 =	vadd.s32 s25, v0;
	v41 =	vadd.s32 s25, v1;
	v43 =	vadd.s32 s29, v0  }
0x18: {  	s22 =	sor.u32 $0x9, s13;
	s0 =	sor.u32 $0x8, s13;
	v46 =	vadd.s32 s29, v1;
	v47 =	vadd.s32 s7, v0;
	v49 =	vadd.s32 s7, v1  }
0x19: {  	s24 =	sor.u32 $0xA, s13;
	v51 =	vadd.s32 s0, v0;
	v52 =	vadd.s32 s0, v1;
	v54 =	vadd.s32 s22, v0  }
0x1a: {  	s18 =	sor.u32 $0xB, s13;
	s21 =	sor.u32 $0xC, s13;
	v58 =	vadd.s32 s22, v1;
	v59 =	vadd.s32 s24, v0;
	v61 =	vadd.s32 s24, v1  }
0x1b: {  	s10 =	sor.u32 $0xE, s13;
	v62 =	vadd.s32 s18, v0;
	v63 =	vadd.s32 s18, v1;
	v12 =	vadd.s32 s21, v0  }
0x1c: {  	s6 =	sor.u32 $0xF, s13;
	s2 =	sor.u32 $0x10, s13;
	v17 =	vadd.s32 s21, v1;
	v24 =	vadd.s32 s10, v0;
	v26 =	vadd.s32 s10, v1  }
0x1d: {  	v28 =	vadd.s32 s6, v0;
	v32 =	vadd.s32 s6, v1;
	v33 =	vadd.s32 s2, v0  }
0x1e: {  	v35 =	vadd.s32 s2, v1;
	vm0 =	vgt.s32 v2, $0x0;
	vm10 =	vgt.s32 v3, $0x0  }
0x1f: {  	vm11 =	vgt.s32 v4, $0x0;
	vm12 =	vgt.s32 v5, $0x0;
	vm13 =	vgt.s32 v6, $0x0  }
0x20: {  	vm14 =	vgt.s32 v7, $0x0;
	vm15 =	vgt.s32 v8, $0x0;
	v2 =	vnsel vm0, $0x0, v2  }
0x21: {  	vm4 =	vgt.s32 v9, $0x0;
	v3 =	vnsel vm10, $0x0, v3;
	v2 =	vmin.u32 v2, $0x102B  }
0x22: {  	vm5 =	vgt.s32 v10, $0x0;
	v4 =	vnsel vm11, $0x0, v4;
	v3 =	vmin.u32 v3, $0x10F2;
	[tilespmem:$0x100] =	vst v2  }
0x23: {  	vm6 =	vgt.s32 v11, $0x0;
	v5 =	vnsel vm12, $0x0, v5;
	v4 =	vmin.u32 v4, $0x102B;
	[tilespmem:$0x300] =	vst v3  }
0x24: {  	vm7 =	vgt.s32 v39, $0x0;
	v6 =	vnsel vm13, $0x0, v6;
	v5 =	vmin.u32 v5, $0x10F2;
	[tilespmem:$0x110] =	vst v4  }
0x25: {  	vm8 =	vgt.s32 v41, $0x0;
	v7 =	vnsel vm14, $0x0, v7;
	v6 =	vmin.u32 v6, $0x102B;
	[tilespmem:$0x310] =	vst v5  }
0x26: {  	vm9 =	vgt.s32 v43, $0x0;
	v8 =	vnsel vm15, $0x0, v8;
	v7 =	vmin.u32 v7, $0x10F2;
	[tilespmem:$0x120] =	vst v6  }
0x27: {  	v9 =	vnsel vm4, $0x0, v9;
	v10 =	vnsel vm5, $0x0, v10;
	v8 =	vmin.u32 v8, $0x102B;
	[tilespmem:$0x320] =	vst v7  }
0x28: {  	v38 =	vnsel vm6, $0x0, v11;
	v42 =	vnsel vm7, $0x0, v39;
	v9 =	vmin.u32 v9, $0x10F2;
	[tilespmem:$0x130] =	vst v8  }
0x29: {  	v44 =	vnsel vm8, $0x0, v41;
	v45 =	vnsel vm9, $0x0, v43;
	v37 =	vmin.u32 v10, $0x102B;
	[tilespmem:$0x330] =	vst v9  }
0x2a: {  	vm10 =	vgt.s32 v46, $0x0;
	vm11 =	vgt.s32 v47, $0x0;
	v40 =	vmin.u32 v38, $0x10F2;
	[tilespmem:$0x140] =	vst v37  }
0x2b: {  	vm12 =	vgt.s32 v49, $0x0;
	vm13 =	vgt.s32 v51, $0x0;
	v4 =	vmin.u32 v42, $0x102B;
	[tilespmem:$0x340] =	vst v40  }
0x2c: {  	vm14 =	vgt.s32 v52, $0x0;
	vm15 =	vgt.s32 v54, $0x0;
	v5 =	vmin.u32 v44, $0x10F2;
	[tilespmem:$0x150] =	vst v4  }
0x2d: {  	vm4 =	vgt.s32 v58, $0x0;
	v48 =	vnsel vm10, $0x0, v46;
	v6 =	vmin.u32 v45, $0x102B;
	[tilespmem:$0x350] =	vst v5  }
0x2e: {  	vm5 =	vgt.s32 v59, $0x0;
	v50 =	vnsel vm12, $0x0, v49;
	v8 =	vmin.u32 v48, $0x10F2;
	[tilespmem:$0x160] =	vst v6  }
0x2f: {  	vm6 =	vgt.s32 v61, $0x0;
	v7 =	vnsel vm11, $0x0, v47;
	v10 =	vmin.u32 v50, $0x10F2;
	[tilespmem:$0x360] =	vst v8  }
0x30: {  	s3 =	sor.u32 $0x11, s13;
	vm7 =	vgt.s32 v62, $0x0;
	vm8 =	vgt.s32 v63, $0x0;
	v7 =	vmin.u32 v7, $0x102B;
	[tilespmem:$0x370] =	vst v10  }
0x31: {  	s26 =	simm.s32 $0x100;
	s28 =	simm.s32 $0x500;
	s16 =	sor.u32 $0x12, s13;
	vm9 =	vgt.s32 v12, $0x0;
	v39 =	vadd.s32 s3, v0;
	v2 =	vnsel vm14, $0x0, v52;
	v3 =	vld [tilespmem:$0x81];
	[tilespmem:$0x170] =	vst v7  }
0x32: {  	v43 =	vadd.s32 s16, v1;
	v53 =	vnsel vm13, $0x0, v51;
	v56 =	vmin.u32 v2, $0x10F2;
	v2 =	vld [tilespmem:$0x1];
	[tilespmem:s28], [sflag:$0x2] =	stream.indirect.gather [hbm4b:s12+s5], $0x1, s26, s5, $0xb8  }
0x33: {  	s30 =	simm.s32 $0x300;
	s31 =	simm.s32 $0x700;
	v57 =	vnsel vm15, $0x0, v54;
	v60 =	vnsel vm4, $0x0, v58;
	v14 =	vnsel vm8, $0x0, v63  }
0x34: {  	v16 =	vnsel vm9, $0x0, v12;
	vm10 =	vgt.s32 v17, $0x0;
	v55 =	vmin.u32 v53, $0x102B;
	[tilespmem:s31], [sflag:$0x2] =	stream.indirect.gather [hbm4b:s11+s5], $0x1, s30, s5, $0xb8;
	[tilespmem:$0xD80] =	vst v63  }
0x35: {  	vm13 =	vgt.s32 v24, $0x0;
	vm15 =	vgt.s32 v28, $0x0;
	vm4 =	vgt.s32 v32, $0x0;
	[tilespmem:$0x180] =	vst v55  }
0x36: {  	v9 =	vnsel vm6, $0x0, v61;
	v15 =	vmin.u32 v14, $0x10F2;
	v4 =	vmin.u32 v57, $0x102B;
	[tilespmem:$0x380] =	vst v56  }
0x37: {  	v18 =	vmin.u32 v16, $0x102B;
	v8 =	vnsel vm5, $0x0, v59;
	v7 =	vmin.u32 v60, $0x10F2;
	[tilespmem:$0x190] =	vst v4  }
0x38: {  	v20 =	vnsel vm10, $0x0, v17;
	v27 =	vnsel vm13, $0x0, v24;
	v8 =	vmin.u32 v8, $0x102B;
	[tilespmem:$0x390] =	vst v7  }
0x39: {  	vm14 =	vgt.s32 v26, $0x0;
	v9 =	vmin.u32 v9, $0x10F2;
	v10 =	vnsel vm7, $0x0, v62;
	[tilespmem:$0x1A0] =	vst v8  }
0x3a: {  	v31 =	vnsel vm15, $0x0, v28;
	v34 =	vnsel vm4, $0x0, v32;
	v13 =	vmin.u32 v10, $0x102B;
	[tilespmem:$0x3A0] =	vst v9  }
0x3b: {  	[dreg:$0x8] =	wrdreg s22;
	s22 =	sor.u32 $0x13, s13;
	vm6 =	vgt.s32 v35, $0x0;
	v40 =	vadd.s32 s3, v1;
	v42 =	vadd.s32 s16, v0;
	[tilespmem:$0x1B0] =	vst v13  }
0x3c: {  	[dreg:$0xb] =	wrdreg s24;
	s24 =	sor.u32 $0x18, s13;
	vm10 =	vgt.s32 v43, $0x0;
	v44 =	vadd.s32 s22, v0;
	v45 =	vadd.s32 s22, v1;
	[tilespmem:$0x3B0] =	vst v15  }
0x3d: {  	v17 =	vadd.s32 s24, v1;
	v29 =	vmin.u32 v27, $0x102B;
	v30 =	vnsel vm14, $0x0, v26;
	s28 =	sor.u32 $0xD, s13;
	[tilespmem:$0x1C0] =	vst v18  }
0x3e: {  	vm5 =	vgt.s32 v33, $0x0;
	v6 =	vmin.u32 v30, $0x10F2;
	v19 =	vadd.s32 s28, v0;
	[tilespmem:$0x1E0] =	vst v29  }
0x3f: {  	v36 =	vmin.u32 v34, $0x10F2;
	v21 =	vadd.s32 s28, v1;
	vm11 =	vgt.s32 v19, $0x0;
	[tilespmem:$0x3E0] =	vst v6  }
0x40: {  	vm12 =	vgt.s32 v21, $0x0;
	v7 =	vmin.u32 v20, $0x10F2;
	v22 =	vnsel vm11, $0x0, v19;
	[tilespmem:$0x3F0] =	vst v36  }
0x41: {  	v38 =	vnsel vm6, $0x0, v35;
	v23 =	vnsel vm12, $0x0, v21;
	v8 =	vmin.u32 v22, $0x102B;
	[tilespmem:$0x3C0] =	vst v7  }
0x42: {  	[dreg:$0xa] =	wrdreg s3;
	s3 =	sor.u32 $0x17, s13;
	vm7 =	vgt.s32 v39, $0x0;
	vm8 =	vgt.s32 v40, $0x0;
	v25 =	vmin.u32 v23, $0x10F2;
	[tilespmem:$0x1D0] =	vst v8  }
0x43: {  	vm9 =	vgt.s32 v42, $0x0;
	v62 =	vadd.s32 s3, v0;
	v7 =	vmin.u32 v31, $0x102B;
	[tilespmem:$0x3D0] =	vst v25  }
0x44: {  	s4 =	simm.s32 $0x180;
	s8 =	simm.s32 $0x580;
	v37 =	vnsel vm5, $0x0, v33;
	v41 =	vnsel vm7, $0x0, v39;
	vm7 =	vgt.s32 v62, $0x0;
	s26 =	sor.u32 $0x14, s13;
	[tilespmem:$0x1F0] =	vst v7  }
0x45: {  	v63 =	vadd.s32 s3, v1;
	v5 =	vmin.u32 v37, $0x102B;
	v12 =	vnsel vm7, $0x0, v62;
	[tilespmem:s8], [sflag:$0x3] =	stream.indirect.gather [hbm4b:s12+s5], $0x1, s4, s5, $0xb8;
	[tilespmem:$0xD80] =	vst v63  }
0x46: {  	s15 =	simm.s32 $0x380;
	s20 =	simm.s32 $0x780;
	v48 =	vadd.s32 s26, v0;
	v50 =	vadd.s32 s26, v1;
	v14 =	vmin.u32 v12, $0x102B  }
0x47: {  	vm13 =	vgt.s32 v48, $0x0;
	vm14 =	vgt.s32 v50, $0x0;
	v6 =	vmin.u32 v38, $0x10F2;
	[tilespmem:s20], [sflag:$0x3] =	stream.indirect.gather [hbm4b:s11+s5], $0x1, s15, s5, $0xb8;
	[tilespmem:$0xD80] =	vst v63  }
0x48: {  	v4 =	vmin.u32 v41, $0x102B;
	v9 =	vnsel vm10, $0x0, v43;
	vm11 =	vgt.s32 v44, $0x0;
	[tilespmem:$0x200] =	vst v5  }
0x49: {  	s31 =	sor.u32 $0x15, s13;
	vm12 =	vgt.s32 v45, $0x0;
	v51 =	vnsel vm13, $0x0, v48;
	v7 =	vnsel vm8, $0x0, v40;
	[tilespmem:$0x400] =	vst v6  }
0x4a: {  	v52 =	vadd.s32 s31, v0;
	v8 =	vnsel vm9, $0x0, v42;
	v7 =	vmin.u32 v7, $0x10F2;
	[tilespmem:$0x210] =	vst v4  }
0x4b: {  	v53 =	vnsel vm14, $0x0, v50;
	v55 =	vadd.s32 s31, v1;
	v8 =	vmin.u32 v8, $0x102B;
	[tilespmem:$0x410] =	vst v7  }
0x4c: {  	v13 =	vadd.s32 s24, v0;
	v9 =	vmin.u32 v9, $0x10F2;
	v10 =	vnsel vm11, $0x0, v44;
	[tilespmem:$0x220] =	vst v8  }
0x4d: {  	vm10 =	vgt.s32 v17, $0x0;
	v47 =	vnsel vm12, $0x0, v45;
	v46 =	vmin.u32 v10, $0x102B;
	[tilespmem:$0x420] =	vst v9  }
0x4e: {  	[dreg:$0x9] =	wrdreg s24;
	s24 =	sor.u32 $0x1B, s13;
	vm15 =	vgt.s32 v52, $0x0;
	vm4 =	vgt.s32 v55, $0x0;
	v49 =	vmin.u32 v47, $0x10F2;
	[tilespmem:$0x230] =	vst v46  }
0x4f: {  	v20 =	vnsel vm10, $0x0, v17;
	v27 =	vadd.s32 s24, v0;
	v32 =	vadd.s32 s24, v1;
	[tilespmem:$0x430] =	vst v49  }
0x50: {  	v54 =	vnsel vm15, $0x0, v52;
	v57 =	vnsel vm4, $0x0, v55;
	s8 =	sor.u32 $0x16, s13;
	v4 =	vmin.u32 v51, $0x102B;
	[tilespmem:$0x270] =	vst v14  }
0x51: {  	vm8 =	vgt.s32 v63, $0x0;
	v56 =	vadd.s32 s8, v0;
	v7 =	vmin.u32 v53, $0x10F2;
	[tilespmem:$0x240] =	vst v4  }
0x52: {  	v58 =	vadd.s32 s8, v1;
	vm5 =	vgt.s32 v56, $0x0;
	v8 =	vmin.u32 v54, $0x102B;
	[tilespmem:$0x440] =	vst v7  }
0x53: {  	vm6 =	vgt.s32 v58, $0x0;
	v5 =	vmin.u32 v57, $0x10F2;
	v59 =	vnsel vm5, $0x0, v56;
	[tilespmem:$0x250] =	vst v8  }
0x54: {  	vm9 =	vgt.s32 v13, $0x0;
	v61 =	vnsel vm6, $0x0, v58;
	v60 =	vmin.u32 v59, $0x102B;
	[tilespmem:$0x450] =	vst v5  }
0x55: {  	v22 =	vmin.u32 v20, $0x10F2;
	v6 =	vmin.u32 v61, $0x10F2;
	v7 =	vnsel vm8, $0x0, v63;
	[tilespmem:$0x260] =	vst v60  }
0x56: {  	s1 =	simm.s32 $0x600;
	vm15 =	vgt.s32 v27, $0x0;
	vm4 =	vgt.s32 v32, $0x0;
	v15 =	vmin.u32 v7, $0x10F2;
	[tilespmem:$0x460] =	vst v6  }
0x57: {  	s30 =	simm.s32 $0x200;
	v16 =	vnsel vm9, $0x0, v13;
	v31 =	vnsel vm15, $0x0, v27;
	v35 =	vnsel vm4, $0x0, v32;
	s15 =	sor.u32 $0x19, s13;
	s20 =	sor.u32 $0x1A, s13;
	[tilespmem:$0x470] =	vst v15  }
0x58: {  	v18 =	vmin.u32 v16, $0x102B;
	v33 =	vmin.u32 v31, $0x102B;
	v37 =	vmin.u32 v35, $0x10F2;
	[tilespmem:s1], [sflag:$0x4] =	stream.indirect.gather [hbm4b:s12+s5], $0x1, s30, s5, $0xb8;
	[tilespmem:$0xD80] =	vst v63  }
0x59: {  	[dreg:$0x7] =	wrdreg s2;
	s2 =	simm.s32 $0x400;
	s4 =	simm.s32 $0x800;
	v19 =	vadd.s32 s15, v0;
	v21 =	vadd.s32 s15, v1;
	v25 =	vadd.s32 s20, v0  }
0x5a: {  	v26 =	vadd.s32 s20, v1;
	vm11 =	vgt.s32 v19, $0x0;
	vm12 =	vgt.s32 v21, $0x0;
	[tilespmem:s4], [sflag:$0x4] =	stream.indirect.gather [hbm4b:s11+s5], $0x1, s2, s5, $0xb8;
	[tilespmem:$0xD80] =	vst v63  }
0x5b: {  	vm13 =	vgt.s32 v25, $0x0;
	vm14 =	vgt.s32 v26, $0x0;
	v23 =	vnsel vm11, $0x0, v19;
	[tilespmem:$0x280] =	vst v18  }
0x5c: {  	v24 =	vnsel vm12, $0x0, v21;
	v8 =	vnsel vm13, $0x0, v25;
	v5 =	vmin.u32 v23, $0x102B;
	s30 =	sor.u32 $0x1C, s13;
	[tilespmem:$0x480] =	vst v22  }
0x5d: {  	v29 =	vnsel vm14, $0x0, v26;
	v7 =	vmin.u32 v24, $0x10F2;
	v34 =	vadd.s32 s30, v0;
	[tilespmem:$0x290] =	vst v5  }
0x5e: {  	v28 =	vmin.u32 v8, $0x102B;
	v36 =	vadd.s32 s30, v1;
	vm5 =	vgt.s32 v34, $0x0;
	[tilespmem:$0x490] =	vst v7  }
0x5f: {  	s9 =	stileid.u32;
	v30 =	vmin.u32 v29, $0x10F2;
	vm6 =	vgt.s32 v36, $0x0;
	s5 =	sor.u32 $0x1D, s13;
	[tilespmem:$0x2A0] =	vst v28;
	v38 =	vnsel vm5, $0x0, v34  }
0x60: {  	s4 =	sor.u32 $0x1E, s13;
	s2 =	sshllo.u32 s9, $0x5;
	[tilespmem:$0x4A0] =	vst v30;
	v40 =	vnsel vm6, $0x0, v36;
	v41 =	vadd.s32 s5, v0;
	v43 =	vadd.s32 s5, v1  }
0x61: {  	[tilespmem:$0x2B0] =	vst v33;
	v45 =	vadd.s32 s4, v0;
	v50 =	vadd.s32 s4, v1;
	v52 =	vadd.s32 s2, v0  }
0x62: {  	[tilespmem:$0x4B0] =	vst v37;
	v54 =	vadd.s32 s2, v1;
	v39 =	vmin.u32 v38, $0x102B;
	vm7 =	vgt.s32 v41, $0x0  }
0x63: {  	v42 =	vmin.u32 v40, $0x10F2;
	vm8 =	vgt.s32 v43, $0x0;
	v44 =	vnsel vm7, $0x0, v41;
	[tilespmem:$0x2C0] =	vst v39  }
0x64: {  	vm9 =	vgt.s32 v45, $0x0;
	v47 =	vnsel vm8, $0x0, v43;
	[tilespmem:$0x4C0] =	vst v42;
	v46 =	vmin.u32 v44, $0x102B  }
0x65: {  	vm10 =	vgt.s32 v50, $0x0;
	v49 =	vnsel vm9, $0x0, v45;
	v48 =	vmin.u32 v47, $0x10F2;
	[tilespmem:$0x2D0] =	vst v46  }
0x66: {  	vm11 =	vgt.s32 v52, $0x0;
	v53 =	vnsel vm10, $0x0, v50;
	v51 =	vmin.u32 v49, $0x102B;
	[tilespmem:$0x4D0] =	vst v48  }
0x67: {  	vm12 =	vgt.s32 v54, $0x0;
	v56 =	vnsel vm11, $0x0, v52;
	v55 =	vmin.u32 v53, $0x10F2;
	[tilespmem:$0x2E0] =	vst v51  }
0x68: {  	v58 =	vnsel vm12, $0x0, v54;
	v57 =	vmin.u32 v56, $0x102B;
	[tilespmem:$0x4E0] =	vst v55  }
0x69: {  	[dreg:$0x6] =	wrdreg s0;
	v59 =	vmin.u32 v58, $0x10F2;
	[tilespmem:$0x2F0] =	vst v57  }
0x6a: {  	s0 =	simm.s32 $0x80;
	s1 =	simm.s32 $0x280;
	s9 =	simm.s32 $0x680;
	[tilespmem:$0x4F0] =	vst v59  }
0x6b: {  	[tilespmem:s9], [sflag:$0x5] =	stream.indirect.gather [hbm4b:s12+s0], $0x1, s1, s0, $0xb8;
	[tilespmem:$0xD80] =	vst v63  }
0x6c: {  	s9 =	simm.s32 $0x480;
	s12 =	simm.s32 $0x880  }
0x6d: {  	[tilespmem:s12], [sflag:$0x5] =	stream.indirect.gather [hbm4b:s11+s0], $0x1, s9, s0, $0xb8;
	[tilespmem:$0xD80] =	vst v63  }
0x6e: {  	s11 =	simm.s32 $0x2  }
0x6f: {  	_ =	swait.ge [sflag:s11], $0x80  }
0x70: {  	[sflag:s11] =	ssyncset.done $0x0  }
0x71: {  	[sflag:s11] =	ssyncadd.s32 $0xFFFFFF80  }
0x72: {  	_ =	swait.ge [sflag:s11], $0x80  }
0x73: {  	[sflag:s11] =	ssyncset.done $0x0  }
0x74: {  	[sflag:s11] =	ssyncadd.s32 $0xFFFFFF80  }
0x75: {  	v60 =	vld [tilespmem:$0x500]  }
0x76: {  	v61 =	vld [tilespmem:$0x700]  }
0x77: {  	v19 =	vld [tilespmem:$0x510]  }
0x78: {  	v13 =	vld [tilespmem:$0x710]  }
0x79: {  	v23 =	vld [tilespmem:$0x520]  }
0x7a: {  	v62 =	vmov s13;
	v20 =	vmov s19;
	v14 =	vmov s29;
	v25 =	vld [tilespmem:$0x720]  }
0x7b: {  	v63 =	vmov s14;
	v21 =	vmov s23;
	v26 =	vmov s7;
	v15 =	vld [tilespmem:$0x530]  }
0x7c: {  	v18 =	vmov s17;
	v0 =	vsub.s32 v2, v0;
	v1 =	vsub.s32 v3, v1;
	v28 =	vld [tilespmem:$0x730]  }
0x7d: {  	v22 =	vmov s25;
	vm13 =	vlt.s32 v62, v0;
	vm1 =	vlt.s32 v62, v1;
	v30 =	vld [tilespmem:$0x540]  }
0x7e: {  	vm14 =	vlt.s32 v63, v0;
	vm15 =	vlt.s32 v63, v1;
	vm4 =	vlt.s32 v18, v0;
	v31 =	vld [tilespmem:$0x740]  }
0x7f: {  	vm5 =	vlt.s32 v18, v1;
	vm6 =	vlt.s32 v20, v0;
	vm7 =	vlt.s32 v20, v1;
	v32 =	vld [tilespmem:$0x550]  }
0x80: {  	vm8 =	vlt.s32 v21, v0;
	vm9 =	vlt.s32 v21, v1;
	vm10 =	vlt.s32 v22, v0;
	v34 =	vld [tilespmem:$0x750]  }
0x81: {  	vm11 =	vlt.s32 v22, v1;
	vm12 =	vlt.s32 v14, v0;
	v37 =	vld [tilespmem:$0x560];
	v24 =	vshll.u32 v60, $0x9  }
0x82: {  	v5 =	vnsel vm1, $0x0, v61;
	v27 =	vshll.u32 v19, $0x9;
	v29 =	vnsel vm15, $0x0, v13  }
0x83: {  	v41 =	vld [tilespmem:$0x570];
	v2 =	vshll.u32 v23, $0x9;
	v4 =	vnsel vm5, $0x0, v25;
	v33 =	vshll.u32 v15, $0x9  }
0x84: {  	v35 =	vnsel vm7, $0x0, v28;
	v38 =	vshll.u32 v30, $0x9;
	v8 =	vnsel vm9, $0x0, v31  }
0x85: {  	v43 =	vld [tilespmem:$0x770];
	v42 =	vshll.u32 v32, $0x9;
	v45 =	vnsel vm11, $0x0, v34;
	v3 =	vnsel vm13, $0x0, v24  }
0x86: {  	v46 =	vshll.u32 v37, $0x9;
	v7 =	vnsel vm14, $0x0, v27;
	v3 =	vadd.s32 v5, v3  }
0x87: {  	v39 =	vld [tilespmem:$0x760];
	vm15 =	vlt.s32 v26, v1;
	v2 =	vnsel vm4, $0x0, v2;
	v5 =	vadd.s32 v29, v7;
	[tilespmem:$0x900] =	vst v3  }
0x88: {  	v48 =	vshll.u32 v41, $0x9;
	v36 =	vnsel vm6, $0x0, v33;
	v2 =	vadd.s32 v4, v2;
	[tilespmem:$0x910] =	vst v5  }
0x89: {  	v40 =	vnsel vm8, $0x0, v38;
	vm14 =	vlt.s32 v26, v0;
	v4 =	vadd.s32 v35, v36;
	[tilespmem:$0x920] =	vst v2  }
0x8a: {  	v49 =	vnsel vm15, $0x0, v43;
	v44 =	vadd.s32 v8, v40;
	v50 =	vnsel vm14, $0x0, v48;
	[tilespmem:$0x930] =	vst v4  }
0x8b: {  	vm13 =	vlt.s32 v14, v1;
	v3 =	vnsel vm10, $0x0, v42;
	[tilespmem:$0x940] =	vst v44;
	v51 =	vadd.s32 v49, v50  }
0x8c: {  	v47 =	vnsel vm13, $0x0, v39;
	v2 =	vnsel vm12, $0x0, v46;
	v3 =	vadd.s32 v45, v3;
	[tilespmem:$0x970] =	vst v51  }
0x8d: {  	s14 =	simm.s32 $0xB00;
	s17 =	simm.s32 $0x3;
	s13 =	rddreg [dreg:$0x4];
	v2 =	vadd.s32 v47, v2;
	[tilespmem:$0x950] =	vst v3  }
0x8e: {  	s9 =	simm.s32 $0x80;
	s12 =	simm.s32 $0x900;
	s7 =	sadd.s32 $0x600, s13;
	[tilespmem:$0x960] =	vst v2  }
0x8f: {  	[tilespmem:s14], [sflag:$0x6] =	stream.indirect.gather [hbm4b:s7+s9], $0x1, s12, s9, $0xb8;
	[tilespmem:$0xD80] =	vst v63  }
0x90: {  	_ =	swait.ge [sflag:s17], $0x80  }
0x91: {  	[sflag:s17] =	ssyncset.done $0x0  }
0x92: {  	[sflag:s17] =	ssyncadd.s32 $0xFFFFFF80  }
0x93: {  	_ =	swait.ge [sflag:s17], $0x80  }
0x94: {  	[sflag:s17] =	ssyncset.done $0x0  }
0x95: {  	[sflag:s17] =	ssyncadd.s32 $0xFFFFFF80  }
0x96: {  	v52 =	vld [tilespmem:$0x580]  }
0x97: {  	v53 =	vld [tilespmem:$0x780]  }
0x98: {  	v55 =	vld [tilespmem:$0x590]  }
0x99: {  	v59 =	vld [tilespmem:$0x790]  }
0x9a: {  	v63 =	vld [tilespmem:$0x5A0]  }
0x9b: {  	v62 =	vmov s10;
	v18 =	vld [tilespmem:$0x7A0]  }
0x9c: {  	v58 =	vmov s18;
	v60 =	vmov s21;
	v61 =	vmov s28;
	v20 =	vld [tilespmem:$0x5B0]  }
0x9d: {  	v19 =	vmov s6;
	vm11 =	vlt.s32 v58, v1;
	vm15 =	vlt.s32 v61, v1;
	s19 =	rddreg [dreg:$0x6];
	v21 =	vld [tilespmem:$0x7B0]  }
0x9e: {  	vm13 =	vlt.s32 v60, v1;
	vm14 =	vlt.s32 v61, v0;
	vm10 =	vlt.s32 v58, v0;
	s23 =	rddreg [dreg:$0x8];
	v23 =	vld [tilespmem:$0x5C0]  }
0x9f: {  	vm12 =	vlt.s32 v60, v0;
	s25 =	rddreg [dreg:$0xb];
	v54 =	vmov s19;
	v56 =	vmov s23;
	v25 =	vld [tilespmem:$0x7C0]  }
0xa0: {  	v57 =	vmov s25;
	vm4 =	vlt.s32 v54, v0;
	vm5 =	vlt.s32 v54, v1;
	v27 =	vld [tilespmem:$0x5D0]  }
0xa1: {  	vm6 =	vlt.s32 v56, v0;
	vm7 =	vlt.s32 v56, v1;
	vm8 =	vlt.s32 v57, v0;
	v29 =	vld [tilespmem:$0x7D0]  }
0xa2: {  	vm9 =	vlt.s32 v57, v1;
	v32 =	vld [tilespmem:$0x5E0];
	v2 =	vshll.u32 v52, $0x9;
	v3 =	vnsel vm5, $0x0, v53  }
0xa3: {  	v5 =	vshll.u32 v55, $0x9;
	v22 =	vnsel vm7, $0x0, v59;
	v24 =	vshll.u32 v63, $0x9  }
0xa4: {  	v35 =	vld [tilespmem:$0x5F0];
	v4 =	vnsel vm9, $0x0, v18;
	v28 =	vshll.u32 v20, $0x9;
	v30 =	vnsel vm11, $0x0, v21  }
0xa5: {  	v9 =	vshll.u32 v23, $0x9;
	v34 =	vnsel vm13, $0x0, v25;
	v36 =	vshll.u32 v27, $0x9  }
0xa6: {  	v33 =	vld [tilespmem:$0x7E0];
	v39 =	vnsel vm15, $0x0, v29;
	vm5 =	vlt.s32 v62, v1;
	v2 =	vnsel vm4, $0x0, v2  }
0xa7: {  	v40 =	vshll.u32 v32, $0x9;
	v5 =	vnsel vm6, $0x0, v5;
	v2 =	vadd.s32 v3, v2  }
0xa8: {  	v37 =	vld [tilespmem:$0x7F0];
	vm7 =	vlt.s32 v19, v1;
	v26 =	vnsel vm8, $0x0, v24;
	v3 =	vadd.s32 v22, v5;
	[tilespmem:$0x980] =	vst v2  }
0xa9: {  	v42 =	vshll.u32 v35, $0x9;
	v31 =	vnsel vm10, $0x0, v28;
	v4 =	vadd.s32 v4, v26;
	[tilespmem:$0x990] =	vst v3  }
0xaa: {  	v9 =	vnsel vm12, $0x0, v9;
	vm4 =	vlt.s32 v62, v0;
	v5 =	vadd.s32 v30, v31;
	[tilespmem:$0x9A0] =	vst v4  }
0xab: {  	v41 =	vnsel vm5, $0x0, v33;
	v38 =	vadd.s32 v34, v9;
	v2 =	vnsel vm14, $0x0, v36;
	[tilespmem:$0x9B0] =	vst v5  }
0xac: {  	vm6 =	vlt.s32 v19, v0;
	v4 =	vnsel vm4, $0x0, v40;
	[tilespmem:$0x9C0] =	vst v38;
	v2 =	vadd.s32 v39, v2  }
0xad: {  	v44 =	vnsel vm7, $0x0, v37;
	v3 =	vnsel vm6, $0x0, v42;
	v43 =	vadd.s32 v41, v4;
	[tilespmem:$0x9D0] =	vst v2  }
0xae: {  	s29 =	simm.s32 $0x980;
	v45 =	vadd.s32 v44, v3;
	[tilespmem:$0x9E0] =	vst v43  }
0xaf: {  	s10 =	simm.s32 $0x4;
	s1 =	simm.s32 $0xB80;
	s9 =	simm.s32 $0x80;
	[tilespmem:$0x9F0] =	vst v45  }
0xb0: {  	[tilespmem:s1], [sflag:$0x7] =	stream.indirect.gather [hbm4b:s7+s9], $0x1, s29, s9, $0xb8;
	[tilespmem:$0xD80] =	vst v63  }
0xb1: {  	_ =	swait.ge [sflag:s10], $0x80  }
0xb2: {  	[sflag:s10] =	ssyncset.done $0x0  }
0xb3: {  	[sflag:s10] =	ssyncadd.s32 $0xFFFFFF80  }
0xb4: {  	_ =	swait.ge [sflag:s10], $0x80  }
0xb5: {  	[sflag:s10] =	ssyncset.done $0x0  }
0xb6: {  	[sflag:s10] =	ssyncadd.s32 $0xFFFFFF80  }
0xb7: {  	v46 =	vld [tilespmem:$0x600]  }
0xb8: {  	v47 =	vld [tilespmem:$0x800]  }
0xb9: {  	v49 =	vld [tilespmem:$0x610]  }
0xba: {  	v53 =	vld [tilespmem:$0x810]  }
0xbb: {  	v57 =	vld [tilespmem:$0x620]  }
0xbc: {  	v51 =	vmov s16;
	v58 =	vld [tilespmem:$0x820]  }
0xbd: {  	v54 =	vmov s26;
	v56 =	vmov s8;
	v52 =	vmov s22;
	v60 =	vld [tilespmem:$0x630]  }
0xbe: {  	v55 =	vmov s31;
	v59 =	vmov s3;
	vm13 =	vlt.s32 v51, v1;
	v61 =	vld [tilespmem:$0x830]  }
0xbf: {  	vm12 =	vlt.s32 v51, v0;
	vm15 =	vlt.s32 v52, v1;
	vm5 =	vlt.s32 v54, v1;
	s11 =	rddreg [dreg:$0x7];
	v63 =	vld [tilespmem:$0x640]  }
0xc0: {  	vm7 =	vlt.s32 v55, v1;
	vm14 =	vlt.s32 v52, v0;
	vm4 =	vlt.s32 v54, v0;
	s12 =	rddreg [dreg:$0xa];
	v19 =	vld [tilespmem:$0x840]  }
0xc1: {  	vm6 =	vlt.s32 v55, v0;
	v48 =	vmov s11;
	v50 =	vmov s12;
	v21 =	vld [tilespmem:$0x650]  }
0xc2: {  	vm8 =	vlt.s32 v48, v0;
	vm9 =	vlt.s32 v48, v1;
	vm10 =	vlt.s32 v50, v0;
	v23 =	vld [tilespmem:$0x850]  }
0xc3: {  	vm11 =	vlt.s32 v50, v1;
	v26 =	vld [tilespmem:$0x660];
	v2 =	vshll.u32 v46, $0x9;
	v3 =	vnsel vm9, $0x0, v47  }
0xc4: {  	v5 =	vshll.u32 v49, $0x9;
	v62 =	vnsel vm11, $0x0, v53;
	v18 =	vshll.u32 v57, $0x9  }
0xc5: {  	v29 =	vld [tilespmem:$0x670];
	v4 =	vnsel vm13, $0x0, v58;
	v22 =	vshll.u32 v60, $0x9;
	v24 =	vnsel vm15, $0x0, v61  }
0xc6: {  	v9 =	vshll.u32 v63, $0x9;
	v28 =	vnsel vm5, $0x0, v19;
	v30 =	vshll.u32 v21, $0x9  }
0xc7: {  	v27 =	vld [tilespmem:$0x860];
	v33 =	vnsel vm7, $0x0, v23;
	vm9 =	vlt.s32 v56, v1;
	v2 =	vnsel vm8, $0x0, v2  }
0xc8: {  	v34 =	vshll.u32 v26, $0x9;
	v5 =	vnsel vm10, $0x0, v5;
	v2 =	vadd.s32 v3, v2  }
0xc9: {  	v31 =	vld [tilespmem:$0x870];
	vm11 =	vlt.s32 v59, v1;
	v20 =	vnsel vm12, $0x0, v18;
	v3 =	vadd.s32 v62, v5;
	[tilespmem:$0xA00] =	vst v2  }
0xca: {  	v36 =	vshll.u32 v29, $0x9;
	v25 =	vnsel vm14, $0x0, v22;
	v4 =	vadd.s32 v4, v20;
	[tilespmem:$0xA10] =	vst v3  }
0xcb: {  	v9 =	vnsel vm4, $0x0, v9;
	vm8 =	vlt.s32 v56, v0;
	v5 =	vadd.s32 v24, v25;
	[tilespmem:$0xA20] =	vst v4  }
0xcc: {  	v35 =	vnsel vm9, $0x0, v27;
	v32 =	vadd.s32 v28, v9;
	v2 =	vnsel vm6, $0x0, v30;
	[tilespmem:$0xA30] =	vst v5  }
0xcd: {  	vm10 =	vlt.s32 v59, v0;
	v4 =	vnsel vm8, $0x0, v34;
	[tilespmem:$0xA40] =	vst v32;
	v2 =	vadd.s32 v33, v2  }
0xce: {  	v38 =	vnsel vm11, $0x0, v31;
	v3 =	vnsel vm10, $0x0, v36;
	v37 =	vadd.s32 v35, v4;
	[tilespmem:$0xA50] =	vst v2  }
0xcf: {  	v39 =	vadd.s32 v38, v3;
	[tilespmem:$0xA60] =	vst v37  }
0xd0: {  	s18 =	simm.s32 $0x5;
	s16 =	simm.s32 $0xC00;
	s14 =	simm.s32 $0xA00;
	[tilespmem:$0xA70] =	vst v39  }
0xd1: {  	[tilespmem:s16], [sflag:$0x8] =	stream.indirect.gather [hbm4b:s7+s9], $0x1, s14, s9, $0xb8;
	[tilespmem:$0xD80] =	vst v63  }
0xd2: {  	_ =	swait.ge [sflag:s18], $0x80  }
0xd3: {  	[sflag:s18] =	ssyncset.done $0x0  }
0xd4: {  	[sflag:s18] =	ssyncadd.s32 $0xFFFFFF80  }
0xd5: {  	_ =	swait.ge [sflag:s18], $0x80  }
0xd6: {  	[sflag:s18] =	ssyncset.done $0x0  }
0xd7: {  	[sflag:s18] =	ssyncadd.s32 $0xFFFFFF80  }
0xd8: {  	v40 =	vld [tilespmem:$0x680]  }
0xd9: {  	v41 =	vld [tilespmem:$0x880]  }
0xda: {  	v43 =	vld [tilespmem:$0x690]  }
0xdb: {  	v47 =	vld [tilespmem:$0x890]  }
0xdc: {  	v51 =	vld [tilespmem:$0x6A0]  }
0xdd: {  	v44 =	vmov s15;
	v52 =	vld [tilespmem:$0x8A0]  }
0xde: {  	v45 =	vmov s20;
	v48 =	vmov s30;
	v50 =	vmov s4;
	v54 =	vld [tilespmem:$0x6B0]  }
0xdf: {  	v46 =	vmov s24;
	v49 =	vmov s5;
	v53 =	vmov s2;
	v55 =	vld [tilespmem:$0x8B0]  }
0xe0: {  	vm15 =	vlt.s32 v44, v1;
	vm5 =	vlt.s32 v45, v1;
	vm14 =	vlt.s32 v44, v0;
	v57 =	vld [tilespmem:$0x6C0]  }
0xe1: {  	vm4 =	vlt.s32 v45, v0;
	vm7 =	vlt.s32 v46, v1;
	vm9 =	vlt.s32 v48, v1;
	s19 =	rddreg [dreg:$0x9];
	v59 =	vld [tilespmem:$0x8C0]  }
0xe2: {  	vm11 =	vlt.s32 v49, v1;
	vm6 =	vlt.s32 v46, v0;
	v42 =	vmov s19;
	v61 =	vld [tilespmem:$0x6D0]  }
0xe3: {  	vm8 =	vlt.s32 v48, v0;
	vm10 =	vlt.s32 v49, v0;
	vm13 =	vlt.s32 v42, v1;
	v63 =	vld [tilespmem:$0x8D0]  }
0xe4: {  	vm12 =	vlt.s32 v42, v0;
	v2 =	vshll.u32 v40, $0x9;
	v3 =	vnsel vm13, $0x0, v41  }
0xe5: {  	v22 =	vld [tilespmem:$0x6F0];
	v5 =	vshll.u32 v43, $0x9;
	v56 =	vnsel vm15, $0x0, v47;
	v58 =	vshll.u32 v51, $0x9  }
0xe6: {  	v4 =	vnsel vm5, $0x0, v52;
	v62 =	vshll.u32 v54, $0x9;
	v17 =	vnsel vm7, $0x0, v55  }
0xe7: {  	v9 =	vshll.u32 v57, $0x9;
	v21 =	vnsel vm9, $0x0, v59;
	v23 =	vshll.u32 v61, $0x9  }
0xe8: {  	v24 =	vld [tilespmem:$0x8F0];
	v26 =	vnsel vm11, $0x0, v63;
	vm13 =	vlt.s32 v50, v1;
	v2 =	vnsel vm12, $0x0, v2  }
0xe9: {  	v19 =	vld [tilespmem:$0x6E0];
	vm15 =	vlt.s32 v53, v1;
	v5 =	vnsel vm14, $0x0, v5;
	v2 =	vadd.s32 v3, v2  }
0xea: {  	v20 =	vld [tilespmem:$0x8E0];
	v29 =	vshll.u32 v22, $0x9;
	v60 =	vnsel vm4, $0x0, v58;
	v3 =	vadd.s32 v56, v5;
	[tilespmem:$0xA80] =	vst v2  }
0xeb: {  	v18 =	vnsel vm6, $0x0, v62;
	v9 =	vnsel vm8, $0x0, v9;
	v4 =	vadd.s32 v4, v60;
	[tilespmem:$0xA90] =	vst v3  }
0xec: {  	vm12 =	vlt.s32 v50, v0;
	vm14 =	vlt.s32 v53, v0;
	v5 =	vadd.s32 v17, v18;
	[tilespmem:$0xAA0] =	vst v4  }
0xed: {  	v31 =	vnsel vm15, $0x0, v24;
	v25 =	vadd.s32 v21, v9;
	v0 =	vnsel vm14, $0x0, v29;
	[tilespmem:$0xAB0] =	vst v5  }
0xee: {  	v27 =	vshll.u32 v19, $0x9;
	v2 =	vnsel vm10, $0x0, v23;
	[tilespmem:$0xAC0] =	vst v25;
	v0 =	vadd.s32 v31, v0  }
0xef: {  	v28 =	vnsel vm13, $0x0, v20;
	v4 =	vnsel vm12, $0x0, v27;
	v2 =	vadd.s32 v26, v2;
	[tilespmem:$0xAF0] =	vst v0  }
0xf0: {  	s21 =	simm.s32 $0xC80;
	v30 =	vadd.s32 v28, v4;
	[tilespmem:$0xAD0] =	vst v2  }
0xf1: {  	s17 =	simm.s32 $0x80;
	s22 =	simm.s32 $0x6;
	s20 =	simm.s32 $0xA80;
	[tilespmem:$0xAE0] =	vst v30  }
0xf2: {  	[tilespmem:s21], [sflag:$0x9] =	stream.indirect.gather [hbm4b:s7+s17], $0x1, s20, s17, $0xb8;
	[tilespmem:$0xD80] =	vst v63  }
0xf3: {  	_ =	swait.ge [sflag:s22], $0x80  }
0xf4: {  	[sflag:s22] =	ssyncset.done $0x0  }
0xf5: {  	[sflag:s22] =	ssyncadd.s32 $0xFFFFFF80  }
0xf6: {  	v32 =	vld [tilespmem:$0xB00];
	_ =	sdelay $0x1  }
0xf7: {  	v33 =	vld [tilespmem:$0xB10];
	_ =	sdelay $0x1  }
0xf8: {  	v34 =	vld [tilespmem:$0xB20]  }
0xf9: {  	v0 =	vadd.f32 $0.0e+00, v32  }
0xfa: {  	v35 =	vld [tilespmem:$0xB30]  }
0xfb: {  	v0 =	vadd.f32 v33, v0  }
0xfc: {  	v36 =	vld [tilespmem:$0xB40]  }
0xfd: {  	v0 =	vadd.f32 v34, v0  }
0xfe: {  	v37 =	vld [tilespmem:$0xB50]  }
0xff: {  	v0 =	vadd.f32 v35, v0  }
0x100: {  	s23 =	simm.s32 $0x7;
	v38 =	vld [tilespmem:$0xB60]  }
0x101: {  	v39 =	vld [tilespmem:$0xB70];
	_ =	swait.ge [sflag:s23], $0x80;
	v0 =	vadd.f32 v36, v0  }
0x102: {  	[sflag:s23] =	ssyncset.done $0x0  }
0x103: {  	[sflag:s23] =	ssyncadd.s32 $0xFFFFFF80;
	v0 =	vadd.f32 v37, v0  }
0x104: {  	v40 =	vld [tilespmem:$0xB80]  }
0x105: {  	v0 =	vadd.f32 v38, v0  }
0x106: {  	v41 =	vld [tilespmem:$0xB90]  }
0x107: {  	v0 =	vadd.f32 v39, v0  }
0x108: {  	v42 =	vld [tilespmem:$0xBA0]  }
0x109: {  	v0 =	vadd.f32 v40, v0  }
0x10a: {  	v43 =	vld [tilespmem:$0xBB0]  }
0x10b: {  	v0 =	vadd.f32 v41, v0  }
0x10c: {  	v44 =	vld [tilespmem:$0xBC0]  }
0x10d: {  	v0 =	vadd.f32 v42, v0  }
0x10e: {  	v45 =	vld [tilespmem:$0xBD0]  }
0x10f: {  	v0 =	vadd.f32 v43, v0  }
0x110: {  	s24 =	simm.s32 $0x8;
	v46 =	vld [tilespmem:$0xBE0]  }
0x111: {  	v47 =	vld [tilespmem:$0xBF0];
	_ =	swait.ge [sflag:s24], $0x80;
	v0 =	vadd.f32 v44, v0  }
0x112: {  	[sflag:s24] =	ssyncset.done $0x0  }
0x113: {  	[sflag:s24] =	ssyncadd.s32 $0xFFFFFF80;
	v0 =	vadd.f32 v45, v0  }
0x114: {  	v48 =	vld [tilespmem:$0xC00]  }
0x115: {  	v0 =	vadd.f32 v46, v0  }
0x116: {  	v49 =	vld [tilespmem:$0xC10]  }
0x117: {  	v0 =	vadd.f32 v47, v0  }
0x118: {  	v50 =	vld [tilespmem:$0xC20]  }
0x119: {  	v0 =	vadd.f32 v48, v0  }
0x11a: {  	v51 =	vld [tilespmem:$0xC30]  }
0x11b: {  	v0 =	vadd.f32 v49, v0  }
0x11c: {  	v52 =	vld [tilespmem:$0xC40]  }
0x11d: {  	v0 =	vadd.f32 v50, v0  }
0x11e: {  	v53 =	vld [tilespmem:$0xC50]  }
0x11f: {  	v0 =	vadd.f32 v51, v0  }
0x120: {  	s25 =	simm.s32 $0x9;
	v54 =	vld [tilespmem:$0xC60]  }
0x121: {  	v55 =	vld [tilespmem:$0xC70];
	_ =	swait.ge [sflag:s25], $0x80;
	v0 =	vadd.f32 v52, v0  }
0x122: {  	[sflag:s25] =	ssyncset.done $0x0  }
0x123: {  	[sflag:s25] =	ssyncadd.s32 $0xFFFFFF80;
	v0 =	vadd.f32 v53, v0  }
0x124: {  	v56 =	vld [tilespmem:$0xC80]  }
0x125: {  	v0 =	vadd.f32 v54, v0  }
0x126: {  	v57 =	vld [tilespmem:$0xC90]  }
0x127: {  	v0 =	vadd.f32 v55, v0  }
0x128: {  	v58 =	vld [tilespmem:$0xCA0]  }
0x129: {  	v0 =	vadd.f32 v56, v0  }
0x12a: {  	v59 =	vld [tilespmem:$0xCB0]  }
0x12b: {  	v0 =	vadd.f32 v57, v0  }
0x12c: {  	v60 =	vld [tilespmem:$0xCC0]  }
0x12d: {  	v0 =	vadd.f32 v58, v0  }
0x12e: {  	v61 =	vld [tilespmem:$0xCD0]  }
0x12f: {  	v0 =	vadd.f32 v59, v0  }
0x130: {  	v62 =	vld [tilespmem:$0xCE0]  }
0x131: {  	v0 =	vadd.f32 v60, v0  }
0x132: {  	v63 =	vld [tilespmem:$0xCF0]  }
0x133: {  	v0 =	vadd.f32 v61, v0;
	_ =	sdelay $0x1  }
0x134: {  	s26 =	stileid.u32;
	v0 =	vadd.f32 v62, v0  }
0x135: {  	s28 =	sshll.u32 s26, $0x4  }
0x136: {  	s0 =	sadd.s32 s28, s13;
	v0 =	vadd.f32 v63, v0  }
0x137: {  	s0 =	sadd.s32 $0x8600, s0  }
0x138: {  	s31 =	simm.s32 $0xA;
	s29 =	simm.s32 $0xD00;
	s30 =	simm.s32 $0x0;
	[tilespmem:$0xD00] =	vst v0  }
0x139: {  	[hbm4b:s0+s30] =	stream.linear.scatter [tilespmem:s29], [sflag:$0xA], $0x80, $0x38;
	[tilespmem:$0xD80] =	vst v63  }
0x13a: {  	_ =	swait.ge [sflag:s31], $0x80  }
0x13b: {  	[sflag:s31] =	ssyncset.done $0x0  }
0x13c: {  	[sflag:s31] =	ssyncadd.s32 $0xFFFFFF80  }
0x13d: {  	_ =	sfence.sel $0x180000  }
0x13e: {  	[bflag:$0x0] =	sbarrier.arrive $0xFFFF  }
0x13f: {  	_ =	strace $0x90000047  }
0x140: {  	[bflag:$0x2] =	sbarrier.arrive $0xFFFF  }
0x141: {  	p0 =	sne.s32 s26, $0x0;
	s0 =	rddreg [dreg:$0x5]  }
0x142: {  	s0 =	sadd.s32 @!p0 $0x100000, s0  }
0x143: {  	[sflag:s0] =	ssyncadd.tile.s32 @!p0 $0x1;
	_ =	shalt  }
.Lfunc_end2:
_tile_overlayer_lowered:
.L_overlay_start_2:
0x144: {  	(tag) =	ssettag $0x2  }
0x145: {  	s0 =	rddreg [dreg:$0x0];
	s2 =	stileid.u32  }
0x146: {  	s1 =	rddreg [dreg:$0x1];
	p0 =	sne.s32 s2, $0x0  }
0x147: {  	s3 =	rddreg [dreg:$0x2];
	[bflag:$0x3] =	sbarrier.arrive $0xFFFF;
	s2 =	simm.s32 @!p0 $0x1C0A  }
0x148: {  	[timem:s3], [sflag:s2] =	dma.local @!p0 [hbm:s0], s1  }
0x149: {  	s0 =	simm.s32 @!p0 $0xA  }
0x14a: {  	_ =	swait.ge @!p0 [sflag:s0], s1  }
0x14b: {  	s1 =	ssub.s32 @!p0 $0x0, s1;
	[sflag:s0] =	ssyncset.done @!p0 $0x0  }
0x14c: {  	[sflag:s0] =	ssyncadd.s32 @!p0 s1  }
0x14d: {  	[bflag:$0x3] =	sbarrier.arrive $0xFFFF  }
0x14e: {  	_ =	shalt  }

</sc_bundles>
